<compile_context>
chip_gen: v7x
topology: tpu7x:2x2x1
jax: 0.10.2.dev20260603
libtpu: 0.0.44.dev20260713+nightly
codegen_flags: <defaults>
</compile_context>

<pallas_src>
import jax
import jax.numpy as jnp
from jax import lax
from jax.experimental import pallas as pl
from jax.experimental.pallas import tpu as pltpu
from jax.experimental.pallas import tpu_sc as plsc

N = 10000
D = 128
H = 64
E = 160000
WD = 72
NC, NS = 2, 16
CHUNK = 128
NB = 2
NBUF = 4
CPW = 80
IH = 10
E_PAD = NS * CPW * CHUNK
ROWS_SP = 10112
RPT = ROWS_SP // NS
NFULL = RPT // CHUNK
REM = RPT % CHUNK
BR = 1000
NPAD = 8


def _proj_body(xu_ref, xt_ref, wlp_ref, wll_ref, wrp_ref, wrl_ref,
               yu_ref, yt_ref, z_ref):
    dn = (((1,), (1,)), ((), ()))
    xu = xu_ref[...]
    xt = xt_ref[...]
    yu = lax.dot_general(xu, wlp_ref[...], dn, preferred_element_type=jnp.float32)
    yt = lax.dot_general(xt, wll_ref[...], dn, preferred_element_type=jnp.float32)
    z = lax.dot_general(xt, wrp_ref[...] + wrl_ref[...], dn,
                        preferred_element_type=jnp.float32)
    ext = (lax.broadcasted_iota(jnp.int32, (xu.shape[0], WD - H), 1) == 0
           ).astype(jnp.float32)
    yu_ref[...] = jnp.concatenate([yu, ext], axis=1)
    yt_ref[...] = jnp.concatenate([yt, ext], axis=1)
    z_ref[...] = z


def _chunked(base):
    for k in range(NFULL):
        yield base + k * CHUNK, CHUNK
    if REM:
        yield base + NFULL * CHUNK, REM


def _sc_body(yu_hbm, yt_hbm, sp_hbm, dp_hbm, sl_hbm, dl_hbm, zrow_hbm,
             out_hbm, ytab, agg, idx_s, idx_d, rows, sem, sem2):
    c = lax.axis_index("c")
    s = lax.axis_index("s")
    base = s * RPT
    descs = []
    for off, sz in _chunked(base):
        descs.append(pltpu.async_copy(zrow_hbm.at[pl.ds(0, sz)],
                                      agg.at[pl.ds(off, sz)], sem))
    for y_h, cc in ((yu_hbm, 0), (yt_hbm, 1)):
        @pl.when(c == cc)
        def _stage(y_h=y_h):
            for off, sz in _chunked(base):
                pltpu.async_copy(y_h.at[pl.ds(off, sz)],
                                 ytab.at[pl.ds(off, sz)], sem).wait()
    for d_ in descs:
        d_.wait()
    del descs
    plsc.subcore_barrier()
    for src_h, dst_h, cc in ((sp_hbm, dp_hbm, 0), (sl_hbm, dl_hbm, 1)):
        @pl.when(c == cc)
        def _edges(src_h=src_h, dst_h=dst_h):
            def _phase(ph, carry):
                pltpu.sync_copy(src_h.at[s, pl.ds(ph * IH, IH)], idx_s)
                pltpu.sync_copy(dst_h.at[s, pl.ds(ph * IH, IH)], idx_d)
                gd = {b: pltpu.async_copy(ytab.at[idx_s.at[b]], rows.at[b],
                                          sem)
                      for b in range(2)}
                sd = {}
                for j in range(IH):
                    gd[j].wait()
                    sd[j] = pltpu.async_copy(rows.at[j % NBUF],
                                             agg.at[idx_d.at[j]], sem2,
                                             add=True)
                    if j >= 2:
                        sd[j - 2].wait()
                    if j + 2 < IH:
                        gd[j + 2] = pltpu.async_copy(
                            ytab.at[idx_s.at[j + 2]],
                            rows.at[(j + 2) % NBUF], sem)
                sd[IH - 2].wait()
                sd[IH - 1].wait()
                return carry

            lax.fori_loop(0, CPW // IH, _phase, 0)
    plsc.subcore_barrier()
    wdescs = [
        pltpu.async_copy(agg.at[pl.ds(off, sz)],
                         out_hbm.at[c, pl.ds(off, sz)], sem)
        for off, sz in _chunked(base)
    ]
    for d_ in wdescs:
        d_.wait()


def _post_body(parts_ref, z_ref, bsum_ref, wout_ref, bout_ref, tx_ref, lg_ref):
    p = parts_ref[...]
    sp = p[0]
    sl = p[1]
    mp = sp[:, :H] / jnp.maximum(sp[:, H:H + 1], 1.0)
    ml = sl[:, :H] / jnp.maximum(sl[:, H:H + 1], 1.0)
    h = jnp.maximum((mp + ml + z_ref[...] + bsum_ref[...]) * 0.5, 0.0)
    tx_ref[...] = h
    dn = (((1,), (1,)), ((), ()))
    full = lax.dot_general(h, wout_ref[...], dn,
                           preferred_element_type=jnp.float32) + bout_ref[0]
    lg_ref[...] = full[:, :1]


def _prep_edges(ei):
    ei = ei.astype(jnp.int32)
    pad_s = jnp.zeros((E_PAD - E,), jnp.int32)
    pad_d = jnp.full((E_PAD - E,), N, jnp.int32)
    src = jnp.concatenate([ei[0], pad_s]).reshape(NS, CPW, CHUNK)
    dst = jnp.concatenate([ei[1], pad_d]).reshape(NS, CPW, CHUNK)
    return src, dst


def kernel(x_user, x_transaction, edge_index_pays, edge_index_paid_by,
           edge_index_linked, Wl_pays, bl_pays, Wr_pays, Wl_paid_by,
           bl_paid_by, Wr_paid_by, Wl_linked, bl_linked, Wr_linked,
           W_out, b_out):
    f32 = jnp.float32
    grid = N // BR

    yu, yt, z = pl.pallas_call(
        _proj_body,
        grid=(grid,),
        in_specs=[
            pl.BlockSpec((BR, D), lambda i: (i, 0)),
            pl.BlockSpec((BR, D), lambda i: (i, 0)),
            pl.BlockSpec((H, D), lambda i: (0, 0)),
            pl.BlockSpec((H, D), lambda i: (0, 0)),
            pl.BlockSpec((H, D), lambda i: (0, 0)),
            pl.BlockSpec((H, D), lambda i: (0, 0)),
        ],
        out_specs=[
            pl.BlockSpec((BR, WD), lambda i: (i, 0)),
            pl.BlockSpec((BR, WD), lambda i: (i, 0)),
            pl.BlockSpec((BR, H), lambda i: (i, 0)),
        ],
        out_shape=[
            jax.ShapeDtypeStruct((ROWS_SP, WD), f32),
            jax.ShapeDtypeStruct((ROWS_SP, WD), f32),
            jax.ShapeDtypeStruct((N, H), f32),
        ],
    )(x_user.astype(f32), x_transaction.astype(f32),
      Wl_pays, Wl_linked, Wr_pays, Wr_linked)

    sp_, dp_ = _prep_edges(edge_index_pays)
    sl_, dl_ = _prep_edges(edge_index_linked)
    zrow = jnp.zeros((CHUNK, WD), f32)

    mesh = plsc.VectorSubcoreMesh(core_axis_name="c", subcore_axis_name="s",
                                  num_cores=NC, num_subcores=NS)
    parts = pl.kernel(
        _sc_body,
        jax.ShapeDtypeStruct((NC, ROWS_SP, WD), f32),
        mesh=mesh,
        scratch_types=[
            pltpu.VMEM_SHARED((ROWS_SP, WD), f32),
            pltpu.VMEM_SHARED((ROWS_SP, WD), f32),
            pltpu.VMEM((IH, CHUNK), jnp.int32),
            pltpu.VMEM((IH, CHUNK), jnp.int32),
            pltpu.VMEM((NBUF, CHUNK, WD), f32),
            pltpu.SemaphoreType.DMA,
            pltpu.SemaphoreType.DMA,
        ],
        compiler_params=pltpu.CompilerParams(use_tc_tiling_on_sc=False),
    )(yu, yt, sp_, dp_, sl_, dl_, zrow)

    tx, lg = pl.pallas_call(
        _post_body,
        grid=(grid,),
        in_specs=[
            pl.BlockSpec((NC, BR, WD), lambda i: (0, i, 0)),
            pl.BlockSpec((BR, H), lambda i: (i, 0)),
            pl.BlockSpec((1, H), lambda i: (0, 0)),
            pl.BlockSpec((NPAD, H), lambda i: (0, 0)),
            pl.BlockSpec(memory_space=pltpu.SMEM),
        ],
        out_specs=[
            pl.BlockSpec((BR, H), lambda i: (i, 0)),
            pl.BlockSpec((BR, 1), lambda i: (i, 0)),
        ],
        out_shape=[
            jax.ShapeDtypeStruct((N, H), f32),
            jax.ShapeDtypeStruct((N, 1), f32),
        ],
    )(parts, z, (bl_pays + bl_linked).reshape(1, H),
      jnp.zeros((NPAD, H), f32).at[0].set(W_out[0]), b_out)

    return lg.reshape(N), tx

# --- scband reference (transcript-rebuilt; emitter-appended) ---
"""Pipeline reference for scband-fraud-gnn-31963146616897 (READ-ONLY COPY).

The authoritative reference and input builder live on the scoring server;
editing this copy changes nothing except your own understanding.
"""

import jax, jax.numpy as jnp
import numpy as np

N_USER = 10000
N_TX = 10000
D = 128
H = 64
E = 160000

def setup_inputs(seed: int = 0) -> dict:
    key = jax.random.key(seed)
    ks = jax.random.split(key, 16)
    s_in = 1.0 / np.sqrt(D)
    s_h = 1.0 / np.sqrt(H)
    inp = {}
    inp["x_user"] = jax.random.normal(ks[0], (N_USER, D), dtype=jnp.float32)
    inp["x_transaction"] = jax.random.normal(ks[1], (N_TX, D), dtype=jnp.float32)
    inp["edge_index_pays"] = jax.random.randint(ks[2], (2, E), 0, N_TX, dtype=jnp.int64)
    inp["edge_index_paid_by"] = jax.random.randint(ks[3], (2, E), 0, N_USER, dtype=jnp.int64)
    inp["edge_index_linked"] = jax.random.randint(ks[4], (2, E), 0, N_TX, dtype=jnp.int64)
    inp["Wl_pays"] = jax.random.uniform(ks[5], (H, D), jnp.float32, -s_in, s_in)
    inp["bl_pays"] = jnp.zeros((H,), jnp.float32)
    inp["Wr_pays"] = jax.random.uniform(ks[6], (H, D), jnp.float32, -s_in, s_in)
    inp["Wl_paid_by"] = jax.random.uniform(ks[7], (H, D), jnp.float32, -s_in, s_in)
    inp["bl_paid_by"] = jnp.zeros((H,), jnp.float32)
    inp["Wr_paid_by"] = jax.random.uniform(ks[8], (H, D), jnp.float32, -s_in, s_in)
    inp["Wl_linked"] = jax.random.uniform(ks[9], (H, D), jnp.float32, -s_in, s_in)
    inp["bl_linked"] = jnp.zeros((H,), jnp.float32)
    inp["Wr_linked"] = jax.random.uniform(ks[10], (H, D), jnp.float32, -s_in, s_in)
    inp["W_out"] = jax.random.uniform(ks[11], (1, H), jnp.float32, -s_h, s_h)
    inp["b_out"] = jnp.zeros((1,), jnp.float32)
    return inp

def _segment_mean(msg, dst, num_segments):
    s = jax.ops.segment_sum(msg, dst, num_segments=num_segments)
    c = jax.ops.segment_sum(jnp.ones((msg.shape[0],), msg.dtype), dst, num_segments=num_segments)
    return s / jnp.clip(c, 1.0)[:, None]

def _sage_conv(x_src, x_dst, edge_index, Wl, bl, Wr):
    src = edge_index[0]
    dst = edge_index[1]
    msg = jnp.take(x_src, src, axis=0)
    agg = _segment_mean(msg, dst, x_dst.shape[0])
    return agg @ Wl.T + bl + x_dst @ Wr.T

def reference(x_user, x_transaction, edge_index_pays, edge_index_paid_by, edge_index_linked,
              Wl_pays, bl_pays, Wr_pays, Wl_paid_by, bl_paid_by, Wr_paid_by,
              Wl_linked, bl_linked, Wr_linked, W_out, b_out):
    # HeteroConv({edge_type: SAGEConv((-1,-1), H)}, aggr='mean')
    tx_from_pays = _sage_conv(x_user, x_transaction, edge_index_pays, Wl_pays, bl_pays, Wr_pays)
    tx_from_linked = _sage_conv(x_transaction, x_transaction, edge_index_linked, Wl_linked, bl_linked, Wr_linked)
    user_from_paid_by = _sage_conv(x_transaction, x_user, edge_index_paid_by, Wl_paid_by, bl_paid_by, Wr_paid_by)
    # group aggregation 'mean' over edge types per destination node type
    tx_h = (tx_from_pays + tx_from_linked) / 2.0
    user_h = user_from_paid_by
    # relu over every node type
    tx_h = jax.nn.relu(tx_h)
    user_h = jax.nn.relu(user_h)
    tx_x = tx_h
    logits = (tx_x @ W_out.T + b_out).squeeze(-1)
    return (logits, tx_x)

if __name__ == "__main__":
    import jax
    _d = setup_inputs()
    print(jax.jit(kernel)(*tuple(_d.values())))

</pallas_src>

<mosaic_0001>
#map = affine_map<(d0, d1) -> (0, 0)>
#map1 = affine_map<(d0, d1) -> (0, 0, 0)>
module attributes {stable_mosaic.version = 14 : i64} {
  func.func @_sc_body(%arg0: i32, %arg1: i32, %arg2: memref<10112x72xf32, #tpu.memory_space<hbm>>, %arg3: memref<10112x72xf32, #tpu.memory_space<hbm>>, %arg4: memref<16x80x128xi32, #tpu.memory_space<hbm>>, %arg5: memref<16x80x128xi32, #tpu.memory_space<hbm>>, %arg6: memref<16x80x128xi32, #tpu.memory_space<hbm>>, %arg7: memref<16x80x128xi32, #tpu.memory_space<hbm>>, %arg8: memref<128x72xf32, #tpu.memory_space<hbm>>, %arg9: memref<2x10112x72xf32, #tpu.memory_space<hbm>>, %arg10: memref<10112x72xf32, #tpu.memory_space<vmem_shared>>, %arg11: memref<10112x72xf32, #tpu.memory_space<vmem_shared>>, %arg12: memref<10x128xi32, #tpu.memory_space<vmem>>, %arg13: memref<10x128xi32, #tpu.memory_space<vmem>>, %arg14: memref<4x128x72xf32, #tpu.memory_space<vmem>>, %arg15: memref<!tpu.dma_semaphore, #tpu.memory_space<semaphore_mem>>, %arg16: memref<!tpu.dma_semaphore, #tpu.memory_space<semaphore_mem>>) attributes {dimension_semantics = [#tpu.dimension_semantics<core_parallel>, #tpu.dimension_semantics<subcore_parallel>], iteration_bounds = array<i64: 2, 16>, scalar_prefetch = 0 : i64, scratch_operands = 7 : i64, tpu.core_type = #tpu.core_type<sc_vector_subcore>, window_params = [{transform_indices = #map}, {transform_indices = #map}, {transform_indices = #map1}, {transform_indices = #map1}, {transform_indices = #map1}, {transform_indices = #map1}, {transform_indices = #map}, {transform_indices = #map1}]} {
    %mul3A = arith.constant 632 : i32
    %mul3A_0 = arith.muli %arg1, %mul3A : i32
    %add3A = arith.constant 0 : i32
    %add3A_1 = arith.addi %mul3A_0, %add3A : i32
    %dma_start3A = arith.constant 0 : i32
    %dma_start3A_2 = tpu.memref_slice %arg11[%add3A_1, %dma_start3A] : memref<10112x72xf32, #tpu.memory_space<vmem_shared>> -> memref<128x72xf32, #tpu.memory_space<vmem_shared>>
    %dma_start3A_3 = arith.constant 0 : i32
    %dma_start3A_4 = arith.constant 0 : i32
    %dma_start3A_5 = tpu.memref_slice %arg8[%dma_start3A_3, %dma_start3A_4] : memref<128x72xf32, #tpu.memory_space<hbm>> -> memref<128x72xf32, #tpu.memory_space<hbm>>
    tpu.enqueue_dma source(%dma_start3A_5 : memref<128x72xf32, #tpu.memory_space<hbm>>) target(%dma_start3A_2 : memref<128x72xf32, #tpu.memory_space<vmem_shared>>) target_semaphore(%arg15 : memref<!tpu.dma_semaphore, #tpu.memory_space<semaphore_mem>>)
    %add3A_6 = arith.constant 128 : i32
    %add3A_7 = arith.addi %mul3A_0, %add3A_6 : i32
    %dma_start3A_8 = arith.constant 0 : i32
    %dma_start3A_9 = tpu.memref_slice %arg11[%add3A_7, %dma_start3A_8] : memref<10112x72xf32, #tpu.memory_space<vmem_shared>> -> memref<128x72xf32, #tpu.memory_space<vmem_shared>>
    %dma_start3A_10 = arith.constant 0 : i32
    %dma_start3A_11 = arith.constant 0 : i32
    %dma_start3A_12 = tpu.memref_slice %arg8[%dma_start3A_10, %dma_start3A_11] : memref<128x72xf32, #tpu.memory_space<hbm>> -> memref<128x72xf32, #tpu.memory_space<hbm>>
    tpu.enqueue_dma source(%dma_start3A_12 : memref<128x72xf32, #tpu.memory_space<hbm>>) target(%dma_start3A_9 : memref<128x72xf32, #tpu.memory_space<vmem_shared>>) target_semaphore(%arg15 : memref<!tpu.dma_semaphore, #tpu.memory_space<semaphore_mem>>)
    %add3A_13 = arith.constant 256 : i32
    %add3A_14 = arith.addi %mul3A_0, %add3A_13 : i32
    %dma_start3A_15 = arith.constant 0 : i32
    %dma_start3A_16 = tpu.memref_slice %arg11[%add3A_14, %dma_start3A_15] : memref<10112x72xf32, #tpu.memory_space<vmem_shared>> -> memref<128x72xf32, #tpu.memory_space<vmem_shared>>
    %dma_start3A_17 = arith.constant 0 : i32
    %dma_start3A_18 = arith.constant 0 : i32
    %dma_start3A_19 = tpu.memref_slice %arg8[%dma_start3A_17, %dma_start3A_18] : memref<128x72xf32, #tpu.memory_space<hbm>> -> memref<128x72xf32, #tpu.memory_space<hbm>>
    tpu.enqueue_dma source(%dma_start3A_19 : memref<128x72xf32, #tpu.memory_space<hbm>>) target(%dma_start3A_16 : memref<128x72xf32, #tpu.memory_space<vmem_shared>>) target_semaphore(%arg15 : memref<!tpu.dma_semaphore, #tpu.memory_space<semaphore_mem>>)
    %add3A_20 = arith.constant 384 : i32
    %add3A_21 = arith.addi %mul3A_0, %add3A_20 : i32
    %dma_start3A_22 = arith.constant 0 : i32
    %dma_start3A_23 = tpu.memref_slice %arg11[%add3A_21, %dma_start3A_22] : memref<10112x72xf32, #tpu.memory_space<vmem_shared>> -> memref<128x72xf32, #tpu.memory_space<vmem_shared>>
    %dma_start3A_24 = arith.constant 0 : i32
    %dma_start3A_25 = arith.constant 0 : i32
    %dma_start3A_26 = tpu.memref_slice %arg8[%dma_start3A_24, %dma_start3A_25] : memref<128x72xf32, #tpu.memory_space<hbm>> -> memref<128x72xf32, #tpu.memory_space<hbm>>
    tpu.enqueue_dma source(%dma_start3A_26 : memref<128x72xf32, #tpu.memory_space<hbm>>) target(%dma_start3A_23 : memref<128x72xf32, #tpu.memory_space<vmem_shared>>) target_semaphore(%arg15 : memref<!tpu.dma_semaphore, #tpu.memory_space<semaphore_mem>>)
    %add3A_27 = arith.constant 512 : i32
    %add3A_28 = arith.addi %mul3A_0, %add3A_27 : i32
    %dma_start3A_29 = arith.constant 0 : i32
    %dma_start3A_30 = tpu.memref_slice %arg11[%add3A_28, %dma_start3A_29] : memref<10112x72xf32, #tpu.memory_space<vmem_shared>> -> memref<120x72xf32, #tpu.memory_space<vmem_shared>>
    %dma_start3A_31 = arith.constant 0 : i32
    %dma_start3A_32 = arith.constant 0 : i32
    %dma_start3A_33 = tpu.memref_slice %arg8[%dma_start3A_31, %dma_start3A_32] : memref<128x72xf32, #tpu.memory_space<hbm>> -> memref<120x72xf32, #tpu.memory_space<hbm>>
    tpu.enqueue_dma source(%dma_start3A_33 : memref<120x72xf32, #tpu.memory_space<hbm>>) target(%dma_start3A_30 : memref<120x72xf32, #tpu.memory_space<vmem_shared>>) target_semaphore(%arg15 : memref<!tpu.dma_semaphore, #tpu.memory_space<semaphore_mem>>)
    %eq3A = arith.constant 0 : i32
    %eq3A_34 = arith.cmpi eq, %arg0, %eq3A : i32
    %convert_element_type3A = arith.extui %eq3A_34 : i1 to i32
    %cond3A = arith.constant 0 : i32
    %cond3A_35 = arith.cmpi ne, %convert_element_type3A, %cond3A : i32
    scf.if %cond3A_35 {
      %add3A_136 = arith.constant 0 : i32
      %add3A_137 = arith.addi %mul3A_0, %add3A_136 : i32
      %dma_start3A_138 = arith.constant 0 : i32
      %dma_start3A_139 = tpu.memref_slice %arg10[%add3A_137, %dma_start3A_138] : memref<10112x72xf32, #tpu.memory_space<vmem_shared>> -> memref<128x72xf32, #tpu.memory_space<vmem_shared>>
      %dma_start3A_140 = arith.constant 0 : i32
      %dma_start3A_141 = tpu.memref_slice %arg2[%add3A_137, %dma_start3A_140] : memref<10112x72xf32, #tpu.memory_space<hbm>> -> memref<128x72xf32, #tpu.memory_space<hbm>>
      tpu.enqueue_dma source(%dma_start3A_141 : memref<128x72xf32, #tpu.memory_space<hbm>>) target(%dma_start3A_139 : memref<128x72xf32, #tpu.memory_space<vmem_shared>>) target_semaphore(%arg15 : memref<!tpu.dma_semaphore, #tpu.memory_space<semaphore_mem>>)
      %dma_wait3A_142 = arith.constant 0 : i32
      %dma_wait3A_143 = tpu.memref_slice %arg10[%add3A_137, %dma_wait3A_142] : memref<10112x72xf32, #tpu.memory_space<vmem_shared>> -> memref<128x72xf32, #tpu.memory_space<vmem_shared>>
      %dma_wait3A_144 = arith.constant 0 : i32
      %dma_wait3A_145 = tpu.memref_slice %arg2[%add3A_137, %dma_wait3A_144] : memref<10112x72xf32, #tpu.memory_space<hbm>> -> memref<128x72xf32, #tpu.memory_space<hbm>>
      tpu.wait_dma2 semaphore(%arg15 : memref<!tpu.dma_semaphore, #tpu.memory_space<semaphore_mem>>) src(%dma_wait3A_145 : memref<128x72xf32, #tpu.memory_space<hbm>>) dst(%dma_wait3A_143 : memref<128x72xf32, #tpu.memory_space<vmem_shared>>)
      %add3A_146 = arith.constant 128 : i32
      %add3A_147 = arith.addi %mul3A_0, %add3A_146 : i32
      %dma_start3A_148 = arith.constant 0 : i32
      %dma_start3A_149 = tpu.memref_slice %arg10[%add3A_147, %dma_start3A_148] : memref<10112x72xf32, #tpu.memory_space<vmem_shared>> -> memref<128x72xf32, #tpu.memory_space<vmem_shared>>
      %dma_start3A_150 = arith.constant 0 : i32
      %dma_start3A_151 = tpu.memref_slice %arg2[%add3A_147, %dma_start3A_150] : memref<10112x72xf32, #tpu.memory_space<hbm>> -> memref<128x72xf32, #tpu.memory_space<hbm>>
      tpu.enqueue_dma source(%dma_start3A_151 : memref<128x72xf32, #tpu.memory_space<hbm>>) target(%dma_start3A_149 : memref<128x72xf32, #tpu.memory_space<vmem_shared>>) target_semaphore(%arg15 : memref<!tpu.dma_semaphore, #tpu.memory_space<semaphore_mem>>)
      %dma_wait3A_152 = arith.constant 0 : i32
      %dma_wait3A_153 = tpu.memref_slice %arg10[%add3A_147, %dma_wait3A_152] : memref<10112x72xf32, #tpu.memory_space<vmem_shared>> -> memref<128x72xf32, #tpu.memory_space<vmem_shared>>
      %dma_wait3A_154 = arith.constant 0 : i32
      %dma_wait3A_155 = tpu.memref_slice %arg2[%add3A_147, %dma_wait3A_154] : memref<10112x72xf32, #tpu.memory_space<hbm>> -> memref<128x72xf32, #tpu.memory_space<hbm>>
      tpu.wait_dma2 semaphore(%arg15 : memref<!tpu.dma_semaphore, #tpu.memory_space<semaphore_mem>>) src(%dma_wait3A_155 : memref<128x72xf32, #tpu.memory_space<hbm>>) dst(%dma_wait3A_153 : memref<128x72xf32, #tpu.memory_space<vmem_shared>>)
      %add3A_156 = arith.constant 256 : i32
      %add3A_157 = arith.addi %mul3A_0, %add3A_156 : i32
      %dma_start3A_158 = arith.constant 0 : i32
      %dma_start3A_159 = tpu.memref_slice %arg10[%add3A_157, %dma_start3A_158] : memref<10112x72xf32, #tpu.memory_space<vmem_shared>> -> memref<128x72xf32, #tpu.memory_space<vmem_shared>>
      %dma_start3A_160 = arith.constant 0 : i32
      %dma_start3A_161 = tpu.memref_slice %arg2[%add3A_157, %dma_start3A_160] : memref<10112x72xf32, #tpu.memory_space<hbm>> -> memref<128x72xf32, #tpu.memory_space<hbm>>
      tpu.enqueue_dma source(%dma_start3A_161 : memref<128x72xf32, #tpu.memory_space<hbm>>) target(%dma_start3A_159 : memref<128x72xf32, #tpu.memory_space<vmem_shared>>) target_semaphore(%arg15 : memref<!tpu.dma_semaphore, #tpu.memory_space<semaphore_mem>>)
      %dma_wait3A_162 = arith.constant 0 : i32
      %dma_wait3A_163 = tpu.memref_slice %arg10[%add3A_157, %dma_wait3A_162] : memref<10112x72xf32, #tpu.memory_space<vmem_shared>> -> memref<128x72xf32, #tpu.memory_space<vmem_shared>>
      %dma_wait3A_164 = arith.constant 0 : i32
      %dma_wait3A_165 = tpu.memref_slice %arg2[%add3A_157, %dma_wait3A_164] : memref<10112x72xf32, #tpu.memory_space<hbm>> -> memref<128x72xf32, #tpu.memory_space<hbm>>
      tpu.wait_dma2 semaphore(%arg15 : memref<!tpu.dma_semaphore, #tpu.memory_space<semaphore_mem>>) src(%dma_wait3A_165 : memref<128x72xf32, #tpu.memory_space<hbm>>) dst(%dma_wait3A_163 : memref<128x72xf32, #tpu.memory_space<vmem_shared>>)
      %add3A_166 = arith.constant 384 : i32
      %add3A_167 = arith.addi %mul3A_0, %add3A_166 : i32
      %dma_start3A_168 = arith.constant 0 : i32
      %dma_start3A_169 = tpu.memref_slice %arg10[%add3A_167, %dma_start3A_168] : memref<10112x72xf32, #tpu.memory_space<vmem_shared>> -> memref<128x72xf32, #tpu.memory_space<vmem_shared>>
      %dma_start3A_170 = arith.constant 0 : i32
      %dma_start3A_171 = tpu.memref_slice %arg2[%add3A_167, %dma_start3A_170] : memref<10112x72xf32, #tpu.memory_space<hbm>> -> memref<128x72xf32, #tpu.memory_space<hbm>>
      tpu.enqueue_dma source(%dma_start3A_171 : memref<128x72xf32, #tpu.memory_space<hbm>>) target(%dma_start3A_169 : memref<128x72xf32, #tpu.memory_space<vmem_shared>>) target_semaphore(%arg15 : memref<!tpu.dma_semaphore, #tpu.memory_space<semaphore_mem>>)
      %dma_wait3A_172 = arith.constant 0 : i32
      %dma_wait3A_173 = tpu.memref_slice %arg10[%add3A_167, %dma_wait3A_172] : memref<10112x72xf32, #tpu.memory_space<vmem_shared>> -> memref<128x72xf32, #tpu.memory_space<vmem_shared>>
      %dma_wait3A_174 = arith.constant 0 : i32
      %dma_wait3A_175 = tpu.memref_slice %arg2[%add3A_167, %dma_wait3A_174] : memref<10112x72xf32, #tpu.memory_space<hbm>> -> memref<128x72xf32, #tpu.memory_space<hbm>>
      tpu.wait_dma2 semaphore(%arg15 : memref<!tpu.dma_semaphore, #tpu.memory_space<semaphore_mem>>) src(%dma_wait3A_175 : memref<128x72xf32, #tpu.memory_space<hbm>>) dst(%dma_wait3A_173 : memref<128x72xf32, #tpu.memory_space<vmem_shared>>)
      %add3A_176 = arith.constant 512 : i32
      %add3A_177 = arith.addi %mul3A_0, %add3A_176 : i32
      %dma_start3A_178 = arith.constant 0 : i32
      %dma_start3A_179 = tpu.memref_slice %arg10[%add3A_177, %dma_start3A_178] : memref<10112x72xf32, #tpu.memory_space<vmem_shared>> -> memref<120x72xf32, #tpu.memory_space<vmem_shared>>
      %dma_start3A_180 = arith.constant 0 : i32
      %dma_start3A_181 = tpu.memref_slice %arg2[%add3A_177, %dma_start3A_180] : memref<10112x72xf32, #tpu.memory_space<hbm>> -> memref<120x72xf32, #tpu.memory_space<hbm>>
      tpu.enqueue_dma source(%dma_start3A_181 : memref<120x72xf32, #tpu.memory_space<hbm>>) target(%dma_start3A_179 : memref<120x72xf32, #tpu.memory_space<vmem_shared>>) target_semaphore(%arg15 : memref<!tpu.dma_semaphore, #tpu.memory_space<semaphore_mem>>)
      %dma_wait3A_182 = arith.constant 0 : i32
      %dma_wait3A_183 = tpu.memref_slice %arg10[%add3A_177, %dma_wait3A_182] : memref<10112x72xf32, #tpu.memory_space<vmem_shared>> -> memref<120x72xf32, #tpu.memory_space<vmem_shared>>
      %dma_wait3A_184 = arith.constant 0 : i32
      %dma_wait3A_185 = tpu.memref_slice %arg2[%add3A_177, %dma_wait3A_184] : memref<10112x72xf32, #tpu.memory_space<hbm>> -> memref<120x72xf32, #tpu.memory_space<hbm>>
      tpu.wait_dma2 semaphore(%arg15 : memref<!tpu.dma_semaphore, #tpu.memory_space<semaphore_mem>>) src(%dma_wait3A_185 : memref<120x72xf32, #tpu.memory_space<hbm>>) dst(%dma_wait3A_183 : memref<120x72xf32, #tpu.memory_space<vmem_shared>>)
    } else {
    }
    %eq3A_36 = arith.constant 1 : i32
    %eq3A_37 = arith.cmpi eq, %arg0, %eq3A_36 : i32
    %convert_element_type3A_38 = arith.extui %eq3A_37 : i1 to i32
    %cond3A_39 = arith.constant 0 : i32
    %cond3A_40 = arith.cmpi ne, %convert_element_type3A_38, %cond3A_39 : i32
    scf.if %cond3A_40 {
      %add3A_136 = arith.constant 0 : i32
      %add3A_137 = arith.addi %mul3A_0, %add3A_136 : i32
      %dma_start3A_138 = arith.constant 0 : i32
      %dma_start3A_139 = tpu.memref_slice %arg10[%add3A_137, %dma_start3A_138] : memref<10112x72xf32, #tpu.memory_space<vmem_shared>> -> memref<128x72xf32, #tpu.memory_space<vmem_shared>>
      %dma_start3A_140 = arith.constant 0 : i32
      %dma_start3A_141 = tpu.memref_slice %arg3[%add3A_137, %dma_start3A_140] : memref<10112x72xf32, #tpu.memory_space<hbm>> -> memref<128x72xf32, #tpu.memory_space<hbm>>
      tpu.enqueue_dma source(%dma_start3A_141 : memref<128x72xf32, #tpu.memory_space<hbm>>) target(%dma_start3A_139 : memref<128x72xf32, #tpu.memory_space<vmem_shared>>) target_semaphore(%arg15 : memref<!tpu.dma_semaphore, #tpu.memory_space<semaphore_mem>>)
      %dma_wait3A_142 = arith.constant 0 : i32
      %dma_wait3A_143 = tpu.memref_slice %arg10[%add3A_137, %dma_wait3A_142] : memref<10112x72xf32, #tpu.memory_space<vmem_shared>> -> memref<128x72xf32, #tpu.memory_space<vmem_shared>>
      %dma_wait3A_144 = arith.constant 0 : i32
      %dma_wait3A_145 = tpu.memref_slice %arg3[%add3A_137, %dma_wait3A_144] : memref<10112x72xf32, #tpu.memory_space<hbm>> -> memref<128x72xf32, #tpu.memory_space<hbm>>
      tpu.wait_dma2 semaphore(%arg15 : memref<!tpu.dma_semaphore, #tpu.memory_space<semaphore_mem>>) src(%dma_wait3A_145 : memref<128x72xf32, #tpu.memory_space<hbm>>) dst(%dma_wait3A_143 : memref<128x72xf32, #tpu.memory_space<vmem_shared>>)
      %add3A_146 = arith.constant 128 : i32
      %add3A_147 = arith.addi %mul3A_0, %add3A_146 : i32
      %dma_start3A_148 = arith.constant 0 : i32
      %dma_start3A_149 = tpu.memref_slice %arg10[%add3A_147, %dma_start3A_148] : memref<10112x72xf32, #tpu.memory_space<vmem_shared>> -> memref<128x72xf32, #tpu.memory_space<vmem_shared>>
      %dma_start3A_150 = arith.constant 0 : i32
      %dma_start3A_151 = tpu.memref_slice %arg3[%add3A_147, %dma_start3A_150] : memref<10112x72xf32, #tpu.memory_space<hbm>> -> memref<128x72xf32, #tpu.memory_space<hbm>>
      tpu.enqueue_dma source(%dma_start3A_151 : memref<128x72xf32, #tpu.memory_space<hbm>>) target(%dma_start3A_149 : memref<128x72xf32, #tpu.memory_space<vmem_shared>>) target_semaphore(%arg15 : memref<!tpu.dma_semaphore, #tpu.memory_space<semaphore_mem>>)
      %dma_wait3A_152 = arith.constant 0 : i32
      %dma_wait3A_153 = tpu.memref_slice %arg10[%add3A_147, %dma_wait3A_152] : memref<10112x72xf32, #tpu.memory_space<vmem_shared>> -> memref<128x72xf32, #tpu.memory_space<vmem_shared>>
      %dma_wait3A_154 = arith.constant 0 : i32
      %dma_wait3A_155 = tpu.memref_slice %arg3[%add3A_147, %dma_wait3A_154] : memref<10112x72xf32, #tpu.memory_space<hbm>> -> memref<128x72xf32, #tpu.memory_space<hbm>>
      tpu.wait_dma2 semaphore(%arg15 : memref<!tpu.dma_semaphore, #tpu.memory_space<semaphore_mem>>) src(%dma_wait3A_155 : memref<128x72xf32, #tpu.memory_space<hbm>>) dst(%dma_wait3A_153 : memref<128x72xf32, #tpu.memory_space<vmem_shared>>)
      %add3A_156 = arith.constant 256 : i32
      %add3A_157 = arith.addi %mul3A_0, %add3A_156 : i32
      %dma_start3A_158 = arith.constant 0 : i32
      %dma_start3A_159 = tpu.memref_slice %arg10[%add3A_157, %dma_start3A_158] : memref<10112x72xf32, #tpu.memory_space<vmem_shared>> -> memref<128x72xf32, #tpu.memory_space<vmem_shared>>
      %dma_start3A_160 = arith.constant 0 : i32
      %dma_start3A_161 = tpu.memref_slice %arg3[%add3A_157, %dma_start3A_160] : memref<10112x72xf32, #tpu.memory_space<hbm>> -> memref<128x72xf32, #tpu.memory_space<hbm>>
      tpu.enqueue_dma source(%dma_start3A_161 : memref<128x72xf32, #tpu.memory_space<hbm>>) target(%dma_start3A_159 : memref<128x72xf32, #tpu.memory_space<vmem_shared>>) target_semaphore(%arg15 : memref<!tpu.dma_semaphore, #tpu.memory_space<semaphore_mem>>)
      %dma_wait3A_162 = arith.constant 0 : i32
      %dma_wait3A_163 = tpu.memref_slice %arg10[%add3A_157, %dma_wait3A_162] : memref<10112x72xf32, #tpu.memory_space<vmem_shared>> -> memref<128x72xf32, #tpu.memory_space<vmem_shared>>
      %dma_wait3A_164 = arith.constant 0 : i32
      %dma_wait3A_165 = tpu.memref_slice %arg3[%add3A_157, %dma_wait3A_164] : memref<10112x72xf32, #tpu.memory_space<hbm>> -> memref<128x72xf32, #tpu.memory_space<hbm>>
      tpu.wait_dma2 semaphore(%arg15 : memref<!tpu.dma_semaphore, #tpu.memory_space<semaphore_mem>>) src(%dma_wait3A_165 : memref<128x72xf32, #tpu.memory_space<hbm>>) dst(%dma_wait3A_163 : memref<128x72xf32, #tpu.memory_space<vmem_shared>>)
      %add3A_166 = arith.constant 384 : i32
      %add3A_167 = arith.addi %mul3A_0, %add3A_166 : i32
      %dma_start3A_168 = arith.constant 0 : i32
      %dma_start3A_169 = tpu.memref_slice %arg10[%add3A_167, %dma_start3A_168] : memref<10112x72xf32, #tpu.memory_space<vmem_shared>> -> memref<128x72xf32, #tpu.memory_space<vmem_shared>>
      %dma_start3A_170 = arith.constant 0 : i32
      %dma_start3A_171 = tpu.memref_slice %arg3[%add3A_167, %dma_start3A_170] : memref<10112x72xf32, #tpu.memory_space<hbm>> -> memref<128x72xf32, #tpu.memory_space<hbm>>
      tpu.enqueue_dma source(%dma_start3A_171 : memref<128x72xf32, #tpu.memory_space<hbm>>) target(%dma_start3A_169 : memref<128x72xf32, #tpu.memory_space<vmem_shared>>) target_semaphore(%arg15 : memref<!tpu.dma_semaphore, #tpu.memory_space<semaphore_mem>>)
      %dma_wait3A_172 = arith.constant 0 : i32
      %dma_wait3A_173 = tpu.memref_slice %arg10[%add3A_167, %dma_wait3A_172] : memref<10112x72xf32, #tpu.memory_space<vmem_shared>> -> memref<128x72xf32, #tpu.memory_space<vmem_shared>>
      %dma_wait3A_174 = arith.constant 0 : i32
      %dma_wait3A_175 = tpu.memref_slice %arg3[%add3A_167, %dma_wait3A_174] : memref<10112x72xf32, #tpu.memory_space<hbm>> -> memref<128x72xf32, #tpu.memory_space<hbm>>
      tpu.wait_dma2 semaphore(%arg15 : memref<!tpu.dma_semaphore, #tpu.memory_space<semaphore_mem>>) src(%dma_wait3A_175 : memref<128x72xf32, #tpu.memory_space<hbm>>) dst(%dma_wait3A_173 : memref<128x72xf32, #tpu.memory_space<vmem_shared>>)
      %add3A_176 = arith.constant 512 : i32
      %add3A_177 = arith.addi %mul3A_0, %add3A_176 : i32
      %dma_start3A_178 = arith.constant 0 : i32
      %dma_start3A_179 = tpu.memref_slice %arg10[%add3A_177, %dma_start3A_178] : memref<10112x72xf32, #tpu.memory_space<vmem_shared>> -> memref<120x72xf32, #tpu.memory_space<vmem_shared>>
      %dma_start3A_180 = arith.constant 0 : i32
      %dma_start3A_181 = tpu.memref_slice %arg3[%add3A_177, %dma_start3A_180] : memref<10112x72xf32, #tpu.memory_space<hbm>> -> memref<120x72xf32, #tpu.memory_space<hbm>>
      tpu.enqueue_dma source(%dma_start3A_181 : memref<120x72xf32, #tpu.memory_space<hbm>>) target(%dma_start3A_179 : memref<120x72xf32, #tpu.memory_space<vmem_shared>>) target_semaphore(%arg15 : memref<!tpu.dma_semaphore, #tpu.memory_space<semaphore_mem>>)
      %dma_wait3A_182 = arith.constant 0 : i32
      %dma_wait3A_183 = tpu.memref_slice %arg10[%add3A_177, %dma_wait3A_182] : memref<10112x72xf32, #tpu.memory_space<vmem_shared>> -> memref<120x72xf32, #tpu.memory_space<vmem_shared>>
      %dma_wait3A_184 = arith.constant 0 : i32
      %dma_wait3A_185 = tpu.memref_slice %arg3[%add3A_177, %dma_wait3A_184] : memref<10112x72xf32, #tpu.memory_space<hbm>> -> memref<120x72xf32, #tpu.memory_space<hbm>>
      tpu.wait_dma2 semaphore(%arg15 : memref<!tpu.dma_semaphore, #tpu.memory_space<semaphore_mem>>) src(%dma_wait3A_185 : memref<120x72xf32, #tpu.memory_space<hbm>>) dst(%dma_wait3A_183 : memref<120x72xf32, #tpu.memory_space<vmem_shared>>)
    } else {
    }
    %dma_wait3A = arith.constant 0 : i32
    %dma_wait3A_41 = tpu.memref_slice %arg11[%add3A_1, %dma_wait3A] : memref<10112x72xf32, #tpu.memory_space<vmem_shared>> -> memref<128x72xf32, #tpu.memory_space<vmem_shared>>
    %dma_wait3A_42 = arith.constant 0 : i32
    %dma_wait3A_43 = arith.constant 0 : i32
    %dma_wait3A_44 = tpu.memref_slice %arg8[%dma_wait3A_42, %dma_wait3A_43] : memref<128x72xf32, #tpu.memory_space<hbm>> -> memref<128x72xf32, #tpu.memory_space<hbm>>
    tpu.wait_dma2 semaphore(%arg15 : memref<!tpu.dma_semaphore, #tpu.memory_space<semaphore_mem>>) src(%dma_wait3A_44 : memref<128x72xf32, #tpu.memory_space<hbm>>) dst(%dma_wait3A_41 : memref<128x72xf32, #tpu.memory_space<vmem_shared>>)
    %dma_wait3A_45 = arith.constant 0 : i32
    %dma_wait3A_46 = tpu.memref_slice %arg11[%add3A_7, %dma_wait3A_45] : memref<10112x72xf32, #tpu.memory_space<vmem_shared>> -> memref<128x72xf32, #tpu.memory_space<vmem_shared>>
    %dma_wait3A_47 = arith.constant 0 : i32
    %dma_wait3A_48 = arith.constant 0 : i32
    %dma_wait3A_49 = tpu.memref_slice %arg8[%dma_wait3A_47, %dma_wait3A_48] : memref<128x72xf32, #tpu.memory_space<hbm>> -> memref<128x72xf32, #tpu.memory_space<hbm>>
    tpu.wait_dma2 semaphore(%arg15 : memref<!tpu.dma_semaphore, #tpu.memory_space<semaphore_mem>>) src(%dma_wait3A_49 : memref<128x72xf32, #tpu.memory_space<hbm>>) dst(%dma_wait3A_46 : memref<128x72xf32, #tpu.memory_space<vmem_shared>>)
    %dma_wait3A_50 = arith.constant 0 : i32
    %dma_wait3A_51 = tpu.memref_slice %arg11[%add3A_14, %dma_wait3A_50] : memref<10112x72xf32, #tpu.memory_space<vmem_shared>> -> memref<128x72xf32, #tpu.memory_space<vmem_shared>>
    %dma_wait3A_52 = arith.constant 0 : i32
    %dma_wait3A_53 = arith.constant 0 : i32
    %dma_wait3A_54 = tpu.memref_slice %arg8[%dma_wait3A_52, %dma_wait3A_53] : memref<128x72xf32, #tpu.memory_space<hbm>> -> memref<128x72xf32, #tpu.memory_space<hbm>>
    tpu.wait_dma2 semaphore(%arg15 : memref<!tpu.dma_semaphore, #tpu.memory_space<semaphore_mem>>) src(%dma_wait3A_54 : memref<128x72xf32, #tpu.memory_space<hbm>>) dst(%dma_wait3A_51 : memref<128x72xf32, #tpu.memory_space<vmem_shared>>)
    %dma_wait3A_55 = arith.constant 0 : i32
    %dma_wait3A_56 = tpu.memref_slice %arg11[%add3A_21, %dma_wait3A_55] : memref<10112x72xf32, #tpu.memory_space<vmem_shared>> -> memref<128x72xf32, #tpu.memory_space<vmem_shared>>
    %dma_wait3A_57 = arith.constant 0 : i32
    %dma_wait3A_58 = arith.constant 0 : i32
    %dma_wait3A_59 = tpu.memref_slice %arg8[%dma_wait3A_57, %dma_wait3A_58] : memref<128x72xf32, #tpu.memory_space<hbm>> -> memref<128x72xf32, #tpu.memory_space<hbm>>
    tpu.wait_dma2 semaphore(%arg15 : memref<!tpu.dma_semaphore, #tpu.memory_space<semaphore_mem>>) src(%dma_wait3A_59 : memref<128x72xf32, #tpu.memory_space<hbm>>) dst(%dma_wait3A_56 : memref<128x72xf32, #tpu.memory_space<vmem_shared>>)
    %dma_wait3A_60 = arith.constant 0 : i32
    %dma_wait3A_61 = tpu.memref_slice %arg11[%add3A_28, %dma_wait3A_60] : memref<10112x72xf32, #tpu.memory_space<vmem_shared>> -> memref<120x72xf32, #tpu.memory_space<vmem_shared>>
    %dma_wait3A_62 = arith.constant 0 : i32
    %dma_wait3A_63 = arith.constant 0 : i32
    %dma_wait3A_64 = tpu.memref_slice %arg8[%dma_wait3A_62, %dma_wait3A_63] : memref<128x72xf32, #tpu.memory_space<hbm>> -> memref<120x72xf32, #tpu.memory_space<hbm>>
    tpu.wait_dma2 semaphore(%arg15 : memref<!tpu.dma_semaphore, #tpu.memory_space<semaphore_mem>>) src(%dma_wait3A_64 : memref<120x72xf32, #tpu.memory_space<hbm>>) dst(%dma_wait3A_61 : memref<120x72xf32, #tpu.memory_space<vmem_shared>>)
    %barrier3A = arith.constant 0 : index
    tpu.barrier barrier_id(%barrier3A)
    %eq3A_65 = arith.constant 0 : i32
    %eq3A_66 = arith.cmpi eq, %arg0, %eq3A_65 : i32
    %convert_element_type3A_67 = arith.extui %eq3A_66 : i1 to i32
    %cond3A_68 = arith.constant 0 : i32
    %cond3A_69 = arith.cmpi ne, %convert_element_type3A_67, %cond3A_68 : i32
    scf.if %cond3A_69 {
      %scan3A = arith.constant 0 : i32
      %scan3A_136 = arith.constant 0 : i32
      %scan3A_137 = arith.constant 8 : i32
      %scan3A_138 = arith.addi %scan3A_136, %scan3A_137 : i32
      %scan3A_139 = arith.constant 1 : i32
      scf.for %scan3A_141 = %scan3A_136 to %scan3A_138 step %scan3A_139  : i32 {
        %mul3A_142 = arith.constant 10 : i32
        %mul3A_143 = arith.muli %scan3A_141, %mul3A_142 : i32
        "tpu.region"() ({
          %run_scoped3A = tpu.sem_alloc : memref<!tpu.dma_semaphore, #tpu.memory_space<semaphore_mem>>
          %dma_start3A_626 = arith.constant 0 : i32
          %dma_start3A_627 = tpu.memref_slice %arg4[%arg1, %mul3A_143, %dma_start3A_626] : memref<16x80x128xi32, #tpu.memory_space<hbm>> -> memref<1x10x128xi32, #tpu.memory_space<hbm>>
          %dma_start3A_628 = tpu.memref_squeeze %dma_start3A_627 : memref<1x10x128xi32, #tpu.memory_space<hbm>> -> memref<10x128xi32, #tpu.memory_space<hbm>>
          %dma_start3A_629 = arith.constant 0 : i32
          %dma_start3A_630 = tpu.memref_slice %arg4[%arg1, %mul3A_143, %dma_start3A_629] : memref<16x80x128xi32, #tpu.memory_space<hbm>> -> memref<1x10x128xi32, #tpu.memory_space<hbm>>
          %dma_start3A_631 = tpu.memref_squeeze %dma_start3A_630 : memref<1x10x128xi32, #tpu.memory_space<hbm>> -> memref<10x128xi32, #tpu.memory_space<hbm>>
          tpu.enqueue_dma source(%dma_start3A_631 : memref<10x128xi32, #tpu.memory_space<hbm>>) target(%arg12 : memref<10x128xi32, #tpu.memory_space<vmem>>) target_semaphore(%run_scoped3A : memref<!tpu.dma_semaphore, #tpu.memory_space<semaphore_mem>>)
          %dma_wait3A_632 = arith.constant 0 : i32
          %dma_wait3A_633 = tpu.memref_slice %arg4[%arg1, %mul3A_143, %dma_wait3A_632] : memref<16x80x128xi32, #tpu.memory_space<hbm>> -> memref<1x10x128xi32, #tpu.memory_space<hbm>>
          %dma_wait3A_634 = tpu.memref_squeeze %dma_wait3A_633 : memref<1x10x128xi32, #tpu.memory_space<hbm>> -> memref<10x128xi32, #tpu.memory_space<hbm>>
          %dma_wait3A_635 = arith.constant 0 : i32
          %dma_wait3A_636 = tpu.memref_slice %arg4[%arg1, %mul3A_143, %dma_wait3A_635] : memref<16x80x128xi32, #tpu.memory_space<hbm>> -> memref<1x10x128xi32, #tpu.memory_space<hbm>>
          %dma_wait3A_637 = tpu.memref_squeeze %dma_wait3A_636 : memref<1x10x128xi32, #tpu.memory_space<hbm>> -> memref<10x128xi32, #tpu.memory_space<hbm>>
          tpu.wait_dma2 semaphore(%run_scoped3A : memref<!tpu.dma_semaphore, #tpu.memory_space<semaphore_mem>>) src(%dma_wait3A_637 : memref<10x128xi32, #tpu.memory_space<hbm>>) dst(%arg12 : memref<10x128xi32, #tpu.memory_space<vmem>>)
          tpu.yield
        }) : () -> ()
        %mul3A_144 = arith.constant 10 : i32
        %mul3A_145 = arith.muli %scan3A_141, %mul3A_144 : i32
        "tpu.region"() ({
          %run_scoped3A = tpu.sem_alloc : memref<!tpu.dma_semaphore, #tpu.memory_space<semaphore_mem>>
          %dma_start3A_626 = arith.constant 0 : i32
          %dma_start3A_627 = tpu.memref_slice %arg5[%arg1, %mul3A_145, %dma_start3A_626] : memref<16x80x128xi32, #tpu.memory_space<hbm>> -> memref<1x10x128xi32, #tpu.memory_space<hbm>>
          %dma_start3A_628 = tpu.memref_squeeze %dma_start3A_627 : memref<1x10x128xi32, #tpu.memory_space<hbm>> -> memref<10x128xi32, #tpu.memory_space<hbm>>
          %dma_start3A_629 = arith.constant 0 : i32
          %dma_start3A_630 = tpu.memref_slice %arg5[%arg1, %mul3A_145, %dma_start3A_629] : memref<16x80x128xi32, #tpu.memory_space<hbm>> -> memref<1x10x128xi32, #tpu.memory_space<hbm>>
          %dma_start3A_631 = tpu.memref_squeeze %dma_start3A_630 : memref<1x10x128xi32, #tpu.memory_space<hbm>> -> memref<10x128xi32, #tpu.memory_space<hbm>>
          tpu.enqueue_dma source(%dma_start3A_631 : memref<10x128xi32, #tpu.memory_space<hbm>>) target(%arg13 : memref<10x128xi32, #tpu.memory_space<vmem>>) target_semaphore(%run_scoped3A : memref<!tpu.dma_semaphore, #tpu.memory_space<semaphore_mem>>)
          %dma_wait3A_632 = arith.constant 0 : i32
          %dma_wait3A_633 = tpu.memref_slice %arg5[%arg1, %mul3A_145, %dma_wait3A_632] : memref<16x80x128xi32, #tpu.memory_space<hbm>> -> memref<1x10x128xi32, #tpu.memory_space<hbm>>
          %dma_wait3A_634 = tpu.memref_squeeze %dma_wait3A_633 : memref<1x10x128xi32, #tpu.memory_space<hbm>> -> memref<10x128xi32, #tpu.memory_space<hbm>>
          %dma_wait3A_635 = arith.constant 0 : i32
          %dma_wait3A_636 = tpu.memref_slice %arg5[%arg1, %mul3A_145, %dma_wait3A_635] : memref<16x80x128xi32, #tpu.memory_space<hbm>> -> memref<1x10x128xi32, #tpu.memory_space<hbm>>
          %dma_wait3A_637 = tpu.memref_squeeze %dma_wait3A_636 : memref<1x10x128xi32, #tpu.memory_space<hbm>> -> memref<10x128xi32, #tpu.memory_space<hbm>>
          tpu.wait_dma2 semaphore(%run_scoped3A : memref<!tpu.dma_semaphore, #tpu.memory_space<semaphore_mem>>) src(%dma_wait3A_637 : memref<10x128xi32, #tpu.memory_space<hbm>>) dst(%arg13 : memref<10x128xi32, #tpu.memory_space<vmem>>)
          tpu.yield
        }) : () -> ()
        %dma_start3A_146 = arith.constant 0 : i32
        %dma_start3A_147 = arith.constant 0 : i32
        %dma_start3A_148 = arith.constant 0 : i32
        %dma_start3A_149 = arith.constant 0 : i32
        %dma_start3A_150 = tpu.memref_slice %arg14[%dma_start3A_147, %dma_start3A_148, %dma_start3A_149] : memref<4x128x72xf32, #tpu.memory_space<vmem>> -> memref<1x128x72xf32, #tpu.memory_space<vmem>>
        %dma_start3A_151 = tpu.memref_squeeze %dma_start3A_150 : memref<1x128x72xf32, #tpu.memory_space<vmem>> -> memref<128x72xf32, #tpu.memory_space<vmem>>
        %dma_start3A_152 = arith.constant 0 : i32
        %dma_start3A_153 = tpu.memref_slice %arg12[%dma_start3A_146, %dma_start3A_152] : memref<10x128xi32, #tpu.memory_space<vmem>> -> memref<1x128xi32, #tpu.memory_space<vmem>>
        %dma_start3A_154 = tpu.memref_squeeze %dma_start3A_153 : memref<1x128xi32, #tpu.memory_space<vmem>> -> memref<128xi32, #tpu.memory_space<vmem>>
        %dma_start3A_155 = arith.constant 0 : i32
        %dma_start3A_156 = arith.constant 0 : i32
        %dma_start3A_157 = tpu.memref_slice %arg10[%dma_start3A_155, %dma_start3A_156] : memref<10112x72xf32, #tpu.memory_space<vmem_shared>> -> memref<10112x72xf32, #tpu.memory_space<vmem_shared>>
        tpu.enqueue_indirect_dma source(%dma_start3A_157 : memref<10112x72xf32, #tpu.memory_space<vmem_shared>>) target(%dma_start3A_151 : memref<128x72xf32, #tpu.memory_space<vmem>>) offsets(%dma_start3A_154 : memref<128xi32, #tpu.memory_space<vmem>>) semaphore(%arg15 : memref<!tpu.dma_semaphore, #tpu.memory_space<semaphore_mem>>)
        %dma_start3A_158 = arith.constant 1 : i32
        %dma_start3A_159 = arith.constant 1 : i32
        %dma_start3A_160 = arith.constant 0 : i32
        %dma_start3A_161 = arith.constant 0 : i32
        %dma_start3A_162 = tpu.memref_slice %arg14[%dma_start3A_159, %dma_start3A_160, %dma_start3A_161] : memref<4x128x72xf32, #tpu.memory_space<vmem>> -> memref<1x128x72xf32, #tpu.memory_space<vmem>>
        %dma_start3A_163 = tpu.memref_squeeze %dma_start3A_162 : memref<1x128x72xf32, #tpu.memory_space<vmem>> -> memref<128x72xf32, #tpu.memory_space<vmem>>
        %dma_start3A_164 = arith.constant 0 : i32
        %dma_start3A_165 = tpu.memref_slice %arg12[%dma_start3A_158, %dma_start3A_164] : memref<10x128xi32, #tpu.memory_space<vmem>> -> memref<1x128xi32, #tpu.memory_space<vmem>>
        %dma_start3A_166 = tpu.memref_squeeze %dma_start3A_165 : memref<1x128xi32, #tpu.memory_space<vmem>> -> memref<128xi32, #tpu.memory_space<vmem>>
        %dma_start3A_167 = arith.constant 0 : i32
        %dma_start3A_168 = arith.constant 0 : i32
        %dma_start3A_169 = tpu.memref_slice %arg10[%dma_start3A_167, %dma_start3A_168] : memref<10112x72xf32, #tpu.memory_space<vmem_shared>> -> memref<10112x72xf32, #tpu.memory_space<vmem_shared>>
        tpu.enqueue_indirect_dma source(%dma_start3A_169 : memref<10112x72xf32, #tpu.memory_space<vmem_shared>>) target(%dma_start3A_163 : memref<128x72xf32, #tpu.memory_space<vmem>>) offsets(%dma_start3A_166 : memref<128xi32, #tpu.memory_space<vmem>>) semaphore(%arg15 : memref<!tpu.dma_semaphore, #tpu.memory_space<semaphore_mem>>)
        %dma_wait3A_170 = arith.constant 0 : i32
        %dma_wait3A_171 = arith.constant 0 : i32
        %dma_wait3A_172 = arith.constant 0 : i32
        %dma_wait3A_173 = arith.constant 0 : i32
        %dma_wait3A_174 = tpu.memref_slice %arg14[%dma_wait3A_171, %dma_wait3A_172, %dma_wait3A_173] : memref<4x128x72xf32, #tpu.memory_space<vmem>> -> memref<1x128x72xf32, #tpu.memory_space<vmem>>
        %dma_wait3A_175 = tpu.memref_squeeze %dma_wait3A_174 : memref<1x128x72xf32, #tpu.memory_space<vmem>> -> memref<128x72xf32, #tpu.memory_space<vmem>>
        %dma_wait3A_176 = arith.constant 0 : i32
        %dma_wait3A_177 = tpu.memref_slice %arg12[%dma_wait3A_170, %dma_wait3A_176] : memref<10x128xi32, #tpu.memory_space<vmem>> -> memref<1x128xi32, #tpu.memory_space<vmem>>
        %dma_wait3A_178 = tpu.memref_squeeze %dma_wait3A_177 : memref<1x128xi32, #tpu.memory_space<vmem>> -> memref<128xi32, #tpu.memory_space<vmem>>
        %dma_wait3A_179 = arith.constant 0 : i32
        %dma_wait3A_180 = arith.constant 0 : i32
        %dma_wait3A_181 = tpu.memref_slice %arg10[%dma_wait3A_179, %dma_wait3A_180] : memref<10112x72xf32, #tpu.memory_space<vmem_shared>> -> memref<10112x72xf32, #tpu.memory_space<vmem_shared>>
        tpu.wait_indirect_dma semaphore(%arg15 : memref<!tpu.dma_semaphore, #tpu.memory_space<semaphore_mem>>) src(%dma_wait3A_181 : memref<10112x72xf32, #tpu.memory_space<vmem_shared>>) dst(%dma_wait3A_175 : memref<128x72xf32, #tpu.memory_space<vmem>>)
        %dma_start3A_182 = arith.constant 0 : i32
        %dma_start3A_183 = arith.constant 0 : i32
        %dma_start3A_184 = arith.constant 0 : i32
        %dma_start3A_185 = arith.constant 0 : i32
        %dma_start3A_186 = tpu.memref_slice %arg14[%dma_start3A_182, %dma_start3A_184, %dma_start3A_185] : memref<4x128x72xf32, #tpu.memory_space<vmem>> -> memref<1x128x72xf32, #tpu.memory_space<vmem>>
        %dma_start3A_187 = tpu.memref_squeeze %dma_start3A_186 : memref<1x128x72xf32, #tpu.memory_space<vmem>> -> memref<128x72xf32, #tpu.memory_space<vmem>>
        %dma_start3A_188 = arith.constant 0 : i32
        %dma_start3A_189 = tpu.memref_slice %arg13[%dma_start3A_183, %dma_start3A_188] : memref<10x128xi32, #tpu.memory_space<vmem>> -> memref<1x128xi32, #tpu.memory_space<vmem>>
        %dma_start3A_190 = tpu.memref_squeeze %dma_start3A_189 : memref<1x128xi32, #tpu.memory_space<vmem>> -> memref<128xi32, #tpu.memory_space<vmem>>
        %dma_start3A_191 = arith.constant 0 : i32
        %dma_start3A_192 = arith.constant 0 : i32
        %dma_start3A_193 = tpu.memref_slice %arg11[%dma_start3A_191, %dma_start3A_192] : memref<10112x72xf32, #tpu.memory_space<vmem_shared>> -> memref<10112x72xf32, #tpu.memory_space<vmem_shared>>
        tpu.enqueue_indirect_dma source(%dma_start3A_187 : memref<128x72xf32, #tpu.memory_space<vmem>>) target(%dma_start3A_193 : memref<10112x72xf32, #tpu.memory_space<vmem_shared>>) offsets(%dma_start3A_190 : memref<128xi32, #tpu.memory_space<vmem>>) semaphore(%arg16 : memref<!tpu.dma_semaphore, #tpu.memory_space<semaphore_mem>>) {add = true}
        %dma_start3A_194 = arith.constant 2 : i32
        %dma_start3A_195 = arith.constant 2 : i32
        %dma_start3A_196 = arith.constant 0 : i32
        %dma_start3A_197 = arith.constant 0 : i32
        %dma_start3A_198 = tpu.memref_slice %arg14[%dma_start3A_195, %dma_start3A_196, %dma_start3A_197] : memref<4x128x72xf32, #tpu.memory_space<vmem>> -> memref<1x128x72xf32, #tpu.memory_space<vmem>>
        %dma_start3A_199 = tpu.memref_squeeze %dma_start3A_198 : memref<1x128x72xf32, #tpu.memory_space<vmem>> -> memref<128x72xf32, #tpu.memory_space<vmem>>
        %dma_start3A_200 = arith.constant 0 : i32
        %dma_start3A_201 = tpu.memref_slice %arg12[%dma_start3A_194, %dma_start3A_200] : memref<10x128xi32, #tpu.memory_space<vmem>> -> memref<1x128xi32, #tpu.memory_space<vmem>>
        %dma_start3A_202 = tpu.memref_squeeze %dma_start3A_201 : memref<1x128xi32, #tpu.memory_space<vmem>> -> memref<128xi32, #tpu.memory_space<vmem>>
        %dma_start3A_203 = arith.constant 0 : i32
        %dma_start3A_204 = arith.constant 0 : i32
        %dma_start3A_205 = tpu.memref_slice %arg10[%dma_start3A_203, %dma_start3A_204] : memref<10112x72xf32, #tpu.memory_space<vmem_shared>> -> memref<10112x72xf32, #tpu.memory_space<vmem_shared>>
        tpu.enqueue_indirect_dma source(%dma_start3A_205 : memref<10112x72xf32, #tpu.memory_space<vmem_shared>>) target(%dma_start3A_199 : memref<128x72xf32, #tpu.memory_space<vmem>>) offsets(%dma_start3A_202 : memref<128xi32, #tpu.memory_space<vmem>>) semaphore(%arg15 : memref<!tpu.dma_semaphore, #tpu.memory_space<semaphore_mem>>)
        %dma_wait3A_206 = arith.constant 1 : i32
        %dma_wait3A_207 = arith.constant 1 : i32
        %dma_wait3A_208 = arith.constant 0 : i32
        %dma_wait3A_209 = arith.constant 0 : i32
        %dma_wait3A_210 = tpu.memref_slice %arg14[%dma_wait3A_207, %dma_wait3A_208, %dma_wait3A_209] : memref<4x128x72xf32, #tpu.memory_space<vmem>> -> memref<1x128x72xf32, #tpu.memory_space<vmem>>
        %dma_wait3A_211 = tpu.memref_squeeze %dma_wait3A_210 : memref<1x128x72xf32, #tpu.memory_space<vmem>> -> memref<128x72xf32, #tpu.memory_space<vmem>>
        %dma_wait3A_212 = arith.constant 0 : i32
        %dma_wait3A_213 = tpu.memref_slice %arg12[%dma_wait3A_206, %dma_wait3A_212] : memref<10x128xi32, #tpu.memory_space<vmem>> -> memref<1x128xi32, #tpu.memory_space<vmem>>
        %dma_wait3A_214 = tpu.memref_squeeze %dma_wait3A_213 : memref<1x128xi32, #tpu.memory_space<vmem>> -> memref<128xi32, #tpu.memory_space<vmem>>
        %dma_wait3A_215 = arith.constant 0 : i32
        %dma_wait3A_216 = arith.constant 0 : i32
        %dma_wait3A_217 = tpu.memref_slice %arg10[%dma_wait3A_215, %dma_wait3A_216] : memref<10112x72xf32, #tpu.memory_space<vmem_shared>> -> memref<10112x72xf32, #tpu.memory_space<vmem_shared>>
        tpu.wait_indirect_dma semaphore(%arg15 : memref<!tpu.dma_semaphore, #tpu.memory_space<semaphore_mem>>) src(%dma_wait3A_217 : memref<10112x72xf32, #tpu.memory_space<vmem_shared>>) dst(%dma_wait3A_211 : memref<128x72xf32, #tpu.memory_space<vmem>>)
        %dma_start3A_218 = arith.constant 1 : i32
        %dma_start3A_219 = arith.constant 1 : i32
        %dma_start3A_220 = arith.constant 0 : i32
        %dma_start3A_221 = arith.constant 0 : i32
        %dma_start3A_222 = tpu.memref_slice %arg14[%dma_start3A_218, %dma_start3A_220, %dma_start3A_221] : memref<4x128x72xf32, #tpu.memory_space<vmem>> -> memref<1x128x72xf32, #tpu.memory_space<vmem>>
        %dma_start3A_223 = tpu.memref_squeeze %dma_start3A_222 : memref<1x128x72xf32, #tpu.memory_space<vmem>> -> memref<128x72xf32, #tpu.memory_space<vmem>>
        %dma_start3A_224 = arith.constant 0 : i32
        %dma_start3A_225 = tpu.memref_slice %arg13[%dma_start3A_219, %dma_start3A_224] : memref<10x128xi32, #tpu.memory_space<vmem>> -> memref<1x128xi32, #tpu.memory_space<vmem>>
        %dma_start3A_226 = tpu.memref_squeeze %dma_start3A_225 : memref<1x128xi32, #tpu.memory_space<vmem>> -> memref<128xi32, #tpu.memory_space<vmem>>
        %dma_start3A_227 = arith.constant 0 : i32
        %dma_start3A_228 = arith.constant 0 : i32
        %dma_start3A_229 = tpu.memref_slice %arg11[%dma_start3A_227, %dma_start3A_228] : memref<10112x72xf32, #tpu.memory_space<vmem_shared>> -> memref<10112x72xf32, #tpu.memory_space<vmem_shared>>
        tpu.enqueue_indirect_dma source(%dma_start3A_223 : memref<128x72xf32, #tpu.memory_space<vmem>>) target(%dma_start3A_229 : memref<10112x72xf32, #tpu.memory_space<vmem_shared>>) offsets(%dma_start3A_226 : memref<128xi32, #tpu.memory_space<vmem>>) semaphore(%arg16 : memref<!tpu.dma_semaphore, #tpu.memory_space<semaphore_mem>>) {add = true}
        %dma_start3A_230 = arith.constant 3 : i32
        %dma_start3A_231 = arith.constant 3 : i32
        %dma_start3A_232 = arith.constant 0 : i32
        %dma_start3A_233 = arith.constant 0 : i32
        %dma_start3A_234 = tpu.memref_slice %arg14[%dma_start3A_231, %dma_start3A_232, %dma_start3A_233] : memref<4x128x72xf32, #tpu.memory_space<vmem>> -> memref<1x128x72xf32, #tpu.memory_space<vmem>>
        %dma_start3A_235 = tpu.memref_squeeze %dma_start3A_234 : memref<1x128x72xf32, #tpu.memory_space<vmem>> -> memref<128x72xf32, #tpu.memory_space<vmem>>
        %dma_start3A_236 = arith.constant 0 : i32
        %dma_start3A_237 = tpu.memref_slice %arg12[%dma_start3A_230, %dma_start3A_236] : memref<10x128xi32, #tpu.memory_space<vmem>> -> memref<1x128xi32, #tpu.memory_space<vmem>>
        %dma_start3A_238 = tpu.memref_squeeze %dma_start3A_237 : memref<1x128xi32, #tpu.memory_space<vmem>> -> memref<128xi32, #tpu.memory_space<vmem>>
        %dma_start3A_239 = arith.constant 0 : i32
        %dma_start3A_240 = arith.constant 0 : i32
        %dma_start3A_241 = tpu.memref_slice %arg10[%dma_start3A_239, %dma_start3A_240] : memref<10112x72xf32, #tpu.memory_space<vmem_shared>> -> memref<10112x72xf32, #tpu.memory_space<vmem_shared>>
        tpu.enqueue_indirect_dma source(%dma_start3A_241 : memref<10112x72xf32, #tpu.memory_space<vmem_shared>>) target(%dma_start3A_235 : memref<128x72xf32, #tpu.memory_space<vmem>>) offsets(%dma_start3A_238 : memref<128xi32, #tpu.memory_space<vmem>>) semaphore(%arg15 : memref<!tpu.dma_semaphore, #tpu.memory_space<semaphore_mem>>)
        %dma_wait3A_242 = arith.constant 2 : i32
        %dma_wait3A_243 = arith.constant 2 : i32
        %dma_wait3A_244 = arith.constant 0 : i32
        %dma_wait3A_245 = arith.constant 0 : i32
        %dma_wait3A_246 = tpu.memref_slice %arg14[%dma_wait3A_243, %dma_wait3A_244, %dma_wait3A_245] : memref<4x128x72xf32, #tpu.memory_space<vmem>> -> memref<1x128x72xf32, #tpu.memory_space<vmem>>
        %dma_wait3A_247 = tpu.memref_squeeze %dma_wait3A_246 : memref<1x128x72xf32, #tpu.memory_space<vmem>> -> memref<128x72xf32, #tpu.memory_space<vmem>>
        %dma_wait3A_248 = arith.constant 0 : i32
        %dma_wait3A_249 = tpu.memref_slice %arg12[%dma_wait3A_242, %dma_wait3A_248] : memref<10x128xi32, #tpu.memory_space<vmem>> -> memref<1x128xi32, #tpu.memory_space<vmem>>
        %dma_wait3A_250 = tpu.memref_squeeze %dma_wait3A_249 : memref<1x128xi32, #tpu.memory_space<vmem>> -> memref<128xi32, #tpu.memory_space<vmem>>
        %dma_wait3A_251 = arith.constant 0 : i32
        %dma_wait3A_252 = arith.constant 0 : i32
        %dma_wait3A_253 = tpu.memref_slice %arg10[%dma_wait3A_251, %dma_wait3A_252] : memref<10112x72xf32, #tpu.memory_space<vmem_shared>> -> memref<10112x72xf32, #tpu.memory_space<vmem_shared>>
        tpu.wait_indirect_dma semaphore(%arg15 : memref<!tpu.dma_semaphore, #tpu.memory_space<semaphore_mem>>) src(%dma_wait3A_253 : memref<10112x72xf32, #tpu.memory_space<vmem_shared>>) dst(%dma_wait3A_247 : memref<128x72xf32, #tpu.memory_space<vmem>>)
        %dma_start3A_254 = arith.constant 2 : i32
        %dma_start3A_255 = arith.constant 2 : i32
        %dma_start3A_256 = arith.constant 0 : i32
        %dma_start3A_257 = arith.constant 0 : i32
        %dma_start3A_258 = tpu.memref_slice %arg14[%dma_start3A_254, %dma_start3A_256, %dma_start3A_257] : memref<4x128x72xf32, #tpu.memory_space<vmem>> -> memref<1x128x72xf32, #tpu.memory_space<vmem>>
        %dma_start3A_259 = tpu.memref_squeeze %dma_start3A_258 : memref<1x128x72xf32, #tpu.memory_space<vmem>> -> memref<128x72xf32, #tpu.memory_space<vmem>>
        %dma_start3A_260 = arith.constant 0 : i32
        %dma_start3A_261 = tpu.memref_slice %arg13[%dma_start3A_255, %dma_start3A_260] : memref<10x128xi32, #tpu.memory_space<vmem>> -> memref<1x128xi32, #tpu.memory_space<vmem>>
        %dma_start3A_262 = tpu.memref_squeeze %dma_start3A_261 : memref<1x128xi32, #tpu.memory_space<vmem>> -> memref<128xi32, #tpu.memory_space<vmem>>
        %dma_start3A_263 = arith.constant 0 : i32
        %dma_start3A_264 = arith.constant 0 : i32
        %dma_start3A_265 = tpu.memref_slice %arg11[%dma_start3A_263, %dma_start3A_264] : memref<10112x72xf32, #tpu.memory_space<vmem_shared>> -> memref<10112x72xf32, #tpu.memory_space<vmem_shared>>
        tpu.enqueue_indirect_dma source(%dma_start3A_259 : memref<128x72xf32, #tpu.memory_space<vmem>>) target(%dma_start3A_265 : memref<10112x72xf32, #tpu.memory_space<vmem_shared>>) offsets(%dma_start3A_262 : memref<128xi32, #tpu.memory_space<vmem>>) semaphore(%arg16 : memref<!tpu.dma_semaphore, #tpu.memory_space<semaphore_mem>>) {add = true}
        %dma_wait3A_266 = arith.constant 0 : i32
        %dma_wait3A_267 = arith.constant 0 : i32
        %dma_wait3A_268 = arith.constant 0 : i32
        %dma_wait3A_269 = arith.constant 0 : i32
        %dma_wait3A_270 = tpu.memref_slice %arg14[%dma_wait3A_266, %dma_wait3A_268, %dma_wait3A_269] : memref<4x128x72xf32, #tpu.memory_space<vmem>> -> memref<1x128x72xf32, #tpu.memory_space<vmem>>
        %dma_wait3A_271 = tpu.memref_squeeze %dma_wait3A_270 : memref<1x128x72xf32, #tpu.memory_space<vmem>> -> memref<128x72xf32, #tpu.memory_space<vmem>>
        %dma_wait3A_272 = arith.constant 0 : i32
        %dma_wait3A_273 = tpu.memref_slice %arg13[%dma_wait3A_267, %dma_wait3A_272] : memref<10x128xi32, #tpu.memory_space<vmem>> -> memref<1x128xi32, #tpu.memory_space<vmem>>
        %dma_wait3A_274 = tpu.memref_squeeze %dma_wait3A_273 : memref<1x128xi32, #tpu.memory_space<vmem>> -> memref<128xi32, #tpu.memory_space<vmem>>
        %dma_wait3A_275 = arith.constant 0 : i32
        %dma_wait3A_276 = arith.constant 0 : i32
        %dma_wait3A_277 = tpu.memref_slice %arg11[%dma_wait3A_275, %dma_wait3A_276] : memref<10112x72xf32, #tpu.memory_space<vmem_shared>> -> memref<10112x72xf32, #tpu.memory_space<vmem_shared>>
        tpu.wait_indirect_dma semaphore(%arg16 : memref<!tpu.dma_semaphore, #tpu.memory_space<semaphore_mem>>) src(%dma_wait3A_271 : memref<128x72xf32, #tpu.memory_space<vmem>>) dst(%dma_wait3A_277 : memref<10112x72xf32, #tpu.memory_space<vmem_shared>>)
        %dma_start3A_278 = arith.constant 4 : i32
        %dma_start3A_279 = arith.constant 0 : i32
        %dma_start3A_280 = arith.constant 0 : i32
        %dma_start3A_281 = arith.constant 0 : i32
        %dma_start3A_282 = tpu.memref_slice %arg14[%dma_start3A_279, %dma_start3A_280, %dma_start3A_281] : memref<4x128x72xf32, #tpu.memory_space<vmem>> -> memref<1x128x72xf32, #tpu.memory_space<vmem>>
        %dma_start3A_283 = tpu.memref_squeeze %dma_start3A_282 : memref<1x128x72xf32, #tpu.memory_space<vmem>> -> memref<128x72xf32, #tpu.memory_space<vmem>>
        %dma_start3A_284 = arith.constant 0 : i32
        %dma_start3A_285 = tpu.memref_slice %arg12[%dma_start3A_278, %dma_start3A_284] : memref<10x128xi32, #tpu.memory_space<vmem>> -> memref<1x128xi32, #tpu.memory_space<vmem>>
        %dma_start3A_286 = tpu.memref_squeeze %dma_start3A_285 : memref<1x128xi32, #tpu.memory_space<vmem>> -> memref<128xi32, #tpu.memory_space<vmem>>
        %dma_start3A_287 = arith.constant 0 : i32
        %dma_start3A_288 = arith.constant 0 : i32
        %dma_start3A_289 = tpu.memref_slice %arg10[%dma_start3A_287, %dma_start3A_288] : memref<10112x72xf32, #tpu.memory_space<vmem_shared>> -> memref<10112x72xf32, #tpu.memory_space<vmem_shared>>
        tpu.enqueue_indirect_dma source(%dma_start3A_289 : memref<10112x72xf32, #tpu.memory_space<vmem_shared>>) target(%dma_start3A_283 : memref<128x72xf32, #tpu.memory_space<vmem>>) offsets(%dma_start3A_286 : memref<128xi32, #tpu.memory_space<vmem>>) semaphore(%arg15 : memref<!tpu.dma_semaphore, #tpu.memory_space<semaphore_mem>>)
        %dma_wait3A_290 = arith.constant 3 : i32
        %dma_wait3A_291 = arith.constant 3 : i32
        %dma_wait3A_292 = arith.constant 0 : i32
        %dma_wait3A_293 = arith.constant 0 : i32
        %dma_wait3A_294 = tpu.memref_slice %arg14[%dma_wait3A_291, %dma_wait3A_292, %dma_wait3A_293] : memref<4x128x72xf32, #tpu.memory_space<vmem>> -> memref<1x128x72xf32, #tpu.memory_space<vmem>>
        %dma_wait3A_295 = tpu.memref_squeeze %dma_wait3A_294 : memref<1x128x72xf32, #tpu.memory_space<vmem>> -> memref<128x72xf32, #tpu.memory_space<vmem>>
        %dma_wait3A_296 = arith.constant 0 : i32
        %dma_wait3A_297 = tpu.memref_slice %arg12[%dma_wait3A_290, %dma_wait3A_296] : memref<10x128xi32, #tpu.memory_space<vmem>> -> memref<1x128xi32, #tpu.memory_space<vmem>>
        %dma_wait3A_298 = tpu.memref_squeeze %dma_wait3A_297 : memref<1x128xi32, #tpu.memory_space<vmem>> -> memref<128xi32, #tpu.memory_space<vmem>>
        %dma_wait3A_299 = arith.constant 0 : i32
        %dma_wait3A_300 = arith.constant 0 : i32
        %dma_wait3A_301 = tpu.memref_slice %arg10[%dma_wait3A_299, %dma_wait3A_300] : memref<10112x72xf32, #tpu.memory_space<vmem_shared>> -> memref<10112x72xf32, #tpu.memory_space<vmem_shared>>
        tpu.wait_indirect_dma semaphore(%arg15 : memref<!tpu.dma_semaphore, #tpu.memory_space<semaphore_mem>>) src(%dma_wait3A_301 : memref<10112x72xf32, #tpu.memory_space<vmem_shared>>) dst(%dma_wait3A_295 : memref<128x72xf32, #tpu.memory_space<vmem>>)
        %dma_start3A_302 = arith.constant 3 : i32
        %dma_start3A_303 = arith.constant 3 : i32
        %dma_start3A_304 = arith.constant 0 : i32
        %dma_start3A_305 = arith.constant 0 : i32
        %dma_start3A_306 = tpu.memref_slice %arg14[%dma_start3A_302, %dma_start3A_304, %dma_start3A_305] : memref<4x128x72xf32, #tpu.memory_space<vmem>> -> memref<1x128x72xf32, #tpu.memory_space<vmem>>
        %dma_start3A_307 = tpu.memref_squeeze %dma_start3A_306 : memref<1x128x72xf32, #tpu.memory_space<vmem>> -> memref<128x72xf32, #tpu.memory_space<vmem>>
        %dma_start3A_308 = arith.constant 0 : i32
        %dma_start3A_309 = tpu.memref_slice %arg13[%dma_start3A_303, %dma_start3A_308] : memref<10x128xi32, #tpu.memory_space<vmem>> -> memref<1x128xi32, #tpu.memory_space<vmem>>
        %dma_start3A_310 = tpu.memref_squeeze %dma_start3A_309 : memref<1x128xi32, #tpu.memory_space<vmem>> -> memref<128xi32, #tpu.memory_space<vmem>>
        %dma_start3A_311 = arith.constant 0 : i32
        %dma_start3A_312 = arith.constant 0 : i32
        %dma_start3A_313 = tpu.memref_slice %arg11[%dma_start3A_311, %dma_start3A_312] : memref<10112x72xf32, #tpu.memory_space<vmem_shared>> -> memref<10112x72xf32, #tpu.memory_space<vmem_shared>>
        tpu.enqueue_indirect_dma source(%dma_start3A_307 : memref<128x72xf32, #tpu.memory_space<vmem>>) target(%dma_start3A_313 : memref<10112x72xf32, #tpu.memory_space<vmem_shared>>) offsets(%dma_start3A_310 : memref<128xi32, #tpu.memory_space<vmem>>) semaphore(%arg16 : memref<!tpu.dma_semaphore, #tpu.memory_space<semaphore_mem>>) {add = true}
        %dma_wait3A_314 = arith.constant 1 : i32
        %dma_wait3A_315 = arith.constant 1 : i32
        %dma_wait3A_316 = arith.constant 0 : i32
        %dma_wait3A_317 = arith.constant 0 : i32
        %dma_wait3A_318 = tpu.memref_slice %arg14[%dma_wait3A_314, %dma_wait3A_316, %dma_wait3A_317] : memref<4x128x72xf32, #tpu.memory_space<vmem>> -> memref<1x128x72xf32, #tpu.memory_space<vmem>>
        %dma_wait3A_319 = tpu.memref_squeeze %dma_wait3A_318 : memref<1x128x72xf32, #tpu.memory_space<vmem>> -> memref<128x72xf32, #tpu.memory_space<vmem>>
        %dma_wait3A_320 = arith.constant 0 : i32
        %dma_wait3A_321 = tpu.memref_slice %arg13[%dma_wait3A_315, %dma_wait3A_320] : memref<10x128xi32, #tpu.memory_space<vmem>> -> memref<1x128xi32, #tpu.memory_space<vmem>>
        %dma_wait3A_322 = tpu.memref_squeeze %dma_wait3A_321 : memref<1x128xi32, #tpu.memory_space<vmem>> -> memref<128xi32, #tpu.memory_space<vmem>>
        %dma_wait3A_323 = arith.constant 0 : i32
        %dma_wait3A_324 = arith.constant 0 : i32
        %dma_wait3A_325 = tpu.memref_slice %arg11[%dma_wait3A_323, %dma_wait3A_324] : memref<10112x72xf32, #tpu.memory_space<vmem_shared>> -> memref<10112x72xf32, #tpu.memory_space<vmem_shared>>
        tpu.wait_indirect_dma semaphore(%arg16 : memref<!tpu.dma_semaphore, #tpu.memory_space<semaphore_mem>>) src(%dma_wait3A_319 : memref<128x72xf32, #tpu.memory_space<vmem>>) dst(%dma_wait3A_325 : memref<10112x72xf32, #tpu.memory_space<vmem_shared>>)
        %dma_start3A_326 = arith.constant 5 : i32
        %dma_start3A_327 = arith.constant 1 : i32
        %dma_start3A_328 = arith.constant 0 : i32
        %dma_start3A_329 = arith.constant 0 : i32
        %dma_start3A_330 = tpu.memref_slice %arg14[%dma_start3A_327, %dma_start3A_328, %dma_start3A_329] : memref<4x128x72xf32, #tpu.memory_space<vmem>> -> memref<1x128x72xf32, #tpu.memory_space<vmem>>
        %dma_start3A_331 = tpu.memref_squeeze %dma_start3A_330 : memref<1x128x72xf32, #tpu.memory_space<vmem>> -> memref<128x72xf32, #tpu.memory_space<vmem>>
        %dma_start3A_332 = arith.constant 0 : i32
        %dma_start3A_333 = tpu.memref_slice %arg12[%dma_start3A_326, %dma_start3A_332] : memref<10x128xi32, #tpu.memory_space<vmem>> -> memref<1x128xi32, #tpu.memory_space<vmem>>
        %dma_start3A_334 = tpu.memref_squeeze %dma_start3A_333 : memref<1x128xi32, #tpu.memory_space<vmem>> -> memref<128xi32, #tpu.memory_space<vmem>>
        %dma_start3A_335 = arith.constant 0 : i32
        %dma_start3A_336 = arith.constant 0 : i32
        %dma_start3A_337 = tpu.memref_slice %arg10[%dma_start3A_335, %dma_start3A_336] : memref<10112x72xf32, #tpu.memory_space<vmem_shared>> -> memref<10112x72xf32, #tpu.memory_space<vmem_shared>>
        tpu.enqueue_indirect_dma source(%dma_start3A_337 : memref<10112x72xf32, #tpu.memory_space<vmem_shared>>) target(%dma_start3A_331 : memref<128x72xf32, #tpu.memory_space<vmem>>) offsets(%dma_start3A_334 : memref<128xi32, #tpu.memory_space<vmem>>) semaphore(%arg15 : memref<!tpu.dma_semaphore, #tpu.memory_space<semaphore_mem>>)
        %dma_wait3A_338 = arith.constant 4 : i32
        %dma_wait3A_339 = arith.constant 0 : i32
        %dma_wait3A_340 = arith.constant 0 : i32
        %dma_wait3A_341 = arith.constant 0 : i32
        %dma_wait3A_342 = tpu.memref_slice %arg14[%dma_wait3A_339, %dma_wait3A_340, %dma_wait3A_341] : memref<4x128x72xf32, #tpu.memory_space<vmem>> -> memref<1x128x72xf32, #tpu.memory_space<vmem>>
        %dma_wait3A_343 = tpu.memref_squeeze %dma_wait3A_342 : memref<1x128x72xf32, #tpu.memory_space<vmem>> -> memref<128x72xf32, #tpu.memory_space<vmem>>
        %dma_wait3A_344 = arith.constant 0 : i32
        %dma_wait3A_345 = tpu.memref_slice %arg12[%dma_wait3A_338, %dma_wait3A_344] : memref<10x128xi32, #tpu.memory_space<vmem>> -> memref<1x128xi32, #tpu.memory_space<vmem>>
        %dma_wait3A_346 = tpu.memref_squeeze %dma_wait3A_345 : memref<1x128xi32, #tpu.memory_space<vmem>> -> memref<128xi32, #tpu.memory_space<vmem>>
        %dma_wait3A_347 = arith.constant 0 : i32
        %dma_wait3A_348 = arith.constant 0 : i32
        %dma_wait3A_349 = tpu.memref_slice %arg10[%dma_wait3A_347, %dma_wait3A_348] : memref<10112x72xf32, #tpu.memory_space<vmem_shared>> -> memref<10112x72xf32, #tpu.memory_space<vmem_shared>>
        tpu.wait_indirect_dma semaphore(%arg15 : memref<!tpu.dma_semaphore, #tpu.memory_space<semaphore_mem>>) src(%dma_wait3A_349 : memref<10112x72xf32, #tpu.memory_space<vmem_shared>>) dst(%dma_wait3A_343 : memref<128x72xf32, #tpu.memory_space<vmem>>)
        %dma_start3A_350 = arith.constant 0 : i32
        %dma_start3A_351 = arith.constant 4 : i32
        %dma_start3A_352 = arith.constant 0 : i32
        %dma_start3A_353 = arith.constant 0 : i32
        %dma_start3A_354 = tpu.memref_slice %arg14[%dma_start3A_350, %dma_start3A_352, %dma_start3A_353] : memref<4x128x72xf32, #tpu.memory_space<vmem>> -> memref<1x128x72xf32, #tpu.memory_space<vmem>>
        %dma_start3A_355 = tpu.memref_squeeze %dma_start3A_354 : memref<1x128x72xf32, #tpu.memory_space<vmem>> -> memref<128x72xf32, #tpu.memory_space<vmem>>
        %dma_start3A_356 = arith.constant 0 : i32
        %dma_start3A_357 = tpu.memref_slice %arg13[%dma_start3A_351, %dma_start3A_356] : memref<10x128xi32, #tpu.memory_space<vmem>> -> memref<1x128xi32, #tpu.memory_space<vmem>>
        %dma_start3A_358 = tpu.memref_squeeze %dma_start3A_357 : memref<1x128xi32, #tpu.memory_space<vmem>> -> memref<128xi32, #tpu.memory_space<vmem>>
        %dma_start3A_359 = arith.constant 0 : i32
        %dma_start3A_360 = arith.constant 0 : i32
        %dma_start3A_361 = tpu.memref_slice %arg11[%dma_start3A_359, %dma_start3A_360] : memref<10112x72xf32, #tpu.memory_space<vmem_shared>> -> memref<10112x72xf32, #tpu.memory_space<vmem_shared>>
        tpu.enqueue_indirect_dma source(%dma_start3A_355 : memref<128x72xf32, #tpu.memory_space<vmem>>) target(%dma_start3A_361 : memref<10112x72xf32, #tpu.memory_space<vmem_shared>>) offsets(%dma_start3A_358 : memref<128xi32, #tpu.memory_space<vmem>>) semaphore(%arg16 : memref<!tpu.dma_semaphore, #tpu.memory_space<semaphore_mem>>) {add = true}
        %dma_wait3A_362 = arith.constant 2 : i32
        %dma_wait3A_363 = arith.constant 2 : i32
        %dma_wait3A_364 = arith.constant 0 : i32
        %dma_wait3A_365 = arith.constant 0 : i32
        %dma_wait3A_366 = tpu.memref_slice %arg14[%dma_wait3A_362, %dma_wait3A_364, %dma_wait3A_365] : memref<4x128x72xf32, #tpu.memory_space<vmem>> -> memref<1x128x72xf32, #tpu.memory_space<vmem>>
        %dma_wait3A_367 = tpu.memref_squeeze %dma_wait3A_366 : memref<1x128x72xf32, #tpu.memory_space<vmem>> -> memref<128x72xf32, #tpu.memory_space<vmem>>
        %dma_wait3A_368 = arith.constant 0 : i32
        %dma_wait3A_369 = tpu.memref_slice %arg13[%dma_wait3A_363, %dma_wait3A_368] : memref<10x128xi32, #tpu.memory_space<vmem>> -> memref<1x128xi32, #tpu.memory_space<vmem>>
        %dma_wait3A_370 = tpu.memref_squeeze %dma_wait3A_369 : memref<1x128xi32, #tpu.memory_space<vmem>> -> memref<128xi32, #tpu.memory_space<vmem>>
        %dma_wait3A_371 = arith.constant 0 : i32
        %dma_wait3A_372 = arith.constant 0 : i32
        %dma_wait3A_373 = tpu.memref_slice %arg11[%dma_wait3A_371, %dma_wait3A_372] : memref<10112x72xf32, #tpu.memory_space<vmem_shared>> -> memref<10112x72xf32, #tpu.memory_space<vmem_shared>>
        tpu.wait_indirect_dma semaphore(%arg16 : memref<!tpu.dma_semaphore, #tpu.memory_space<semaphore_mem>>) src(%dma_wait3A_367 : memref<128x72xf32, #tpu.memory_space<vmem>>) dst(%dma_wait3A_373 : memref<10112x72xf32, #tpu.memory_space<vmem_shared>>)
        %dma_start3A_374 = arith.constant 6 : i32
        %dma_start3A_375 = arith.constant 2 : i32
        %dma_start3A_376 = arith.constant 0 : i32
        %dma_start3A_377 = arith.constant 0 : i32
        %dma_start3A_378 = tpu.memref_slice %arg14[%dma_start3A_375, %dma_start3A_376, %dma_start3A_377] : memref<4x128x72xf32, #tpu.memory_space<vmem>> -> memref<1x128x72xf32, #tpu.memory_space<vmem>>
        %dma_start3A_379 = tpu.memref_squeeze %dma_start3A_378 : memref<1x128x72xf32, #tpu.memory_space<vmem>> -> memref<128x72xf32, #tpu.memory_space<vmem>>
        %dma_start3A_380 = arith.constant 0 : i32
        %dma_start3A_381 = tpu.memref_slice %arg12[%dma_start3A_374, %dma_start3A_380] : memref<10x128xi32, #tpu.memory_space<vmem>> -> memref<1x128xi32, #tpu.memory_space<vmem>>
        %dma_start3A_382 = tpu.memref_squeeze %dma_start3A_381 : memref<1x128xi32, #tpu.memory_space<vmem>> -> memref<128xi32, #tpu.memory_space<vmem>>
        %dma_start3A_383 = arith.constant 0 : i32
        %dma_start3A_384 = arith.constant 0 : i32
        %dma_start3A_385 = tpu.memref_slice %arg10[%dma_start3A_383, %dma_start3A_384] : memref<10112x72xf32, #tpu.memory_space<vmem_shared>> -> memref<10112x72xf32, #tpu.memory_space<vmem_shared>>
        tpu.enqueue_indirect_dma source(%dma_start3A_385 : memref<10112x72xf32, #tpu.memory_space<vmem_shared>>) target(%dma_start3A_379 : memref<128x72xf32, #tpu.memory_space<vmem>>) offsets(%dma_start3A_382 : memref<128xi32, #tpu.memory_space<vmem>>) semaphore(%arg15 : memref<!tpu.dma_semaphore, #tpu.memory_space<semaphore_mem>>)
        %dma_wait3A_386 = arith.constant 5 : i32
        %dma_wait3A_387 = arith.constant 1 : i32
        %dma_wait3A_388 = arith.constant 0 : i32
        %dma_wait3A_389 = arith.constant 0 : i32
        %dma_wait3A_390 = tpu.memref_slice %arg14[%dma_wait3A_387, %dma_wait3A_388, %dma_wait3A_389] : memref<4x128x72xf32, #tpu.memory_space<vmem>> -> memref<1x128x72xf32, #tpu.memory_space<vmem>>
        %dma_wait3A_391 = tpu.memref_squeeze %dma_wait3A_390 : memref<1x128x72xf32, #tpu.memory_space<vmem>> -> memref<128x72xf32, #tpu.memory_space<vmem>>
        %dma_wait3A_392 = arith.constant 0 : i32
        %dma_wait3A_393 = tpu.memref_slice %arg12[%dma_wait3A_386, %dma_wait3A_392] : memref<10x128xi32, #tpu.memory_space<vmem>> -> memref<1x128xi32, #tpu.memory_space<vmem>>
        %dma_wait3A_394 = tpu.memref_squeeze %dma_wait3A_393 : memref<1x128xi32, #tpu.memory_space<vmem>> -> memref<128xi32, #tpu.memory_space<vmem>>
        %dma_wait3A_395 = arith.constant 0 : i32
        %dma_wait3A_396 = arith.constant 0 : i32
        %dma_wait3A_397 = tpu.memref_slice %arg10[%dma_wait3A_395, %dma_wait3A_396] : memref<10112x72xf32, #tpu.memory_space<vmem_shared>> -> memref<10112x72xf32, #tpu.memory_space<vmem_shared>>
        tpu.wait_indirect_dma semaphore(%arg15 : memref<!tpu.dma_semaphore, #tpu.memory_space<semaphore_mem>>) src(%dma_wait3A_397 : memref<10112x72xf32, #tpu.memory_space<vmem_shared>>) dst(%dma_wait3A_391 : memref<128x72xf32, #tpu.memory_space<vmem>>)
        %dma_start3A_398 = arith.constant 1 : i32
        %dma_start3A_399 = arith.constant 5 : i32
        %dma_start3A_400 = arith.constant 0 : i32
        %dma_start3A_401 = arith.constant 0 : i32
        %dma_start3A_402 = tpu.memref_slice %arg14[%dma_start3A_398, %dma_start3A_400, %dma_start3A_401] : memref<4x128x72xf32, #tpu.memory_space<vmem>> -> memref<1x128x72xf32, #tpu.memory_space<vmem>>
        %dma_start3A_403 = tpu.memref_squeeze %dma_start3A_402 : memref<1x128x72xf32, #tpu.memory_space<vmem>> -> memref<128x72xf32, #tpu.memory_space<vmem>>
        %dma_start3A_404 = arith.constant 0 : i32
        %dma_start3A_405 = tpu.memref_slice %arg13[%dma_start3A_399, %dma_start3A_404] : memref<10x128xi32, #tpu.memory_space<vmem>> -> memref<1x128xi32, #tpu.memory_space<vmem>>
        %dma_start3A_406 = tpu.memref_squeeze %dma_start3A_405 : memref<1x128xi32, #tpu.memory_space<vmem>> -> memref<128xi32, #tpu.memory_space<vmem>>
        %dma_start3A_407 = arith.constant 0 : i32
        %dma_start3A_408 = arith.constant 0 : i32
        %dma_start3A_409 = tpu.memref_slice %arg11[%dma_start3A_407, %dma_start3A_408] : memref<10112x72xf32, #tpu.memory_space<vmem_shared>> -> memref<10112x72xf32, #tpu.memory_space<vmem_shared>>
        tpu.enqueue_indirect_dma source(%dma_start3A_403 : memref<128x72xf32, #tpu.memory_space<vmem>>) target(%dma_start3A_409 : memref<10112x72xf32, #tpu.memory_space<vmem_shared>>) offsets(%dma_start3A_406 : memref<128xi32, #tpu.memory_space<vmem>>) semaphore(%arg16 : memref<!tpu.dma_semaphore, #tpu.memory_space<semaphore_mem>>) {add = true}
        %dma_wait3A_410 = arith.constant 3 : i32
        %dma_wait3A_411 = arith.constant 3 : i32
        %dma_wait3A_412 = arith.constant 0 : i32
        %dma_wait3A_413 = arith.constant 0 : i32
        %dma_wait3A_414 = tpu.memref_slice %arg14[%dma_wait3A_410, %dma_wait3A_412, %dma_wait3A_413] : memref<4x128x72xf32, #tpu.memory_space<vmem>> -> memref<1x128x72xf32, #tpu.memory_space<vmem>>
        %dma_wait3A_415 = tpu.memref_squeeze %dma_wait3A_414 : memref<1x128x72xf32, #tpu.memory_space<vmem>> -> memref<128x72xf32, #tpu.memory_space<vmem>>
        %dma_wait3A_416 = arith.constant 0 : i32
        %dma_wait3A_417 = tpu.memref_slice %arg13[%dma_wait3A_411, %dma_wait3A_416] : memref<10x128xi32, #tpu.memory_space<vmem>> -> memref<1x128xi32, #tpu.memory_space<vmem>>
        %dma_wait3A_418 = tpu.memref_squeeze %dma_wait3A_417 : memref<1x128xi32, #tpu.memory_space<vmem>> -> memref<128xi32, #tpu.memory_space<vmem>>
        %dma_wait3A_419 = arith.constant 0 : i32
        %dma_wait3A_420 = arith.constant 0 : i32
        %dma_wait3A_421 = tpu.memref_slice %arg11[%dma_wait3A_419, %dma_wait3A_420] : memref<10112x72xf32, #tpu.memory_space<vmem_shared>> -> memref<10112x72xf32, #tpu.memory_space<vmem_shared>>
        tpu.wait_indirect_dma semaphore(%arg16 : memref<!tpu.dma_semaphore, #tpu.memory_space<semaphore_mem>>) src(%dma_wait3A_415 : memref<128x72xf32, #tpu.memory_space<vmem>>) dst(%dma_wait3A_421 : memref<10112x72xf32, #tpu.memory_space<vmem_shared>>)
        %dma_start3A_422 = arith.constant 7 : i32
        %dma_start3A_423 = arith.constant 3 : i32
        %dma_start3A_424 = arith.constant 0 : i32
        %dma_start3A_425 = arith.constant 0 : i32
        %dma_start3A_426 = tpu.memref_slice %arg14[%dma_start3A_423, %dma_start3A_424, %dma_start3A_425] : memref<4x128x72xf32, #tpu.memory_space<vmem>> -> memref<1x128x72xf32, #tpu.memory_space<vmem>>
        %dma_start3A_427 = tpu.memref_squeeze %dma_start3A_426 : memref<1x128x72xf32, #tpu.memory_space<vmem>> -> memref<128x72xf32, #tpu.memory_space<vmem>>
        %dma_start3A_428 = arith.constant 0 : i32
        %dma_start3A_429 = tpu.memref_slice %arg12[%dma_start3A_422, %dma_start3A_428] : memref<10x128xi32, #tpu.memory_space<vmem>> -> memref<1x128xi32, #tpu.memory_space<vmem>>
        %dma_start3A_430 = tpu.memref_squeeze %dma_start3A_429 : memref<1x128xi32, #tpu.memory_space<vmem>> -> memref<128xi32, #tpu.memory_space<vmem>>
        %dma_start3A_431 = arith.constant 0 : i32
        %dma_start3A_432 = arith.constant 0 : i32
        %dma_start3A_433 = tpu.memref_slice %arg10[%dma_start3A_431, %dma_start3A_432] : memref<10112x72xf32, #tpu.memory_space<vmem_shared>> -> memref<10112x72xf32, #tpu.memory_space<vmem_shared>>
        tpu.enqueue_indirect_dma source(%dma_start3A_433 : memref<10112x72xf32, #tpu.memory_space<vmem_shared>>) target(%dma_start3A_427 : memref<128x72xf32, #tpu.memory_space<vmem>>) offsets(%dma_start3A_430 : memref<128xi32, #tpu.memory_space<vmem>>) semaphore(%arg15 : memref<!tpu.dma_semaphore, #tpu.memory_space<semaphore_mem>>)
        %dma_wait3A_434 = arith.constant 6 : i32
        %dma_wait3A_435 = arith.constant 2 : i32
        %dma_wait3A_436 = arith.constant 0 : i32
        %dma_wait3A_437 = arith.constant 0 : i32
        %dma_wait3A_438 = tpu.memref_slice %arg14[%dma_wait3A_435, %dma_wait3A_436, %dma_wait3A_437] : memref<4x128x72xf32, #tpu.memory_space<vmem>> -> memref<1x128x72xf32, #tpu.memory_space<vmem>>
        %dma_wait3A_439 = tpu.memref_squeeze %dma_wait3A_438 : memref<1x128x72xf32, #tpu.memory_space<vmem>> -> memref<128x72xf32, #tpu.memory_space<vmem>>
        %dma_wait3A_440 = arith.constant 0 : i32
        %dma_wait3A_441 = tpu.memref_slice %arg12[%dma_wait3A_434, %dma_wait3A_440] : memref<10x128xi32, #tpu.memory_space<vmem>> -> memref<1x128xi32, #tpu.memory_space<vmem>>
        %dma_wait3A_442 = tpu.memref_squeeze %dma_wait3A_441 : memref<1x128xi32, #tpu.memory_space<vmem>> -> memref<128xi32, #tpu.memory_space<vmem>>
        %dma_wait3A_443 = arith.constant 0 : i32
        %dma_wait3A_444 = arith.constant 0 : i32
        %dma_wait3A_445 = tpu.memref_slice %arg10[%dma_wait3A_443, %dma_wait3A_444] : memref<10112x72xf32, #tpu.memory_space<vmem_shared>> -> memref<10112x72xf32, #tpu.memory_space<vmem_shared>>
        tpu.wait_indirect_dma semaphore(%arg15 : memref<!tpu.dma_semaphore, #tpu.memory_space<semaphore_mem>>) src(%dma_wait3A_445 : memref<10112x72xf32, #tpu.memory_space<vmem_shared>>) dst(%dma_wait3A_439 : memref<128x72xf32, #tpu.memory_space<vmem>>)
        %dma_start3A_446 = arith.constant 2 : i32
        %dma_start3A_447 = arith.constant 6 : i32
        %dma_start3A_448 = arith.constant 0 : i32
        %dma_start3A_449 = arith.constant 0 : i32
        %dma_start3A_450 = tpu.memref_slice %arg14[%dma_start3A_446, %dma_start3A_448, %dma_start3A_449] : memref<4x128x72xf32, #tpu.memory_space<vmem>> -> memref<1x128x72xf32, #tpu.memory_space<vmem>>
        %dma_start3A_451 = tpu.memref_squeeze %dma_start3A_450 : memref<1x128x72xf32, #tpu.memory_space<vmem>> -> memref<128x72xf32, #tpu.memory_space<vmem>>
        %dma_start3A_452 = arith.constant 0 : i32
        %dma_start3A_453 = tpu.memref_slice %arg13[%dma_start3A_447, %dma_start3A_452] : memref<10x128xi32, #tpu.memory_space<vmem>> -> memref<1x128xi32, #tpu.memory_space<vmem>>
        %dma_start3A_454 = tpu.memref_squeeze %dma_start3A_453 : memref<1x128xi32, #tpu.memory_space<vmem>> -> memref<128xi32, #tpu.memory_space<vmem>>
        %dma_start3A_455 = arith.constant 0 : i32
        %dma_start3A_456 = arith.constant 0 : i32
        %dma_start3A_457 = tpu.memref_slice %arg11[%dma_start3A_455, %dma_start3A_456] : memref<10112x72xf32, #tpu.memory_space<vmem_shared>> -> memref<10112x72xf32, #tpu.memory_space<vmem_shared>>
        tpu.enqueue_indirect_dma source(%dma_start3A_451 : memref<128x72xf32, #tpu.memory_space<vmem>>) target(%dma_start3A_457 : memref<10112x72xf32, #tpu.memory_space<vmem_shared>>) offsets(%dma_start3A_454 : memref<128xi32, #tpu.memory_space<vmem>>) semaphore(%arg16 : memref<!tpu.dma_semaphore, #tpu.memory_space<semaphore_mem>>) {add = true}
        %dma_wait3A_458 = arith.constant 0 : i32
        %dma_wait3A_459 = arith.constant 4 : i32
        %dma_wait3A_460 = arith.constant 0 : i32
        %dma_wait3A_461 = arith.constant 0 : i32
        %dma_wait3A_462 = tpu.memref_slice %arg14[%dma_wait3A_458, %dma_wait3A_460, %dma_wait3A_461] : memref<4x128x72xf32, #tpu.memory_space<vmem>> -> memref<1x128x72xf32, #tpu.memory_space<vmem>>
        %dma_wait3A_463 = tpu.memref_squeeze %dma_wait3A_462 : memref<1x128x72xf32, #tpu.memory_space<vmem>> -> memref<128x72xf32, #tpu.memory_space<vmem>>
        %dma_wait3A_464 = arith.constant 0 : i32
        %dma_wait3A_465 = tpu.memref_slice %arg13[%dma_wait3A_459, %dma_wait3A_464] : memref<10x128xi32, #tpu.memory_space<vmem>> -> memref<1x128xi32, #tpu.memory_space<vmem>>
        %dma_wait3A_466 = tpu.memref_squeeze %dma_wait3A_465 : memref<1x128xi32, #tpu.memory_space<vmem>> -> memref<128xi32, #tpu.memory_space<vmem>>
        %dma_wait3A_467 = arith.constant 0 : i32
        %dma_wait3A_468 = arith.constant 0 : i32
        %dma_wait3A_469 = tpu.memref_slice %arg11[%dma_wait3A_467, %dma_wait3A_468] : memref<10112x72xf32, #tpu.memory_space<vmem_shared>> -> memref<10112x72xf32, #tpu.memory_space<vmem_shared>>
        tpu.wait_indirect_dma semaphore(%arg16 : memref<!tpu.dma_semaphore, #tpu.memory_space<semaphore_mem>>) src(%dma_wait3A_463 : memref<128x72xf32, #tpu.memory_space<vmem>>) dst(%dma_wait3A_469 : memref<10112x72xf32, #tpu.memory_space<vmem_shared>>)
        %dma_start3A_470 = arith.constant 8 : i32
        %dma_start3A_471 = arith.constant 0 : i32
        %dma_start3A_472 = arith.constant 0 : i32
        %dma_start3A_473 = arith.constant 0 : i32
        %dma_start3A_474 = tpu.memref_slice %arg14[%dma_start3A_471, %dma_start3A_472, %dma_start3A_473] : memref<4x128x72xf32, #tpu.memory_space<vmem>> -> memref<1x128x72xf32, #tpu.memory_space<vmem>>
        %dma_start3A_475 = tpu.memref_squeeze %dma_start3A_474 : memref<1x128x72xf32, #tpu.memory_space<vmem>> -> memref<128x72xf32, #tpu.memory_space<vmem>>
        %dma_start3A_476 = arith.constant 0 : i32
        %dma_start3A_477 = tpu.memref_slice %arg12[%dma_start3A_470, %dma_start3A_476] : memref<10x128xi32, #tpu.memory_space<vmem>> -> memref<1x128xi32, #tpu.memory_space<vmem>>
        %dma_start3A_478 = tpu.memref_squeeze %dma_start3A_477 : memref<1x128xi32, #tpu.memory_space<vmem>> -> memref<128xi32, #tpu.memory_space<vmem>>
        %dma_start3A_479 = arith.constant 0 : i32
        %dma_start3A_480 = arith.constant 0 : i32
        %dma_start3A_481 = tpu.memref_slice %arg10[%dma_start3A_479, %dma_start3A_480] : memref<10112x72xf32, #tpu.memory_space<vmem_shared>> -> memref<10112x72xf32, #tpu.memory_space<vmem_shared>>
        tpu.enqueue_indirect_dma source(%dma_start3A_481 : memref<10112x72xf32, #tpu.memory_space<vmem_shared>>) target(%dma_start3A_475 : memref<128x72xf32, #tpu.memory_space<vmem>>) offsets(%dma_start3A_478 : memref<128xi32, #tpu.memory_space<vmem>>) semaphore(%arg15 : memref<!tpu.dma_semaphore, #tpu.memory_space<semaphore_mem>>)
        %dma_wait3A_482 = arith.constant 7 : i32
        %dma_wait3A_483 = arith.constant 3 : i32
        %dma_wait3A_484 = arith.constant 0 : i32
        %dma_wait3A_485 = arith.constant 0 : i32
        %dma_wait3A_486 = tpu.memref_slice %arg14[%dma_wait3A_483, %dma_wait3A_484, %dma_wait3A_485] : memref<4x128x72xf32, #tpu.memory_space<vmem>> -> memref<1x128x72xf32, #tpu.memory_space<vmem>>
        %dma_wait3A_487 = tpu.memref_squeeze %dma_wait3A_486 : memref<1x128x72xf32, #tpu.memory_space<vmem>> -> memref<128x72xf32, #tpu.memory_space<vmem>>
        %dma_wait3A_488 = arith.constant 0 : i32
        %dma_wait3A_489 = tpu.memref_slice %arg12[%dma_wait3A_482, %dma_wait3A_488] : memref<10x128xi32, #tpu.memory_space<vmem>> -> memref<1x128xi32, #tpu.memory_space<vmem>>
        %dma_wait3A_490 = tpu.memref_squeeze %dma_wait3A_489 : memref<1x128xi32, #tpu.memory_space<vmem>> -> memref<128xi32, #tpu.memory_space<vmem>>
        %dma_wait3A_491 = arith.constant 0 : i32
        %dma_wait3A_492 = arith.constant 0 : i32
        %dma_wait3A_493 = tpu.memref_slice %arg10[%dma_wait3A_491, %dma_wait3A_492] : memref<10112x72xf32, #tpu.memory_space<vmem_shared>> -> memref<10112x72xf32, #tpu.memory_space<vmem_shared>>
        tpu.wait_indirect_dma semaphore(%arg15 : memref<!tpu.dma_semaphore, #tpu.memory_space<semaphore_mem>>) src(%dma_wait3A_493 : memref<10112x72xf32, #tpu.memory_space<vmem_shared>>) dst(%dma_wait3A_487 : memref<128x72xf32, #tpu.memory_space<vmem>>)
        %dma_start3A_494 = arith.constant 3 : i32
        %dma_start3A_495 = arith.constant 7 : i32
        %dma_start3A_496 = arith.constant 0 : i32
        %dma_start3A_497 = arith.constant 0 : i32
        %dma_start3A_498 = tpu.memref_slice %arg14[%dma_start3A_494, %dma_start3A_496, %dma_start3A_497] : memref<4x128x72xf32, #tpu.memory_space<vmem>> -> memref<1x128x72xf32, #tpu.memory_space<vmem>>
        %dma_start3A_499 = tpu.memref_squeeze %dma_start3A_498 : memref<1x128x72xf32, #tpu.memory_space<vmem>> -> memref<128x72xf32, #tpu.memory_space<vmem>>
        %dma_start3A_500 = arith.constant 0 : i32
        %dma_start3A_501 = tpu.memref_slice %arg13[%dma_start3A_495, %dma_start3A_500] : memref<10x128xi32, #tpu.memory_space<vmem>> -> memref<1x128xi32, #tpu.memory_space<vmem>>
        %dma_start3A_502 = tpu.memref_squeeze %dma_start3A_501 : memref<1x128xi32, #tpu.memory_space<vmem>> -> memref<128xi32, #tpu.memory_space<vmem>>
        %dma_start3A_503 = arith.constant 0 : i32
        %dma_start3A_504 = arith.constant 0 : i32
        %dma_start3A_505 = tpu.memref_slice %arg11[%dma_start3A_503, %dma_start3A_504] : memref<10112x72xf32, #tpu.memory_space<vmem_shared>> -> memref<10112x72xf32, #tpu.memory_space<vmem_shared>>
        tpu.enqueue_indirect_dma source(%dma_start3A_499 : memref<128x72xf32, #tpu.memory_space<vmem>>) target(%dma_start3A_505 : memref<10112x72xf32, #tpu.memory_space<vmem_shared>>) offsets(%dma_start3A_502 : memref<128xi32, #tpu.memory_space<vmem>>) semaphore(%arg16 : memref<!tpu.dma_semaphore, #tpu.memory_space<semaphore_mem>>) {add = true}
        %dma_wait3A_506 = arith.constant 1 : i32
        %dma_wait3A_507 = arith.constant 5 : i32
        %dma_wait3A_508 = arith.constant 0 : i32
        %dma_wait3A_509 = arith.constant 0 : i32
        %dma_wait3A_510 = tpu.memref_slice %arg14[%dma_wait3A_506, %dma_wait3A_508, %dma_wait3A_509] : memref<4x128x72xf32, #tpu.memory_space<vmem>> -> memref<1x128x72xf32, #tpu.memory_space<vmem>>
        %dma_wait3A_511 = tpu.memref_squeeze %dma_wait3A_510 : memref<1x128x72xf32, #tpu.memory_space<vmem>> -> memref<128x72xf32, #tpu.memory_space<vmem>>
        %dma_wait3A_512 = arith.constant 0 : i32
        %dma_wait3A_513 = tpu.memref_slice %arg13[%dma_wait3A_507, %dma_wait3A_512] : memref<10x128xi32, #tpu.memory_space<vmem>> -> memref<1x128xi32, #tpu.memory_space<vmem>>
        %dma_wait3A_514 = tpu.memref_squeeze %dma_wait3A_513 : memref<1x128xi32, #tpu.memory_space<vmem>> -> memref<128xi32, #tpu.memory_space<vmem>>
        %dma_wait3A_515 = arith.constant 0 : i32
        %dma_wait3A_516 = arith.constant 0 : i32
        %dma_wait3A_517 = tpu.memref_slice %arg11[%dma_wait3A_515, %dma_wait3A_516] : memref<10112x72xf32, #tpu.memory_space<vmem_shared>> -> memref<10112x72xf32, #tpu.memory_space<vmem_shared>>
        tpu.wait_indirect_dma semaphore(%arg16 : memref<!tpu.dma_semaphore, #tpu.memory_space<semaphore_mem>>) src(%dma_wait3A_511 : memref<128x72xf32, #tpu.memory_space<vmem>>) dst(%dma_wait3A_517 : memref<10112x72xf32, #tpu.memory_space<vmem_shared>>)
        %dma_start3A_518 = arith.constant 9 : i32
        %dma_start3A_519 = arith.constant 1 : i32
        %dma_start3A_520 = arith.constant 0 : i32
        %dma_start3A_521 = arith.constant 0 : i32
        %dma_start3A_522 = tpu.memref_slice %arg14[%dma_start3A_519, %dma_start3A_520, %dma_start3A_521] : memref<4x128x72xf32, #tpu.memory_space<vmem>> -> memref<1x128x72xf32, #tpu.memory_space<vmem>>
        %dma_start3A_523 = tpu.memref_squeeze %dma_start3A_522 : memref<1x128x72xf32, #tpu.memory_space<vmem>> -> memref<128x72xf32, #tpu.memory_space<vmem>>
        %dma_start3A_524 = arith.constant 0 : i32
        %dma_start3A_525 = tpu.memref_slice %arg12[%dma_start3A_518, %dma_start3A_524] : memref<10x128xi32, #tpu.memory_space<vmem>> -> memref<1x128xi32, #tpu.memory_space<vmem>>
        %dma_start3A_526 = tpu.memref_squeeze %dma_start3A_525 : memref<1x128xi32, #tpu.memory_space<vmem>> -> memref<128xi32, #tpu.memory_space<vmem>>
        %dma_start3A_527 = arith.constant 0 : i32
        %dma_start3A_528 = arith.constant 0 : i32
        %dma_start3A_529 = tpu.memref_slice %arg10[%dma_start3A_527, %dma_start3A_528] : memref<10112x72xf32, #tpu.memory_space<vmem_shared>> -> memref<10112x72xf32, #tpu.memory_space<vmem_shared>>
        tpu.enqueue_indirect_dma source(%dma_start3A_529 : memref<10112x72xf32, #tpu.memory_space<vmem_shared>>) target(%dma_start3A_523 : memref<128x72xf32, #tpu.memory_space<vmem>>) offsets(%dma_start3A_526 : memref<128xi32, #tpu.memory_space<vmem>>) semaphore(%arg15 : memref<!tpu.dma_semaphore, #tpu.memory_space<semaphore_mem>>)
        %dma_wait3A_530 = arith.constant 8 : i32
        %dma_wait3A_531 = arith.constant 0 : i32
        %dma_wait3A_532 = arith.constant 0 : i32
        %dma_wait3A_533 = arith.constant 0 : i32
        %dma_wait3A_534 = tpu.memref_slice %arg14[%dma_wait3A_531, %dma_wait3A_532, %dma_wait3A_533] : memref<4x128x72xf32, #tpu.memory_space<vmem>> -> memref<1x128x72xf32, #tpu.memory_space<vmem>>
        %dma_wait3A_535 = tpu.memref_squeeze %dma_wait3A_534 : memref<1x128x72xf32, #tpu.memory_space<vmem>> -> memref<128x72xf32, #tpu.memory_space<vmem>>
        %dma_wait3A_536 = arith.constant 0 : i32
        %dma_wait3A_537 = tpu.memref_slice %arg12[%dma_wait3A_530, %dma_wait3A_536] : memref<10x128xi32, #tpu.memory_space<vmem>> -> memref<1x128xi32, #tpu.memory_space<vmem>>
        %dma_wait3A_538 = tpu.memref_squeeze %dma_wait3A_537 : memref<1x128xi32, #tpu.memory_space<vmem>> -> memref<128xi32, #tpu.memory_space<vmem>>
        %dma_wait3A_539 = arith.constant 0 : i32
        %dma_wait3A_540 = arith.constant 0 : i32
        %dma_wait3A_541 = tpu.memref_slice %arg10[%dma_wait3A_539, %dma_wait3A_540] : memref<10112x72xf32, #tpu.memory_space<vmem_shared>> -> memref<10112x72xf32, #tpu.memory_space<vmem_shared>>
        tpu.wait_indirect_dma semaphore(%arg15 : memref<!tpu.dma_semaphore, #tpu.memory_space<semaphore_mem>>) src(%dma_wait3A_541 : memref<10112x72xf32, #tpu.memory_space<vmem_shared>>) dst(%dma_wait3A_535 : memref<128x72xf32, #tpu.memory_space<vmem>>)
        %dma_start3A_542 = arith.constant 0 : i32
        %dma_start3A_543 = arith.constant 8 : i32
        %dma_start3A_544 = arith.constant 0 : i32
        %dma_start3A_545 = arith.constant 0 : i32
        %dma_start3A_546 = tpu.memref_slice %arg14[%dma_start3A_542, %dma_start3A_544, %dma_start3A_545] : memref<4x128x72xf32, #tpu.memory_space<vmem>> -> memref<1x128x72xf32, #tpu.memory_space<vmem>>
        %dma_start3A_547 = tpu.memref_squeeze %dma_start3A_546 : memref<1x128x72xf32, #tpu.memory_space<vmem>> -> memref<128x72xf32, #tpu.memory_space<vmem>>
        %dma_start3A_548 = arith.constant 0 : i32
        %dma_start3A_549 = tpu.memref_slice %arg13[%dma_start3A_543, %dma_start3A_548] : memref<10x128xi32, #tpu.memory_space<vmem>> -> memref<1x128xi32, #tpu.memory_space<vmem>>
        %dma_start3A_550 = tpu.memref_squeeze %dma_start3A_549 : memref<1x128xi32, #tpu.memory_space<vmem>> -> memref<128xi32, #tpu.memory_space<vmem>>
        %dma_start3A_551 = arith.constant 0 : i32
        %dma_start3A_552 = arith.constant 0 : i32
        %dma_start3A_553 = tpu.memref_slice %arg11[%dma_start3A_551, %dma_start3A_552] : memref<10112x72xf32, #tpu.memory_space<vmem_shared>> -> memref<10112x72xf32, #tpu.memory_space<vmem_shared>>
        tpu.enqueue_indirect_dma source(%dma_start3A_547 : memref<128x72xf32, #tpu.memory_space<vmem>>) target(%dma_start3A_553 : memref<10112x72xf32, #tpu.memory_space<vmem_shared>>) offsets(%dma_start3A_550 : memref<128xi32, #tpu.memory_space<vmem>>) semaphore(%arg16 : memref<!tpu.dma_semaphore, #tpu.memory_space<semaphore_mem>>) {add = true}
        %dma_wait3A_554 = arith.constant 2 : i32
        %dma_wait3A_555 = arith.constant 6 : i32
        %dma_wait3A_556 = arith.constant 0 : i32
        %dma_wait3A_557 = arith.constant 0 : i32
        %dma_wait3A_558 = tpu.memref_slice %arg14[%dma_wait3A_554, %dma_wait3A_556, %dma_wait3A_557] : memref<4x128x72xf32, #tpu.memory_space<vmem>> -> memref<1x128x72xf32, #tpu.memory_space<vmem>>
        %dma_wait3A_559 = tpu.memref_squeeze %dma_wait3A_558 : memref<1x128x72xf32, #tpu.memory_space<vmem>> -> memref<128x72xf32, #tpu.memory_space<vmem>>
        %dma_wait3A_560 = arith.constant 0 : i32
        %dma_wait3A_561 = tpu.memref_slice %arg13[%dma_wait3A_555, %dma_wait3A_560] : memref<10x128xi32, #tpu.memory_space<vmem>> -> memref<1x128xi32, #tpu.memory_space<vmem>>
        %dma_wait3A_562 = tpu.memref_squeeze %dma_wait3A_561 : memref<1x128xi32, #tpu.memory_space<vmem>> -> memref<128xi32, #tpu.memory_space<vmem>>
        %dma_wait3A_563 = arith.constant 0 : i32
        %dma_wait3A_564 = arith.constant 0 : i32
        %dma_wait3A_565 = tpu.memref_slice %arg11[%dma_wait3A_563, %dma_wait3A_564] : memref<10112x72xf32, #tpu.memory_space<vmem_shared>> -> memref<10112x72xf32, #tpu.memory_space<vmem_shared>>
        tpu.wait_indirect_dma semaphore(%arg16 : memref<!tpu.dma_semaphore, #tpu.memory_space<semaphore_mem>>) src(%dma_wait3A_559 : memref<128x72xf32, #tpu.memory_space<vmem>>) dst(%dma_wait3A_565 : memref<10112x72xf32, #tpu.memory_space<vmem_shared>>)
        %dma_wait3A_566 = arith.constant 9 : i32
        %dma_wait3A_567 = arith.constant 1 : i32
        %dma_wait3A_568 = arith.constant 0 : i32
        %dma_wait3A_569 = arith.constant 0 : i32
        %dma_wait3A_570 = tpu.memref_slice %arg14[%dma_wait3A_567, %dma_wait3A_568, %dma_wait3A_569] : memref<4x128x72xf32, #tpu.memory_space<vmem>> -> memref<1x128x72xf32, #tpu.memory_space<vmem>>
        %dma_wait3A_571 = tpu.memref_squeeze %dma_wait3A_570 : memref<1x128x72xf32, #tpu.memory_space<vmem>> -> memref<128x72xf32, #tpu.memory_space<vmem>>
        %dma_wait3A_572 = arith.constant 0 : i32
        %dma_wait3A_573 = tpu.memref_slice %arg12[%dma_wait3A_566, %dma_wait3A_572] : memref<10x128xi32, #tpu.memory_space<vmem>> -> memref<1x128xi32, #tpu.memory_space<vmem>>
        %dma_wait3A_574 = tpu.memref_squeeze %dma_wait3A_573 : memref<1x128xi32, #tpu.memory_space<vmem>> -> memref<128xi32, #tpu.memory_space<vmem>>
        %dma_wait3A_575 = arith.constant 0 : i32
        %dma_wait3A_576 = arith.constant 0 : i32
        %dma_wait3A_577 = tpu.memref_slice %arg10[%dma_wait3A_575, %dma_wait3A_576] : memref<10112x72xf32, #tpu.memory_space<vmem_shared>> -> memref<10112x72xf32, #tpu.memory_space<vmem_shared>>
        tpu.wait_indirect_dma semaphore(%arg15 : memref<!tpu.dma_semaphore, #tpu.memory_space<semaphore_mem>>) src(%dma_wait3A_577 : memref<10112x72xf32, #tpu.memory_space<vmem_shared>>) dst(%dma_wait3A_571 : memref<128x72xf32, #tpu.memory_space<vmem>>)
        %dma_start3A_578 = arith.constant 1 : i32
        %dma_start3A_579 = arith.constant 9 : i32
        %dma_start3A_580 = arith.constant 0 : i32
        %dma_start3A_581 = arith.constant 0 : i32
        %dma_start3A_582 = tpu.memref_slice %arg14[%dma_start3A_578, %dma_start3A_580, %dma_start3A_581] : memref<4x128x72xf32, #tpu.memory_space<vmem>> -> memref<1x128x72xf32, #tpu.memory_space<vmem>>
        %dma_start3A_583 = tpu.memref_squeeze %dma_start3A_582 : memref<1x128x72xf32, #tpu.memory_space<vmem>> -> memref<128x72xf32, #tpu.memory_space<vmem>>
        %dma_start3A_584 = arith.constant 0 : i32
        %dma_start3A_585 = tpu.memref_slice %arg13[%dma_start3A_579, %dma_start3A_584] : memref<10x128xi32, #tpu.memory_space<vmem>> -> memref<1x128xi32, #tpu.memory_space<vmem>>
        %dma_start3A_586 = tpu.memref_squeeze %dma_start3A_585 : memref<1x128xi32, #tpu.memory_space<vmem>> -> memref<128xi32, #tpu.memory_space<vmem>>
        %dma_start3A_587 = arith.constant 0 : i32
        %dma_start3A_588 = arith.constant 0 : i32
        %dma_start3A_589 = tpu.memref_slice %arg11[%dma_start3A_587, %dma_start3A_588] : memref<10112x72xf32, #tpu.memory_space<vmem_shared>> -> memref<10112x72xf32, #tpu.memory_space<vmem_shared>>
        tpu.enqueue_indirect_dma source(%dma_start3A_583 : memref<128x72xf32, #tpu.memory_space<vmem>>) target(%dma_start3A_589 : memref<10112x72xf32, #tpu.memory_space<vmem_shared>>) offsets(%dma_start3A_586 : memref<128xi32, #tpu.memory_space<vmem>>) semaphore(%arg16 : memref<!tpu.dma_semaphore, #tpu.memory_space<semaphore_mem>>) {add = true}
        %dma_wait3A_590 = arith.constant 3 : i32
        %dma_wait3A_591 = arith.constant 7 : i32
        %dma_wait3A_592 = arith.constant 0 : i32
        %dma_wait3A_593 = arith.constant 0 : i32
        %dma_wait3A_594 = tpu.memref_slice %arg14[%dma_wait3A_590, %dma_wait3A_592, %dma_wait3A_593] : memref<4x128x72xf32, #tpu.memory_space<vmem>> -> memref<1x128x72xf32, #tpu.memory_space<vmem>>
        %dma_wait3A_595 = tpu.memref_squeeze %dma_wait3A_594 : memref<1x128x72xf32, #tpu.memory_space<vmem>> -> memref<128x72xf32, #tpu.memory_space<vmem>>
        %dma_wait3A_596 = arith.constant 0 : i32
        %dma_wait3A_597 = tpu.memref_slice %arg13[%dma_wait3A_591, %dma_wait3A_596] : memref<10x128xi32, #tpu.memory_space<vmem>> -> memref<1x128xi32, #tpu.memory_space<vmem>>
        %dma_wait3A_598 = tpu.memref_squeeze %dma_wait3A_597 : memref<1x128xi32, #tpu.memory_space<vmem>> -> memref<128xi32, #tpu.memory_space<vmem>>
        %dma_wait3A_599 = arith.constant 0 : i32
        %dma_wait3A_600 = arith.constant 0 : i32
        %dma_wait3A_601 = tpu.memref_slice %arg11[%dma_wait3A_599, %dma_wait3A_600] : memref<10112x72xf32, #tpu.memory_space<vmem_shared>> -> memref<10112x72xf32, #tpu.memory_space<vmem_shared>>
        tpu.wait_indirect_dma semaphore(%arg16 : memref<!tpu.dma_semaphore, #tpu.memory_space<semaphore_mem>>) src(%dma_wait3A_595 : memref<128x72xf32, #tpu.memory_space<vmem>>) dst(%dma_wait3A_601 : memref<10112x72xf32, #tpu.memory_space<vmem_shared>>)
        %dma_wait3A_602 = arith.constant 0 : i32
        %dma_wait3A_603 = arith.constant 8 : i32
        %dma_wait3A_604 = arith.constant 0 : i32
        %dma_wait3A_605 = arith.constant 0 : i32
        %dma_wait3A_606 = tpu.memref_slice %arg14[%dma_wait3A_602, %dma_wait3A_604, %dma_wait3A_605] : memref<4x128x72xf32, #tpu.memory_space<vmem>> -> memref<1x128x72xf32, #tpu.memory_space<vmem>>
        %dma_wait3A_607 = tpu.memref_squeeze %dma_wait3A_606 : memref<1x128x72xf32, #tpu.memory_space<vmem>> -> memref<128x72xf32, #tpu.memory_space<vmem>>
        %dma_wait3A_608 = arith.constant 0 : i32
        %dma_wait3A_609 = tpu.memref_slice %arg13[%dma_wait3A_603, %dma_wait3A_608] : memref<10x128xi32, #tpu.memory_space<vmem>> -> memref<1x128xi32, #tpu.memory_space<vmem>>
        %dma_wait3A_610 = tpu.memref_squeeze %dma_wait3A_609 : memref<1x128xi32, #tpu.memory_space<vmem>> -> memref<128xi32, #tpu.memory_space<vmem>>
        %dma_wait3A_611 = arith.constant 0 : i32
        %dma_wait3A_612 = arith.constant 0 : i32
        %dma_wait3A_613 = tpu.memref_slice %arg11[%dma_wait3A_611, %dma_wait3A_612] : memref<10112x72xf32, #tpu.memory_space<vmem_shared>> -> memref<10112x72xf32, #tpu.memory_space<vmem_shared>>
        tpu.wait_indirect_dma semaphore(%arg16 : memref<!tpu.dma_semaphore, #tpu.memory_space<semaphore_mem>>) src(%dma_wait3A_607 : memref<128x72xf32, #tpu.memory_space<vmem>>) dst(%dma_wait3A_613 : memref<10112x72xf32, #tpu.memory_space<vmem_shared>>)
        %dma_wait3A_614 = arith.constant 1 : i32
        %dma_wait3A_615 = arith.constant 9 : i32
        %dma_wait3A_616 = arith.constant 0 : i32
        %dma_wait3A_617 = arith.constant 0 : i32
        %dma_wait3A_618 = tpu.memref_slice %arg14[%dma_wait3A_614, %dma_wait3A_616, %dma_wait3A_617] : memref<4x128x72xf32, #tpu.memory_space<vmem>> -> memref<1x128x72xf32, #tpu.memory_space<vmem>>
        %dma_wait3A_619 = tpu.memref_squeeze %dma_wait3A_618 : memref<1x128x72xf32, #tpu.memory_space<vmem>> -> memref<128x72xf32, #tpu.memory_space<vmem>>
        %dma_wait3A_620 = arith.constant 0 : i32
        %dma_wait3A_621 = tpu.memref_slice %arg13[%dma_wait3A_615, %dma_wait3A_620] : memref<10x128xi32, #tpu.memory_space<vmem>> -> memref<1x128xi32, #tpu.memory_space<vmem>>
        %dma_wait3A_622 = tpu.memref_squeeze %dma_wait3A_621 : memref<1x128xi32, #tpu.memory_space<vmem>> -> memref<128xi32, #tpu.memory_space<vmem>>
        %dma_wait3A_623 = arith.constant 0 : i32
        %dma_wait3A_624 = arith.constant 0 : i32
        %dma_wait3A_625 = tpu.memref_slice %arg11[%dma_wait3A_623, %dma_wait3A_624] : memref<10112x72xf32, #tpu.memory_space<vmem_shared>> -> memref<10112x72xf32, #tpu.memory_space<vmem_shared>>
        tpu.wait_indirect_dma semaphore(%arg16 : memref<!tpu.dma_semaphore, #tpu.memory_space<semaphore_mem>>) src(%dma_wait3A_619 : memref<128x72xf32, #tpu.memory_space<vmem>>) dst(%dma_wait3A_625 : memref<10112x72xf32, #tpu.memory_space<vmem_shared>>)
      }
      %scan3A_140 = arith.constant 8 : i32
    } else {
    }
    %eq3A_70 = arith.constant 1 : i32
    %eq3A_71 = arith.cmpi eq, %arg0, %eq3A_70 : i32
    %convert_element_type3A_72 = arith.extui %eq3A_71 : i1 to i32
    %cond3A_73 = arith.constant 0 : i32
    %cond3A_74 = arith.cmpi ne, %convert_element_type3A_72, %cond3A_73 : i32
    scf.if %cond3A_74 {
      %scan3A = arith.constant 0 : i32
      %scan3A_136 = arith.constant 0 : i32
      %scan3A_137 = arith.constant 8 : i32
      %scan3A_138 = arith.addi %scan3A_136, %scan3A_137 : i32
      %scan3A_139 = arith.constant 1 : i32
      scf.for %scan3A_141 = %scan3A_136 to %scan3A_138 step %scan3A_139  : i32 {
        %mul3A_142 = arith.constant 10 : i32
        %mul3A_143 = arith.muli %scan3A_141, %mul3A_142 : i32
        "tpu.region"() ({
          %run_scoped3A = tpu.sem_alloc : memref<!tpu.dma_semaphore, #tpu.memory_space<semaphore_mem>>
          %dma_start3A_626 = arith.constant 0 : i32
          %dma_start3A_627 = tpu.memref_slice %arg6[%arg1, %mul3A_143, %dma_start3A_626] : memref<16x80x128xi32, #tpu.memory_space<hbm>> -> memref<1x10x128xi32, #tpu.memory_space<hbm>>
          %dma_start3A_628 = tpu.memref_squeeze %dma_start3A_627 : memref<1x10x128xi32, #tpu.memory_space<hbm>> -> memref<10x128xi32, #tpu.memory_space<hbm>>
          %dma_start3A_629 = arith.constant 0 : i32
          %dma_start3A_630 = tpu.memref_slice %arg6[%arg1, %mul3A_143, %dma_start3A_629] : memref<16x80x128xi32, #tpu.memory_space<hbm>> -> memref<1x10x128xi32, #tpu.memory_space<hbm>>
          %dma_start3A_631 = tpu.memref_squeeze %dma_start3A_630 : memref<1x10x128xi32, #tpu.memory_space<hbm>> -> memref<10x128xi32, #tpu.memory_space<hbm>>
          tpu.enqueue_dma source(%dma_start3A_631 : memref<10x128xi32, #tpu.memory_space<hbm>>) target(%arg12 : memref<10x128xi32, #tpu.memory_space<vmem>>) target_semaphore(%run_scoped3A : memref<!tpu.dma_semaphore, #tpu.memory_space<semaphore_mem>>)
          %dma_wait3A_632 = arith.constant 0 : i32
          %dma_wait3A_633 = tpu.memref_slice %arg6[%arg1, %mul3A_143, %dma_wait3A_632] : memref<16x80x128xi32, #tpu.memory_space<hbm>> -> memref<1x10x128xi32, #tpu.memory_space<hbm>>
          %dma_wait3A_634 = tpu.memref_squeeze %dma_wait3A_633 : memref<1x10x128xi32, #tpu.memory_space<hbm>> -> memref<10x128xi32, #tpu.memory_space<hbm>>
          %dma_wait3A_635 = arith.constant 0 : i32
          %dma_wait3A_636 = tpu.memref_slice %arg6[%arg1, %mul3A_143, %dma_wait3A_635] : memref<16x80x128xi32, #tpu.memory_space<hbm>> -> memref<1x10x128xi32, #tpu.memory_space<hbm>>
          %dma_wait3A_637 = tpu.memref_squeeze %dma_wait3A_636 : memref<1x10x128xi32, #tpu.memory_space<hbm>> -> memref<10x128xi32, #tpu.memory_space<hbm>>
          tpu.wait_dma2 semaphore(%run_scoped3A : memref<!tpu.dma_semaphore, #tpu.memory_space<semaphore_mem>>) src(%dma_wait3A_637 : memref<10x128xi32, #tpu.memory_space<hbm>>) dst(%arg12 : memref<10x128xi32, #tpu.memory_space<vmem>>)
          tpu.yield
        }) : () -> ()
        %mul3A_144 = arith.constant 10 : i32
        %mul3A_145 = arith.muli %scan3A_141, %mul3A_144 : i32
        "tpu.region"() ({
          %run_scoped3A = tpu.sem_alloc : memref<!tpu.dma_semaphore, #tpu.memory_space<semaphore_mem>>
          %dma_start3A_626 = arith.constant 0 : i32
          %dma_start3A_627 = tpu.memref_slice %arg7[%arg1, %mul3A_145, %dma_start3A_626] : memref<16x80x128xi32, #tpu.memory_space<hbm>> -> memref<1x10x128xi32, #tpu.memory_space<hbm>>
          %dma_start3A_628 = tpu.memref_squeeze %dma_start3A_627 : memref<1x10x128xi32, #tpu.memory_space<hbm>> -> memref<10x128xi32, #tpu.memory_space<hbm>>
          %dma_start3A_629 = arith.constant 0 : i32
          %dma_start3A_630 = tpu.memref_slice %arg7[%arg1, %mul3A_145, %dma_start3A_629] : memref<16x80x128xi32, #tpu.memory_space<hbm>> -> memref<1x10x128xi32, #tpu.memory_space<hbm>>
          %dma_start3A_631 = tpu.memref_squeeze %dma_start3A_630 : memref<1x10x128xi32, #tpu.memory_space<hbm>> -> memref<10x128xi32, #tpu.memory_space<hbm>>
          tpu.enqueue_dma source(%dma_start3A_631 : memref<10x128xi32, #tpu.memory_space<hbm>>) target(%arg13 : memref<10x128xi32, #tpu.memory_space<vmem>>) target_semaphore(%run_scoped3A : memref<!tpu.dma_semaphore, #tpu.memory_space<semaphore_mem>>)
          %dma_wait3A_632 = arith.constant 0 : i32
          %dma_wait3A_633 = tpu.memref_slice %arg7[%arg1, %mul3A_145, %dma_wait3A_632] : memref<16x80x128xi32, #tpu.memory_space<hbm>> -> memref<1x10x128xi32, #tpu.memory_space<hbm>>
          %dma_wait3A_634 = tpu.memref_squeeze %dma_wait3A_633 : memref<1x10x128xi32, #tpu.memory_space<hbm>> -> memref<10x128xi32, #tpu.memory_space<hbm>>
          %dma_wait3A_635 = arith.constant 0 : i32
          %dma_wait3A_636 = tpu.memref_slice %arg7[%arg1, %mul3A_145, %dma_wait3A_635] : memref<16x80x128xi32, #tpu.memory_space<hbm>> -> memref<1x10x128xi32, #tpu.memory_space<hbm>>
          %dma_wait3A_637 = tpu.memref_squeeze %dma_wait3A_636 : memref<1x10x128xi32, #tpu.memory_space<hbm>> -> memref<10x128xi32, #tpu.memory_space<hbm>>
          tpu.wait_dma2 semaphore(%run_scoped3A : memref<!tpu.dma_semaphore, #tpu.memory_space<semaphore_mem>>) src(%dma_wait3A_637 : memref<10x128xi32, #tpu.memory_space<hbm>>) dst(%arg13 : memref<10x128xi32, #tpu.memory_space<vmem>>)
          tpu.yield
        }) : () -> ()
        %dma_start3A_146 = arith.constant 0 : i32
        %dma_start3A_147 = arith.constant 0 : i32
        %dma_start3A_148 = arith.constant 0 : i32
        %dma_start3A_149 = arith.constant 0 : i32
        %dma_start3A_150 = tpu.memref_slice %arg14[%dma_start3A_147, %dma_start3A_148, %dma_start3A_149] : memref<4x128x72xf32, #tpu.memory_space<vmem>> -> memref<1x128x72xf32, #tpu.memory_space<vmem>>
        %dma_start3A_151 = tpu.memref_squeeze %dma_start3A_150 : memref<1x128x72xf32, #tpu.memory_space<vmem>> -> memref<128x72xf32, #tpu.memory_space<vmem>>
        %dma_start3A_152 = arith.constant 0 : i32
        %dma_start3A_153 = tpu.memref_slice %arg12[%dma_start3A_146, %dma_start3A_152] : memref<10x128xi32, #tpu.memory_space<vmem>> -> memref<1x128xi32, #tpu.memory_space<vmem>>
        %dma_start3A_154 = tpu.memref_squeeze %dma_start3A_153 : memref<1x128xi32, #tpu.memory_space<vmem>> -> memref<128xi32, #tpu.memory_space<vmem>>
        %dma_start3A_155 = arith.constant 0 : i32
        %dma_start3A_156 = arith.constant 0 : i32
        %dma_start3A_157 = tpu.memref_slice %arg10[%dma_start3A_155, %dma_start3A_156] : memref<10112x72xf32, #tpu.memory_space<vmem_shared>> -> memref<10112x72xf32, #tpu.memory_space<vmem_shared>>
        tpu.enqueue_indirect_dma source(%dma_start3A_157 : memref<10112x72xf32, #tpu.memory_space<vmem_shared>>) target(%dma_start3A_151 : memref<128x72xf32, #tpu.memory_space<vmem>>) offsets(%dma_start3A_154 : memref<128xi32, #tpu.memory_space<vmem>>) semaphore(%arg15 : memref<!tpu.dma_semaphore, #tpu.memory_space<semaphore_mem>>)
        %dma_start3A_158 = arith.constant 1 : i32
        %dma_start3A_159 = arith.constant 1 : i32
        %dma_start3A_160 = arith.constant 0 : i32
        %dma_start3A_161 = arith.constant 0 : i32
        %dma_start3A_162 = tpu.memref_slice %arg14[%dma_start3A_159, %dma_start3A_160, %dma_start3A_161] : memref<4x128x72xf32, #tpu.memory_space<vmem>> -> memref<1x128x72xf32, #tpu.memory_space<vmem>>
        %dma_start3A_163 = tpu.memref_squeeze %dma_start3A_162 : memref<1x128x72xf32, #tpu.memory_space<vmem>> -> memref<128x72xf32, #tpu.memory_space<vmem>>
        %dma_start3A_164 = arith.constant 0 : i32
        %dma_start3A_165 = tpu.memref_slice %arg12[%dma_start3A_158, %dma_start3A_164] : memref<10x128xi32, #tpu.memory_space<vmem>> -> memref<1x128xi32, #tpu.memory_space<vmem>>
        %dma_start3A_166 = tpu.memref_squeeze %dma_start3A_165 : memref<1x128xi32, #tpu.memory_space<vmem>> -> memref<128xi32, #tpu.memory_space<vmem>>
        %dma_start3A_167 = arith.constant 0 : i32
        %dma_start3A_168 = arith.constant 0 : i32
        %dma_start3A_169 = tpu.memref_slice %arg10[%dma_start3A_167, %dma_start3A_168] : memref<10112x72xf32, #tpu.memory_space<vmem_shared>> -> memref<10112x72xf32, #tpu.memory_space<vmem_shared>>
        tpu.enqueue_indirect_dma source(%dma_start3A_169 : memref<10112x72xf32, #tpu.memory_space<vmem_shared>>) target(%dma_start3A_163 : memref<128x72xf32, #tpu.memory_space<vmem>>) offsets(%dma_start3A_166 : memref<128xi32, #tpu.memory_space<vmem>>) semaphore(%arg15 : memref<!tpu.dma_semaphore, #tpu.memory_space<semaphore_mem>>)
        %dma_wait3A_170 = arith.constant 0 : i32
        %dma_wait3A_171 = arith.constant 0 : i32
        %dma_wait3A_172 = arith.constant 0 : i32
        %dma_wait3A_173 = arith.constant 0 : i32
        %dma_wait3A_174 = tpu.memref_slice %arg14[%dma_wait3A_171, %dma_wait3A_172, %dma_wait3A_173] : memref<4x128x72xf32, #tpu.memory_space<vmem>> -> memref<1x128x72xf32, #tpu.memory_space<vmem>>
        %dma_wait3A_175 = tpu.memref_squeeze %dma_wait3A_174 : memref<1x128x72xf32, #tpu.memory_space<vmem>> -> memref<128x72xf32, #tpu.memory_space<vmem>>
        %dma_wait3A_176 = arith.constant 0 : i32
        %dma_wait3A_177 = tpu.memref_slice %arg12[%dma_wait3A_170, %dma_wait3A_176] : memref<10x128xi32, #tpu.memory_space<vmem>> -> memref<1x128xi32, #tpu.memory_space<vmem>>
        %dma_wait3A_178 = tpu.memref_squeeze %dma_wait3A_177 : memref<1x128xi32, #tpu.memory_space<vmem>> -> memref<128xi32, #tpu.memory_space<vmem>>
        %dma_wait3A_179 = arith.constant 0 : i32
        %dma_wait3A_180 = arith.constant 0 : i32
        %dma_wait3A_181 = tpu.memref_slice %arg10[%dma_wait3A_179, %dma_wait3A_180] : memref<10112x72xf32, #tpu.memory_space<vmem_shared>> -> memref<10112x72xf32, #tpu.memory_space<vmem_shared>>
        tpu.wait_indirect_dma semaphore(%arg15 : memref<!tpu.dma_semaphore, #tpu.memory_space<semaphore_mem>>) src(%dma_wait3A_181 : memref<10112x72xf32, #tpu.memory_space<vmem_shared>>) dst(%dma_wait3A_175 : memref<128x72xf32, #tpu.memory_space<vmem>>)
        %dma_start3A_182 = arith.constant 0 : i32
        %dma_start3A_183 = arith.constant 0 : i32
        %dma_start3A_184 = arith.constant 0 : i32
        %dma_start3A_185 = arith.constant 0 : i32
        %dma_start3A_186 = tpu.memref_slice %arg14[%dma_start3A_182, %dma_start3A_184, %dma_start3A_185] : memref<4x128x72xf32, #tpu.memory_space<vmem>> -> memref<1x128x72xf32, #tpu.memory_space<vmem>>
        %dma_start3A_187 = tpu.memref_squeeze %dma_start3A_186 : memref<1x128x72xf32, #tpu.memory_space<vmem>> -> memref<128x72xf32, #tpu.memory_space<vmem>>
        %dma_start3A_188 = arith.constant 0 : i32
        %dma_start3A_189 = tpu.memref_slice %arg13[%dma_start3A_183, %dma_start3A_188] : memref<10x128xi32, #tpu.memory_space<vmem>> -> memref<1x128xi32, #tpu.memory_space<vmem>>
        %dma_start3A_190 = tpu.memref_squeeze %dma_start3A_189 : memref<1x128xi32, #tpu.memory_space<vmem>> -> memref<128xi32, #tpu.memory_space<vmem>>
        %dma_start3A_191 = arith.constant 0 : i32
        %dma_start3A_192 = arith.constant 0 : i32
        %dma_start3A_193 = tpu.memref_slice %arg11[%dma_start3A_191, %dma_start3A_192] : memref<10112x72xf32, #tpu.memory_space<vmem_shared>> -> memref<10112x72xf32, #tpu.memory_space<vmem_shared>>
        tpu.enqueue_indirect_dma source(%dma_start3A_187 : memref<128x72xf32, #tpu.memory_space<vmem>>) target(%dma_start3A_193 : memref<10112x72xf32, #tpu.memory_space<vmem_shared>>) offsets(%dma_start3A_190 : memref<128xi32, #tpu.memory_space<vmem>>) semaphore(%arg16 : memref<!tpu.dma_semaphore, #tpu.memory_space<semaphore_mem>>) {add = true}
        %dma_start3A_194 = arith.constant 2 : i32
        %dma_start3A_195 = arith.constant 2 : i32
        %dma_start3A_196 = arith.constant 0 : i32
        %dma_start3A_197 = arith.constant 0 : i32
        %dma_start3A_198 = tpu.memref_slice %arg14[%dma_start3A_195, %dma_start3A_196, %dma_start3A_197] : memref<4x128x72xf32, #tpu.memory_space<vmem>> -> memref<1x128x72xf32, #tpu.memory_space<vmem>>
        %dma_start3A_199 = tpu.memref_squeeze %dma_start3A_198 : memref<1x128x72xf32, #tpu.memory_space<vmem>> -> memref<128x72xf32, #tpu.memory_space<vmem>>
        %dma_start3A_200 = arith.constant 0 : i32
        %dma_start3A_201 = tpu.memref_slice %arg12[%dma_start3A_194, %dma_start3A_200] : memref<10x128xi32, #tpu.memory_space<vmem>> -> memref<1x128xi32, #tpu.memory_space<vmem>>
        %dma_start3A_202 = tpu.memref_squeeze %dma_start3A_201 : memref<1x128xi32, #tpu.memory_space<vmem>> -> memref<128xi32, #tpu.memory_space<vmem>>
        %dma_start3A_203 = arith.constant 0 : i32
        %dma_start3A_204 = arith.constant 0 : i32
        %dma_start3A_205 = tpu.memref_slice %arg10[%dma_start3A_203, %dma_start3A_204] : memref<10112x72xf32, #tpu.memory_space<vmem_shared>> -> memref<10112x72xf32, #tpu.memory_space<vmem_shared>>
        tpu.enqueue_indirect_dma source(%dma_start3A_205 : memref<10112x72xf32, #tpu.memory_space<vmem_shared>>) target(%dma_start3A_199 : memref<128x72xf32, #tpu.memory_space<vmem>>) offsets(%dma_start3A_202 : memref<128xi32, #tpu.memory_space<vmem>>) semaphore(%arg15 : memref<!tpu.dma_semaphore, #tpu.memory_space<semaphore_mem>>)
        %dma_wait3A_206 = arith.constant 1 : i32
        %dma_wait3A_207 = arith.constant 1 : i32
        %dma_wait3A_208 = arith.constant 0 : i32
        %dma_wait3A_209 = arith.constant 0 : i32
        %dma_wait3A_210 = tpu.memref_slice %arg14[%dma_wait3A_207, %dma_wait3A_208, %dma_wait3A_209] : memref<4x128x72xf32, #tpu.memory_space<vmem>> -> memref<1x128x72xf32, #tpu.memory_space<vmem>>
        %dma_wait3A_211 = tpu.memref_squeeze %dma_wait3A_210 : memref<1x128x72xf32, #tpu.memory_space<vmem>> -> memref<128x72xf32, #tpu.memory_space<vmem>>
        %dma_wait3A_212 = arith.constant 0 : i32
        %dma_wait3A_213 = tpu.memref_slice %arg12[%dma_wait3A_206, %dma_wait3A_212] : memref<10x128xi32, #tpu.memory_space<vmem>> -> memref<1x128xi32, #tpu.memory_space<vmem>>
        %dma_wait3A_214 = tpu.memref_squeeze %dma_wait3A_213 : memref<1x128xi32, #tpu.memory_space<vmem>> -> memref<128xi32, #tpu.memory_space<vmem>>
        %dma_wait3A_215 = arith.constant 0 : i32
        %dma_wait3A_216 = arith.constant 0 : i32
        %dma_wait3A_217 = tpu.memref_slice %arg10[%dma_wait3A_215, %dma_wait3A_216] : memref<10112x72xf32, #tpu.memory_space<vmem_shared>> -> memref<10112x72xf32, #tpu.memory_space<vmem_shared>>
        tpu.wait_indirect_dma semaphore(%arg15 : memref<!tpu.dma_semaphore, #tpu.memory_space<semaphore_mem>>) src(%dma_wait3A_217 : memref<10112x72xf32, #tpu.memory_space<vmem_shared>>) dst(%dma_wait3A_211 : memref<128x72xf32, #tpu.memory_space<vmem>>)
        %dma_start3A_218 = arith.constant 1 : i32
        %dma_start3A_219 = arith.constant 1 : i32
        %dma_start3A_220 = arith.constant 0 : i32
        %dma_start3A_221 = arith.constant 0 : i32
        %dma_start3A_222 = tpu.memref_slice %arg14[%dma_start3A_218, %dma_start3A_220, %dma_start3A_221] : memref<4x128x72xf32, #tpu.memory_space<vmem>> -> memref<1x128x72xf32, #tpu.memory_space<vmem>>
        %dma_start3A_223 = tpu.memref_squeeze %dma_start3A_222 : memref<1x128x72xf32, #tpu.memory_space<vmem>> -> memref<128x72xf32, #tpu.memory_space<vmem>>
        %dma_start3A_224 = arith.constant 0 : i32
        %dma_start3A_225 = tpu.memref_slice %arg13[%dma_start3A_219, %dma_start3A_224] : memref<10x128xi32, #tpu.memory_space<vmem>> -> memref<1x128xi32, #tpu.memory_space<vmem>>
        %dma_start3A_226 = tpu.memref_squeeze %dma_start3A_225 : memref<1x128xi32, #tpu.memory_space<vmem>> -> memref<128xi32, #tpu.memory_space<vmem>>
        %dma_start3A_227 = arith.constant 0 : i32
        %dma_start3A_228 = arith.constant 0 : i32
        %dma_start3A_229 = tpu.memref_slice %arg11[%dma_start3A_227, %dma_start3A_228] : memref<10112x72xf32, #tpu.memory_space<vmem_shared>> -> memref<10112x72xf32, #tpu.memory_space<vmem_shared>>
        tpu.enqueue_indirect_dma source(%dma_start3A_223 : memref<128x72xf32, #tpu.memory_space<vmem>>) target(%dma_start3A_229 : memref<10112x72xf32, #tpu.memory_space<vmem_shared>>) offsets(%dma_start3A_226 : memref<128xi32, #tpu.memory_space<vmem>>) semaphore(%arg16 : memref<!tpu.dma_semaphore, #tpu.memory_space<semaphore_mem>>) {add = true}
        %dma_start3A_230 = arith.constant 3 : i32
        %dma_start3A_231 = arith.constant 3 : i32
        %dma_start3A_232 = arith.constant 0 : i32
        %dma_start3A_233 = arith.constant 0 : i32
        %dma_start3A_234 = tpu.memref_slice %arg14[%dma_start3A_231, %dma_start3A_232, %dma_start3A_233] : memref<4x128x72xf32, #tpu.memory_space<vmem>> -> memref<1x128x72xf32, #tpu.memory_space<vmem>>
        %dma_start3A_235 = tpu.memref_squeeze %dma_start3A_234 : memref<1x128x72xf32, #tpu.memory_space<vmem>> -> memref<128x72xf32, #tpu.memory_space<vmem>>
        %dma_start3A_236 = arith.constant 0 : i32
        %dma_start3A_237 = tpu.memref_slice %arg12[%dma_start3A_230, %dma_start3A_236] : memref<10x128xi32, #tpu.memory_space<vmem>> -> memref<1x128xi32, #tpu.memory_space<vmem>>
        %dma_start3A_238 = tpu.memref_squeeze %dma_start3A_237 : memref<1x128xi32, #tpu.memory_space<vmem>> -> memref<128xi32, #tpu.memory_space<vmem>>
        %dma_start3A_239 = arith.constant 0 : i32
        %dma_start3A_240 = arith.constant 0 : i32
        %dma_start3A_241 = tpu.memref_slice %arg10[%dma_start3A_239, %dma_start3A_240] : memref<10112x72xf32, #tpu.memory_space<vmem_shared>> -> memref<10112x72xf32, #tpu.memory_space<vmem_shared>>
        tpu.enqueue_indirect_dma source(%dma_start3A_241 : memref<10112x72xf32, #tpu.memory_space<vmem_shared>>) target(%dma_start3A_235 : memref<128x72xf32, #tpu.memory_space<vmem>>) offsets(%dma_start3A_238 : memref<128xi32, #tpu.memory_space<vmem>>) semaphore(%arg15 : memref<!tpu.dma_semaphore, #tpu.memory_space<semaphore_mem>>)
        %dma_wait3A_242 = arith.constant 2 : i32
        %dma_wait3A_243 = arith.constant 2 : i32
        %dma_wait3A_244 = arith.constant 0 : i32
        %dma_wait3A_245 = arith.constant 0 : i32
        %dma_wait3A_246 = tpu.memref_slice %arg14[%dma_wait3A_243, %dma_wait3A_244, %dma_wait3A_245] : memref<4x128x72xf32, #tpu.memory_space<vmem>> -> memref<1x128x72xf32, #tpu.memory_space<vmem>>
        %dma_wait3A_247 = tpu.memref_squeeze %dma_wait3A_246 : memref<1x128x72xf32, #tpu.memory_space<vmem>> -> memref<128x72xf32, #tpu.memory_space<vmem>>
        %dma_wait3A_248 = arith.constant 0 : i32
        %dma_wait3A_249 = tpu.memref_slice %arg12[%dma_wait3A_242, %dma_wait3A_248] : memref<10x128xi32, #tpu.memory_space<vmem>> -> memref<1x128xi32, #tpu.memory_space<vmem>>
        %dma_wait3A_250 = tpu.memref_squeeze %dma_wait3A_249 : memref<1x128xi32, #tpu.memory_space<vmem>> -> memref<128xi32, #tpu.memory_space<vmem>>
        %dma_wait3A_251 = arith.constant 0 : i32
        %dma_wait3A_252 = arith.constant 0 : i32
        %dma_wait3A_253 = tpu.memref_slice %arg10[%dma_wait3A_251, %dma_wait3A_252] : memref<10112x72xf32, #tpu.memory_space<vmem_shared>> -> memref<10112x72xf32, #tpu.memory_space<vmem_shared>>
        tpu.wait_indirect_dma semaphore(%arg15 : memref<!tpu.dma_semaphore, #tpu.memory_space<semaphore_mem>>) src(%dma_wait3A_253 : memref<10112x72xf32, #tpu.memory_space<vmem_shared>>) dst(%dma_wait3A_247 : memref<128x72xf32, #tpu.memory_space<vmem>>)
        %dma_start3A_254 = arith.constant 2 : i32
        %dma_start3A_255 = arith.constant 2 : i32
        %dma_start3A_256 = arith.constant 0 : i32
        %dma_start3A_257 = arith.constant 0 : i32
        %dma_start3A_258 = tpu.memref_slice %arg14[%dma_start3A_254, %dma_start3A_256, %dma_start3A_257] : memref<4x128x72xf32, #tpu.memory_space<vmem>> -> memref<1x128x72xf32, #tpu.memory_space<vmem>>
        %dma_start3A_259 = tpu.memref_squeeze %dma_start3A_258 : memref<1x128x72xf32, #tpu.memory_space<vmem>> -> memref<128x72xf32, #tpu.memory_space<vmem>>
        %dma_start3A_260 = arith.constant 0 : i32
        %dma_start3A_261 = tpu.memref_slice %arg13[%dma_start3A_255, %dma_start3A_260] : memref<10x128xi32, #tpu.memory_space<vmem>> -> memref<1x128xi32, #tpu.memory_space<vmem>>
        %dma_start3A_262 = tpu.memref_squeeze %dma_start3A_261 : memref<1x128xi32, #tpu.memory_space<vmem>> -> memref<128xi32, #tpu.memory_space<vmem>>
        %dma_start3A_263 = arith.constant 0 : i32
        %dma_start3A_264 = arith.constant 0 : i32
        %dma_start3A_265 = tpu.memref_slice %arg11[%dma_start3A_263, %dma_start3A_264] : memref<10112x72xf32, #tpu.memory_space<vmem_shared>> -> memref<10112x72xf32, #tpu.memory_space<vmem_shared>>
        tpu.enqueue_indirect_dma source(%dma_start3A_259 : memref<128x72xf32, #tpu.memory_space<vmem>>) target(%dma_start3A_265 : memref<10112x72xf32, #tpu.memory_space<vmem_shared>>) offsets(%dma_start3A_262 : memref<128xi32, #tpu.memory_space<vmem>>) semaphore(%arg16 : memref<!tpu.dma_semaphore, #tpu.memory_space<semaphore_mem>>) {add = true}
        %dma_wait3A_266 = arith.constant 0 : i32
        %dma_wait3A_267 = arith.constant 0 : i32
        %dma_wait3A_268 = arith.constant 0 : i32
        %dma_wait3A_269 = arith.constant 0 : i32
        %dma_wait3A_270 = tpu.memref_slice %arg14[%dma_wait3A_266, %dma_wait3A_268, %dma_wait3A_269] : memref<4x128x72xf32, #tpu.memory_space<vmem>> -> memref<1x128x72xf32, #tpu.memory_space<vmem>>
        %dma_wait3A_271 = tpu.memref_squeeze %dma_wait3A_270 : memref<1x128x72xf32, #tpu.memory_space<vmem>> -> memref<128x72xf32, #tpu.memory_space<vmem>>
        %dma_wait3A_272 = arith.constant 0 : i32
        %dma_wait3A_273 = tpu.memref_slice %arg13[%dma_wait3A_267, %dma_wait3A_272] : memref<10x128xi32, #tpu.memory_space<vmem>> -> memref<1x128xi32, #tpu.memory_space<vmem>>
        %dma_wait3A_274 = tpu.memref_squeeze %dma_wait3A_273 : memref<1x128xi32, #tpu.memory_space<vmem>> -> memref<128xi32, #tpu.memory_space<vmem>>
        %dma_wait3A_275 = arith.constant 0 : i32
        %dma_wait3A_276 = arith.constant 0 : i32
        %dma_wait3A_277 = tpu.memref_slice %arg11[%dma_wait3A_275, %dma_wait3A_276] : memref<10112x72xf32, #tpu.memory_space<vmem_shared>> -> memref<10112x72xf32, #tpu.memory_space<vmem_shared>>
        tpu.wait_indirect_dma semaphore(%arg16 : memref<!tpu.dma_semaphore, #tpu.memory_space<semaphore_mem>>) src(%dma_wait3A_271 : memref<128x72xf32, #tpu.memory_space<vmem>>) dst(%dma_wait3A_277 : memref<10112x72xf32, #tpu.memory_space<vmem_shared>>)
        %dma_start3A_278 = arith.constant 4 : i32
        %dma_start3A_279 = arith.constant 0 : i32
        %dma_start3A_280 = arith.constant 0 : i32
        %dma_start3A_281 = arith.constant 0 : i32
        %dma_start3A_282 = tpu.memref_slice %arg14[%dma_start3A_279, %dma_start3A_280, %dma_start3A_281] : memref<4x128x72xf32, #tpu.memory_space<vmem>> -> memref<1x128x72xf32, #tpu.memory_space<vmem>>
        %dma_start3A_283 = tpu.memref_squeeze %dma_start3A_282 : memref<1x128x72xf32, #tpu.memory_space<vmem>> -> memref<128x72xf32, #tpu.memory_space<vmem>>
        %dma_start3A_284 = arith.constant 0 : i32
        %dma_start3A_285 = tpu.memref_slice %arg12[%dma_start3A_278, %dma_start3A_284] : memref<10x128xi32, #tpu.memory_space<vmem>> -> memref<1x128xi32, #tpu.memory_space<vmem>>
        %dma_start3A_286 = tpu.memref_squeeze %dma_start3A_285 : memref<1x128xi32, #tpu.memory_space<vmem>> -> memref<128xi32, #tpu.memory_space<vmem>>
        %dma_start3A_287 = arith.constant 0 : i32
        %dma_start3A_288 = arith.constant 0 : i32
        %dma_start3A_289 = tpu.memref_slice %arg10[%dma_start3A_287, %dma_start3A_288] : memref<10112x72xf32, #tpu.memory_space<vmem_shared>> -> memref<10112x72xf32, #tpu.memory_space<vmem_shared>>
        tpu.enqueue_indirect_dma source(%dma_start3A_289 : memref<10112x72xf32, #tpu.memory_space<vmem_shared>>) target(%dma_start3A_283 : memref<128x72xf32, #tpu.memory_space<vmem>>) offsets(%dma_start3A_286 : memref<128xi32, #tpu.memory_space<vmem>>) semaphore(%arg15 : memref<!tpu.dma_semaphore, #tpu.memory_space<semaphore_mem>>)
        %dma_wait3A_290 = arith.constant 3 : i32
        %dma_wait3A_291 = arith.constant 3 : i32
        %dma_wait3A_292 = arith.constant 0 : i32
        %dma_wait3A_293 = arith.constant 0 : i32
        %dma_wait3A_294 = tpu.memref_slice %arg14[%dma_wait3A_291, %dma_wait3A_292, %dma_wait3A_293] : memref<4x128x72xf32, #tpu.memory_space<vmem>> -> memref<1x128x72xf32, #tpu.memory_space<vmem>>
        %dma_wait3A_295 = tpu.memref_squeeze %dma_wait3A_294 : memref<1x128x72xf32, #tpu.memory_space<vmem>> -> memref<128x72xf32, #tpu.memory_space<vmem>>
        %dma_wait3A_296 = arith.constant 0 : i32
        %dma_wait3A_297 = tpu.memref_slice %arg12[%dma_wait3A_290, %dma_wait3A_296] : memref<10x128xi32, #tpu.memory_space<vmem>> -> memref<1x128xi32, #tpu.memory_space<vmem>>
        %dma_wait3A_298 = tpu.memref_squeeze %dma_wait3A_297 : memref<1x128xi32, #tpu.memory_space<vmem>> -> memref<128xi32, #tpu.memory_space<vmem>>
        %dma_wait3A_299 = arith.constant 0 : i32
        %dma_wait3A_300 = arith.constant 0 : i32
        %dma_wait3A_301 = tpu.memref_slice %arg10[%dma_wait3A_299, %dma_wait3A_300] : memref<10112x72xf32, #tpu.memory_space<vmem_shared>> -> memref<10112x72xf32, #tpu.memory_space<vmem_shared>>
        tpu.wait_indirect_dma semaphore(%arg15 : memref<!tpu.dma_semaphore, #tpu.memory_space<semaphore_mem>>) src(%dma_wait3A_301 : memref<10112x72xf32, #tpu.memory_space<vmem_shared>>) dst(%dma_wait3A_295 : memref<128x72xf32, #tpu.memory_space<vmem>>)
        %dma_start3A_302 = arith.constant 3 : i32
        %dma_start3A_303 = arith.constant 3 : i32
        %dma_start3A_304 = arith.constant 0 : i32
        %dma_start3A_305 = arith.constant 0 : i32
        %dma_start3A_306 = tpu.memref_slice %arg14[%dma_start3A_302, %dma_start3A_304, %dma_start3A_305] : memref<4x128x72xf32, #tpu.memory_space<vmem>> -> memref<1x128x72xf32, #tpu.memory_space<vmem>>
        %dma_start3A_307 = tpu.memref_squeeze %dma_start3A_306 : memref<1x128x72xf32, #tpu.memory_space<vmem>> -> memref<128x72xf32, #tpu.memory_space<vmem>>
        %dma_start3A_308 = arith.constant 0 : i32
        %dma_start3A_309 = tpu.memref_slice %arg13[%dma_start3A_303, %dma_start3A_308] : memref<10x128xi32, #tpu.memory_space<vmem>> -> memref<1x128xi32, #tpu.memory_space<vmem>>
        %dma_start3A_310 = tpu.memref_squeeze %dma_start3A_309 : memref<1x128xi32, #tpu.memory_space<vmem>> -> memref<128xi32, #tpu.memory_space<vmem>>
        %dma_start3A_311 = arith.constant 0 : i32
        %dma_start3A_312 = arith.constant 0 : i32
        %dma_start3A_313 = tpu.memref_slice %arg11[%dma_start3A_311, %dma_start3A_312] : memref<10112x72xf32, #tpu.memory_space<vmem_shared>> -> memref<10112x72xf32, #tpu.memory_space<vmem_shared>>
        tpu.enqueue_indirect_dma source(%dma_start3A_307 : memref<128x72xf32, #tpu.memory_space<vmem>>) target(%dma_start3A_313 : memref<10112x72xf32, #tpu.memory_space<vmem_shared>>) offsets(%dma_start3A_310 : memref<128xi32, #tpu.memory_space<vmem>>) semaphore(%arg16 : memref<!tpu.dma_semaphore, #tpu.memory_space<semaphore_mem>>) {add = true}
        %dma_wait3A_314 = arith.constant 1 : i32
        %dma_wait3A_315 = arith.constant 1 : i32
        %dma_wait3A_316 = arith.constant 0 : i32
        %dma_wait3A_317 = arith.constant 0 : i32
        %dma_wait3A_318 = tpu.memref_slice %arg14[%dma_wait3A_314, %dma_wait3A_316, %dma_wait3A_317] : memref<4x128x72xf32, #tpu.memory_space<vmem>> -> memref<1x128x72xf32, #tpu.memory_space<vmem>>
        %dma_wait3A_319 = tpu.memref_squeeze %dma_wait3A_318 : memref<1x128x72xf32, #tpu.memory_space<vmem>> -> memref<128x72xf32, #tpu.memory_space<vmem>>
        %dma_wait3A_320 = arith.constant 0 : i32
        %dma_wait3A_321 = tpu.memref_slice %arg13[%dma_wait3A_315, %dma_wait3A_320] : memref<10x128xi32, #tpu.memory_space<vmem>> -> memref<1x128xi32, #tpu.memory_space<vmem>>
        %dma_wait3A_322 = tpu.memref_squeeze %dma_wait3A_321 : memref<1x128xi32, #tpu.memory_space<vmem>> -> memref<128xi32, #tpu.memory_space<vmem>>
        %dma_wait3A_323 = arith.constant 0 : i32
        %dma_wait3A_324 = arith.constant 0 : i32
        %dma_wait3A_325 = tpu.memref_slice %arg11[%dma_wait3A_323, %dma_wait3A_324] : memref<10112x72xf32, #tpu.memory_space<vmem_shared>> -> memref<10112x72xf32, #tpu.memory_space<vmem_shared>>
        tpu.wait_indirect_dma semaphore(%arg16 : memref<!tpu.dma_semaphore, #tpu.memory_space<semaphore_mem>>) src(%dma_wait3A_319 : memref<128x72xf32, #tpu.memory_space<vmem>>) dst(%dma_wait3A_325 : memref<10112x72xf32, #tpu.memory_space<vmem_shared>>)
        %dma_start3A_326 = arith.constant 5 : i32
        %dma_start3A_327 = arith.constant 1 : i32
        %dma_start3A_328 = arith.constant 0 : i32
        %dma_start3A_329 = arith.constant 0 : i32
        %dma_start3A_330 = tpu.memref_slice %arg14[%dma_start3A_327, %dma_start3A_328, %dma_start3A_329] : memref<4x128x72xf32, #tpu.memory_space<vmem>> -> memref<1x128x72xf32, #tpu.memory_space<vmem>>
        %dma_start3A_331 = tpu.memref_squeeze %dma_start3A_330 : memref<1x128x72xf32, #tpu.memory_space<vmem>> -> memref<128x72xf32, #tpu.memory_space<vmem>>
        %dma_start3A_332 = arith.constant 0 : i32
        %dma_start3A_333 = tpu.memref_slice %arg12[%dma_start3A_326, %dma_start3A_332] : memref<10x128xi32, #tpu.memory_space<vmem>> -> memref<1x128xi32, #tpu.memory_space<vmem>>
        %dma_start3A_334 = tpu.memref_squeeze %dma_start3A_333 : memref<1x128xi32, #tpu.memory_space<vmem>> -> memref<128xi32, #tpu.memory_space<vmem>>
        %dma_start3A_335 = arith.constant 0 : i32
        %dma_start3A_336 = arith.constant 0 : i32
        %dma_start3A_337 = tpu.memref_slice %arg10[%dma_start3A_335, %dma_start3A_336] : memref<10112x72xf32, #tpu.memory_space<vmem_shared>> -> memref<10112x72xf32, #tpu.memory_space<vmem_shared>>
        tpu.enqueue_indirect_dma source(%dma_start3A_337 : memref<10112x72xf32, #tpu.memory_space<vmem_shared>>) target(%dma_start3A_331 : memref<128x72xf32, #tpu.memory_space<vmem>>) offsets(%dma_start3A_334 : memref<128xi32, #tpu.memory_space<vmem>>) semaphore(%arg15 : memref<!tpu.dma_semaphore, #tpu.memory_space<semaphore_mem>>)
        %dma_wait3A_338 = arith.constant 4 : i32
        %dma_wait3A_339 = arith.constant 0 : i32
        %dma_wait3A_340 = arith.constant 0 : i32
        %dma_wait3A_341 = arith.constant 0 : i32
        %dma_wait3A_342 = tpu.memref_slice %arg14[%dma_wait3A_339, %dma_wait3A_340, %dma_wait3A_341] : memref<4x128x72xf32, #tpu.memory_space<vmem>> -> memref<1x128x72xf32, #tpu.memory_space<vmem>>
        %dma_wait3A_343 = tpu.memref_squeeze %dma_wait3A_342 : memref<1x128x72xf32, #tpu.memory_space<vmem>> -> memref<128x72xf32, #tpu.memory_space<vmem>>
        %dma_wait3A_344 = arith.constant 0 : i32
        %dma_wait3A_345 = tpu.memref_slice %arg12[%dma_wait3A_338, %dma_wait3A_344] : memref<10x128xi32, #tpu.memory_space<vmem>> -> memref<1x128xi32, #tpu.memory_space<vmem>>
        %dma_wait3A_346 = tpu.memref_squeeze %dma_wait3A_345 : memref<1x128xi32, #tpu.memory_space<vmem>> -> memref<128xi32, #tpu.memory_space<vmem>>
        %dma_wait3A_347 = arith.constant 0 : i32
        %dma_wait3A_348 = arith.constant 0 : i32
        %dma_wait3A_349 = tpu.memref_slice %arg10[%dma_wait3A_347, %dma_wait3A_348] : memref<10112x72xf32, #tpu.memory_space<vmem_shared>> -> memref<10112x72xf32, #tpu.memory_space<vmem_shared>>
        tpu.wait_indirect_dma semaphore(%arg15 : memref<!tpu.dma_semaphore, #tpu.memory_space<semaphore_mem>>) src(%dma_wait3A_349 : memref<10112x72xf32, #tpu.memory_space<vmem_shared>>) dst(%dma_wait3A_343 : memref<128x72xf32, #tpu.memory_space<vmem>>)
        %dma_start3A_350 = arith.constant 0 : i32
        %dma_start3A_351 = arith.constant 4 : i32
        %dma_start3A_352 = arith.constant 0 : i32
        %dma_start3A_353 = arith.constant 0 : i32
        %dma_start3A_354 = tpu.memref_slice %arg14[%dma_start3A_350, %dma_start3A_352, %dma_start3A_353] : memref<4x128x72xf32, #tpu.memory_space<vmem>> -> memref<1x128x72xf32, #tpu.memory_space<vmem>>
        %dma_start3A_355 = tpu.memref_squeeze %dma_start3A_354 : memref<1x128x72xf32, #tpu.memory_space<vmem>> -> memref<128x72xf32, #tpu.memory_space<vmem>>
        %dma_start3A_356 = arith.constant 0 : i32
        %dma_start3A_357 = tpu.memref_slice %arg13[%dma_start3A_351, %dma_start3A_356] : memref<10x128xi32, #tpu.memory_space<vmem>> -> memref<1x128xi32, #tpu.memory_space<vmem>>
        %dma_start3A_358 = tpu.memref_squeeze %dma_start3A_357 : memref<1x128xi32, #tpu.memory_space<vmem>> -> memref<128xi32, #tpu.memory_space<vmem>>
        %dma_start3A_359 = arith.constant 0 : i32
        %dma_start3A_360 = arith.constant 0 : i32
        %dma_start3A_361 = tpu.memref_slice %arg11[%dma_start3A_359, %dma_start3A_360] : memref<10112x72xf32, #tpu.memory_space<vmem_shared>> -> memref<10112x72xf32, #tpu.memory_space<vmem_shared>>
        tpu.enqueue_indirect_dma source(%dma_start3A_355 : memref<128x72xf32, #tpu.memory_space<vmem>>) target(%dma_start3A_361 : memref<10112x72xf32, #tpu.memory_space<vmem_shared>>) offsets(%dma_start3A_358 : memref<128xi32, #tpu.memory_space<vmem>>) semaphore(%arg16 : memref<!tpu.dma_semaphore, #tpu.memory_space<semaphore_mem>>) {add = true}
        %dma_wait3A_362 = arith.constant 2 : i32
        %dma_wait3A_363 = arith.constant 2 : i32
        %dma_wait3A_364 = arith.constant 0 : i32
        %dma_wait3A_365 = arith.constant 0 : i32
        %dma_wait3A_366 = tpu.memref_slice %arg14[%dma_wait3A_362, %dma_wait3A_364, %dma_wait3A_365] : memref<4x128x72xf32, #tpu.memory_space<vmem>> -> memref<1x128x72xf32, #tpu.memory_space<vmem>>
        %dma_wait3A_367 = tpu.memref_squeeze %dma_wait3A_366 : memref<1x128x72xf32, #tpu.memory_space<vmem>> -> memref<128x72xf32, #tpu.memory_space<vmem>>
        %dma_wait3A_368 = arith.constant 0 : i32
        %dma_wait3A_369 = tpu.memref_slice %arg13[%dma_wait3A_363, %dma_wait3A_368] : memref<10x128xi32, #tpu.memory_space<vmem>> -> memref<1x128xi32, #tpu.memory_space<vmem>>
        %dma_wait3A_370 = tpu.memref_squeeze %dma_wait3A_369 : memref<1x128xi32, #tpu.memory_space<vmem>> -> memref<128xi32, #tpu.memory_space<vmem>>
        %dma_wait3A_371 = arith.constant 0 : i32
        %dma_wait3A_372 = arith.constant 0 : i32
        %dma_wait3A_373 = tpu.memref_slice %arg11[%dma_wait3A_371, %dma_wait3A_372] : memref<10112x72xf32, #tpu.memory_space<vmem_shared>> -> memref<10112x72xf32, #tpu.memory_space<vmem_shared>>
        tpu.wait_indirect_dma semaphore(%arg16 : memref<!tpu.dma_semaphore, #tpu.memory_space<semaphore_mem>>) src(%dma_wait3A_367 : memref<128x72xf32, #tpu.memory_space<vmem>>) dst(%dma_wait3A_373 : memref<10112x72xf32, #tpu.memory_space<vmem_shared>>)
        %dma_start3A_374 = arith.constant 6 : i32
        %dma_start3A_375 = arith.constant 2 : i32
        %dma_start3A_376 = arith.constant 0 : i32
        %dma_start3A_377 = arith.constant 0 : i32
        %dma_start3A_378 = tpu.memref_slice %arg14[%dma_start3A_375, %dma_start3A_376, %dma_start3A_377] : memref<4x128x72xf32, #tpu.memory_space<vmem>> -> memref<1x128x72xf32, #tpu.memory_space<vmem>>
        %dma_start3A_379 = tpu.memref_squeeze %dma_start3A_378 : memref<1x128x72xf32, #tpu.memory_space<vmem>> -> memref<128x72xf32, #tpu.memory_space<vmem>>
        %dma_start3A_380 = arith.constant 0 : i32
        %dma_start3A_381 = tpu.memref_slice %arg12[%dma_start3A_374, %dma_start3A_380] : memref<10x128xi32, #tpu.memory_space<vmem>> -> memref<1x128xi32, #tpu.memory_space<vmem>>
        %dma_start3A_382 = tpu.memref_squeeze %dma_start3A_381 : memref<1x128xi32, #tpu.memory_space<vmem>> -> memref<128xi32, #tpu.memory_space<vmem>>
        %dma_start3A_383 = arith.constant 0 : i32
        %dma_start3A_384 = arith.constant 0 : i32
        %dma_start3A_385 = tpu.memref_slice %arg10[%dma_start3A_383, %dma_start3A_384] : memref<10112x72xf32, #tpu.memory_space<vmem_shared>> -> memref<10112x72xf32, #tpu.memory_space<vmem_shared>>
        tpu.enqueue_indirect_dma source(%dma_start3A_385 : memref<10112x72xf32, #tpu.memory_space<vmem_shared>>) target(%dma_start3A_379 : memref<128x72xf32, #tpu.memory_space<vmem>>) offsets(%dma_start3A_382 : memref<128xi32, #tpu.memory_space<vmem>>) semaphore(%arg15 : memref<!tpu.dma_semaphore, #tpu.memory_space<semaphore_mem>>)
        %dma_wait3A_386 = arith.constant 5 : i32
        %dma_wait3A_387 = arith.constant 1 : i32
        %dma_wait3A_388 = arith.constant 0 : i32
        %dma_wait3A_389 = arith.constant 0 : i32
        %dma_wait3A_390 = tpu.memref_slice %arg14[%dma_wait3A_387, %dma_wait3A_388, %dma_wait3A_389] : memref<4x128x72xf32, #tpu.memory_space<vmem>> -> memref<1x128x72xf32, #tpu.memory_space<vmem>>
        %dma_wait3A_391 = tpu.memref_squeeze %dma_wait3A_390 : memref<1x128x72xf32, #tpu.memory_space<vmem>> -> memref<128x72xf32, #tpu.memory_space<vmem>>
        %dma_wait3A_392 = arith.constant 0 : i32
        %dma_wait3A_393 = tpu.memref_slice %arg12[%dma_wait3A_386, %dma_wait3A_392] : memref<10x128xi32, #tpu.memory_space<vmem>> -> memref<1x128xi32, #tpu.memory_space<vmem>>
        %dma_wait3A_394 = tpu.memref_squeeze %dma_wait3A_393 : memref<1x128xi32, #tpu.memory_space<vmem>> -> memref<128xi32, #tpu.memory_space<vmem>>
        %dma_wait3A_395 = arith.constant 0 : i32
        %dma_wait3A_396 = arith.constant 0 : i32
        %dma_wait3A_397 = tpu.memref_slice %arg10[%dma_wait3A_395, %dma_wait3A_396] : memref<10112x72xf32, #tpu.memory_space<vmem_shared>> -> memref<10112x72xf32, #tpu.memory_space<vmem_shared>>
        tpu.wait_indirect_dma semaphore(%arg15 : memref<!tpu.dma_semaphore, #tpu.memory_space<semaphore_mem>>) src(%dma_wait3A_397 : memref<10112x72xf32, #tpu.memory_space<vmem_shared>>) dst(%dma_wait3A_391 : memref<128x72xf32, #tpu.memory_space<vmem>>)
        %dma_start3A_398 = arith.constant 1 : i32
        %dma_start3A_399 = arith.constant 5 : i32
        %dma_start3A_400 = arith.constant 0 : i32
        %dma_start3A_401 = arith.constant 0 : i32
        %dma_start3A_402 = tpu.memref_slice %arg14[%dma_start3A_398, %dma_start3A_400, %dma_start3A_401] : memref<4x128x72xf32, #tpu.memory_space<vmem>> -> memref<1x128x72xf32, #tpu.memory_space<vmem>>
        %dma_start3A_403 = tpu.memref_squeeze %dma_start3A_402 : memref<1x128x72xf32, #tpu.memory_space<vmem>> -> memref<128x72xf32, #tpu.memory_space<vmem>>
        %dma_start3A_404 = arith.constant 0 : i32
        %dma_start3A_405 = tpu.memref_slice %arg13[%dma_start3A_399, %dma_start3A_404] : memref<10x128xi32, #tpu.memory_space<vmem>> -> memref<1x128xi32, #tpu.memory_space<vmem>>
        %dma_start3A_406 = tpu.memref_squeeze %dma_start3A_405 : memref<1x128xi32, #tpu.memory_space<vmem>> -> memref<128xi32, #tpu.memory_space<vmem>>
        %dma_start3A_407 = arith.constant 0 : i32
        %dma_start3A_408 = arith.constant 0 : i32
        %dma_start3A_409 = tpu.memref_slice %arg11[%dma_start3A_407, %dma_start3A_408] : memref<10112x72xf32, #tpu.memory_space<vmem_shared>> -> memref<10112x72xf32, #tpu.memory_space<vmem_shared>>
        tpu.enqueue_indirect_dma source(%dma_start3A_403 : memref<128x72xf32, #tpu.memory_space<vmem>>) target(%dma_start3A_409 : memref<10112x72xf32, #tpu.memory_space<vmem_shared>>) offsets(%dma_start3A_406 : memref<128xi32, #tpu.memory_space<vmem>>) semaphore(%arg16 : memref<!tpu.dma_semaphore, #tpu.memory_space<semaphore_mem>>) {add = true}
        %dma_wait3A_410 = arith.constant 3 : i32
        %dma_wait3A_411 = arith.constant 3 : i32
        %dma_wait3A_412 = arith.constant 0 : i32
        %dma_wait3A_413 = arith.constant 0 : i32
        %dma_wait3A_414 = tpu.memref_slice %arg14[%dma_wait3A_410, %dma_wait3A_412, %dma_wait3A_413] : memref<4x128x72xf32, #tpu.memory_space<vmem>> -> memref<1x128x72xf32, #tpu.memory_space<vmem>>
        %dma_wait3A_415 = tpu.memref_squeeze %dma_wait3A_414 : memref<1x128x72xf32, #tpu.memory_space<vmem>> -> memref<128x72xf32, #tpu.memory_space<vmem>>
        %dma_wait3A_416 = arith.constant 0 : i32
        %dma_wait3A_417 = tpu.memref_slice %arg13[%dma_wait3A_411, %dma_wait3A_416] : memref<10x128xi32, #tpu.memory_space<vmem>> -> memref<1x128xi32, #tpu.memory_space<vmem>>
        %dma_wait3A_418 = tpu.memref_squeeze %dma_wait3A_417 : memref<1x128xi32, #tpu.memory_space<vmem>> -> memref<128xi32, #tpu.memory_space<vmem>>
        %dma_wait3A_419 = arith.constant 0 : i32
        %dma_wait3A_420 = arith.constant 0 : i32
        %dma_wait3A_421 = tpu.memref_slice %arg11[%dma_wait3A_419, %dma_wait3A_420] : memref<10112x72xf32, #tpu.memory_space<vmem_shared>> -> memref<10112x72xf32, #tpu.memory_space<vmem_shared>>
        tpu.wait_indirect_dma semaphore(%arg16 : memref<!tpu.dma_semaphore, #tpu.memory_space<semaphore_mem>>) src(%dma_wait3A_415 : memref<128x72xf32, #tpu.memory_space<vmem>>) dst(%dma_wait3A_421 : memref<10112x72xf32, #tpu.memory_space<vmem_shared>>)
        %dma_start3A_422 = arith.constant 7 : i32
        %dma_start3A_423 = arith.constant 3 : i32
        %dma_start3A_424 = arith.constant 0 : i32
        %dma_start3A_425 = arith.constant 0 : i32
        %dma_start3A_426 = tpu.memref_slice %arg14[%dma_start3A_423, %dma_start3A_424, %dma_start3A_425] : memref<4x128x72xf32, #tpu.memory_space<vmem>> -> memref<1x128x72xf32, #tpu.memory_space<vmem>>
        %dma_start3A_427 = tpu.memref_squeeze %dma_start3A_426 : memref<1x128x72xf32, #tpu.memory_space<vmem>> -> memref<128x72xf32, #tpu.memory_space<vmem>>
        %dma_start3A_428 = arith.constant 0 : i32
        %dma_start3A_429 = tpu.memref_slice %arg12[%dma_start3A_422, %dma_start3A_428] : memref<10x128xi32, #tpu.memory_space<vmem>> -> memref<1x128xi32, #tpu.memory_space<vmem>>
        %dma_start3A_430 = tpu.memref_squeeze %dma_start3A_429 : memref<1x128xi32, #tpu.memory_space<vmem>> -> memref<128xi32, #tpu.memory_space<vmem>>
        %dma_start3A_431 = arith.constant 0 : i32
        %dma_start3A_432 = arith.constant 0 : i32
        %dma_start3A_433 = tpu.memref_slice %arg10[%dma_start3A_431, %dma_start3A_432] : memref<10112x72xf32, #tpu.memory_space<vmem_shared>> -> memref<10112x72xf32, #tpu.memory_space<vmem_shared>>
        tpu.enqueue_indirect_dma source(%dma_start3A_433 : memref<10112x72xf32, #tpu.memory_space<vmem_shared>>) target(%dma_start3A_427 : memref<128x72xf32, #tpu.memory_space<vmem>>) offsets(%dma_start3A_430 : memref<128xi32, #tpu.memory_space<vmem>>) semaphore(%arg15 : memref<!tpu.dma_semaphore, #tpu.memory_space<semaphore_mem>>)
        %dma_wait3A_434 = arith.constant 6 : i32
        %dma_wait3A_435 = arith.constant 2 : i32
        %dma_wait3A_436 = arith.constant 0 : i32
        %dma_wait3A_437 = arith.constant 0 : i32
        %dma_wait3A_438 = tpu.memref_slice %arg14[%dma_wait3A_435, %dma_wait3A_436, %dma_wait3A_437] : memref<4x128x72xf32, #tpu.memory_space<vmem>> -> memref<1x128x72xf32, #tpu.memory_space<vmem>>
        %dma_wait3A_439 = tpu.memref_squeeze %dma_wait3A_438 : memref<1x128x72xf32, #tpu.memory_space<vmem>> -> memref<128x72xf32, #tpu.memory_space<vmem>>
        %dma_wait3A_440 = arith.constant 0 : i32
        %dma_wait3A_441 = tpu.memref_slice %arg12[%dma_wait3A_434, %dma_wait3A_440] : memref<10x128xi32, #tpu.memory_space<vmem>> -> memref<1x128xi32, #tpu.memory_space<vmem>>
        %dma_wait3A_442 = tpu.memref_squeeze %dma_wait3A_441 : memref<1x128xi32, #tpu.memory_space<vmem>> -> memref<128xi32, #tpu.memory_space<vmem>>
        %dma_wait3A_443 = arith.constant 0 : i32
        %dma_wait3A_444 = arith.constant 0 : i32
        %dma_wait3A_445 = tpu.memref_slice %arg10[%dma_wait3A_443, %dma_wait3A_444] : memref<10112x72xf32, #tpu.memory_space<vmem_shared>> -> memref<10112x72xf32, #tpu.memory_space<vmem_shared>>
        tpu.wait_indirect_dma semaphore(%arg15 : memref<!tpu.dma_semaphore, #tpu.memory_space<semaphore_mem>>) src(%dma_wait3A_445 : memref<10112x72xf32, #tpu.memory_space<vmem_shared>>) dst(%dma_wait3A_439 : memref<128x72xf32, #tpu.memory_space<vmem>>)
        %dma_start3A_446 = arith.constant 2 : i32
        %dma_start3A_447 = arith.constant 6 : i32
        %dma_start3A_448 = arith.constant 0 : i32
        %dma_start3A_449 = arith.constant 0 : i32
        %dma_start3A_450 = tpu.memref_slice %arg14[%dma_start3A_446, %dma_start3A_448, %dma_start3A_449] : memref<4x128x72xf32, #tpu.memory_space<vmem>> -> memref<1x128x72xf32, #tpu.memory_space<vmem>>
        %dma_start3A_451 = tpu.memref_squeeze %dma_start3A_450 : memref<1x128x72xf32, #tpu.memory_space<vmem>> -> memref<128x72xf32, #tpu.memory_space<vmem>>
        %dma_start3A_452 = arith.constant 0 : i32
        %dma_start3A_453 = tpu.memref_slice %arg13[%dma_start3A_447, %dma_start3A_452] : memref<10x128xi32, #tpu.memory_space<vmem>> -> memref<1x128xi32, #tpu.memory_space<vmem>>
        %dma_start3A_454 = tpu.memref_squeeze %dma_start3A_453 : memref<1x128xi32, #tpu.memory_space<vmem>> -> memref<128xi32, #tpu.memory_space<vmem>>
        %dma_start3A_455 = arith.constant 0 : i32
        %dma_start3A_456 = arith.constant 0 : i32
        %dma_start3A_457 = tpu.memref_slice %arg11[%dma_start3A_455, %dma_start3A_456] : memref<10112x72xf32, #tpu.memory_space<vmem_shared>> -> memref<10112x72xf32, #tpu.memory_space<vmem_shared>>
        tpu.enqueue_indirect_dma source(%dma_start3A_451 : memref<128x72xf32, #tpu.memory_space<vmem>>) target(%dma_start3A_457 : memref<10112x72xf32, #tpu.memory_space<vmem_shared>>) offsets(%dma_start3A_454 : memref<128xi32, #tpu.memory_space<vmem>>) semaphore(%arg16 : memref<!tpu.dma_semaphore, #tpu.memory_space<semaphore_mem>>) {add = true}
        %dma_wait3A_458 = arith.constant 0 : i32
        %dma_wait3A_459 = arith.constant 4 : i32
        %dma_wait3A_460 = arith.constant 0 : i32
        %dma_wait3A_461 = arith.constant 0 : i32
        %dma_wait3A_462 = tpu.memref_slice %arg14[%dma_wait3A_458, %dma_wait3A_460, %dma_wait3A_461] : memref<4x128x72xf32, #tpu.memory_space<vmem>> -> memref<1x128x72xf32, #tpu.memory_space<vmem>>
        %dma_wait3A_463 = tpu.memref_squeeze %dma_wait3A_462 : memref<1x128x72xf32, #tpu.memory_space<vmem>> -> memref<128x72xf32, #tpu.memory_space<vmem>>
        %dma_wait3A_464 = arith.constant 0 : i32
        %dma_wait3A_465 = tpu.memref_slice %arg13[%dma_wait3A_459, %dma_wait3A_464] : memref<10x128xi32, #tpu.memory_space<vmem>> -> memref<1x128xi32, #tpu.memory_space<vmem>>
        %dma_wait3A_466 = tpu.memref_squeeze %dma_wait3A_465 : memref<1x128xi32, #tpu.memory_space<vmem>> -> memref<128xi32, #tpu.memory_space<vmem>>
        %dma_wait3A_467 = arith.constant 0 : i32
        %dma_wait3A_468 = arith.constant 0 : i32
        %dma_wait3A_469 = tpu.memref_slice %arg11[%dma_wait3A_467, %dma_wait3A_468] : memref<10112x72xf32, #tpu.memory_space<vmem_shared>> -> memref<10112x72xf32, #tpu.memory_space<vmem_shared>>
        tpu.wait_indirect_dma semaphore(%arg16 : memref<!tpu.dma_semaphore, #tpu.memory_space<semaphore_mem>>) src(%dma_wait3A_463 : memref<128x72xf32, #tpu.memory_space<vmem>>) dst(%dma_wait3A_469 : memref<10112x72xf32, #tpu.memory_space<vmem_shared>>)
        %dma_start3A_470 = arith.constant 8 : i32
        %dma_start3A_471 = arith.constant 0 : i32
        %dma_start3A_472 = arith.constant 0 : i32
        %dma_start3A_473 = arith.constant 0 : i32
        %dma_start3A_474 = tpu.memref_slice %arg14[%dma_start3A_471, %dma_start3A_472, %dma_start3A_473] : memref<4x128x72xf32, #tpu.memory_space<vmem>> -> memref<1x128x72xf32, #tpu.memory_space<vmem>>
        %dma_start3A_475 = tpu.memref_squeeze %dma_start3A_474 : memref<1x128x72xf32, #tpu.memory_space<vmem>> -> memref<128x72xf32, #tpu.memory_space<vmem>>
        %dma_start3A_476 = arith.constant 0 : i32
        %dma_start3A_477 = tpu.memref_slice %arg12[%dma_start3A_470, %dma_start3A_476] : memref<10x128xi32, #tpu.memory_space<vmem>> -> memref<1x128xi32, #tpu.memory_space<vmem>>
        %dma_start3A_478 = tpu.memref_squeeze %dma_start3A_477 : memref<1x128xi32, #tpu.memory_space<vmem>> -> memref<128xi32, #tpu.memory_space<vmem>>
        %dma_start3A_479 = arith.constant 0 : i32
        %dma_start3A_480 = arith.constant 0 : i32
        %dma_start3A_481 = tpu.memref_slice %arg10[%dma_start3A_479, %dma_start3A_480] : memref<10112x72xf32, #tpu.memory_space<vmem_shared>> -> memref<10112x72xf32, #tpu.memory_space<vmem_shared>>
        tpu.enqueue_indirect_dma source(%dma_start3A_481 : memref<10112x72xf32, #tpu.memory_space<vmem_shared>>) target(%dma_start3A_475 : memref<128x72xf32, #tpu.memory_space<vmem>>) offsets(%dma_start3A_478 : memref<128xi32, #tpu.memory_space<vmem>>) semaphore(%arg15 : memref<!tpu.dma_semaphore, #tpu.memory_space<semaphore_mem>>)
        %dma_wait3A_482 = arith.constant 7 : i32
        %dma_wait3A_483 = arith.constant 3 : i32
        %dma_wait3A_484 = arith.constant 0 : i32
        %dma_wait3A_485 = arith.constant 0 : i32
        %dma_wait3A_486 = tpu.memref_slice %arg14[%dma_wait3A_483, %dma_wait3A_484, %dma_wait3A_485] : memref<4x128x72xf32, #tpu.memory_space<vmem>> -> memref<1x128x72xf32, #tpu.memory_space<vmem>>
        %dma_wait3A_487 = tpu.memref_squeeze %dma_wait3A_486 : memref<1x128x72xf32, #tpu.memory_space<vmem>> -> memref<128x72xf32, #tpu.memory_space<vmem>>
        %dma_wait3A_488 = arith.constant 0 : i32
        %dma_wait3A_489 = tpu.memref_slice %arg12[%dma_wait3A_482, %dma_wait3A_488] : memref<10x128xi32, #tpu.memory_space<vmem>> -> memref<1x128xi32, #tpu.memory_space<vmem>>
        %dma_wait3A_490 = tpu.memref_squeeze %dma_wait3A_489 : memref<1x128xi32, #tpu.memory_space<vmem>> -> memref<128xi32, #tpu.memory_space<vmem>>
        %dma_wait3A_491 = arith.constant 0 : i32
        %dma_wait3A_492 = arith.constant 0 : i32
        %dma_wait3A_493 = tpu.memref_slice %arg10[%dma_wait3A_491, %dma_wait3A_492] : memref<10112x72xf32, #tpu.memory_space<vmem_shared>> -> memref<10112x72xf32, #tpu.memory_space<vmem_shared>>
        tpu.wait_indirect_dma semaphore(%arg15 : memref<!tpu.dma_semaphore, #tpu.memory_space<semaphore_mem>>) src(%dma_wait3A_493 : memref<10112x72xf32, #tpu.memory_space<vmem_shared>>) dst(%dma_wait3A_487 : memref<128x72xf32, #tpu.memory_space<vmem>>)
        %dma_start3A_494 = arith.constant 3 : i32
        %dma_start3A_495 = arith.constant 7 : i32
        %dma_start3A_496 = arith.constant 0 : i32
        %dma_start3A_497 = arith.constant 0 : i32
        %dma_start3A_498 = tpu.memref_slice %arg14[%dma_start3A_494, %dma_start3A_496, %dma_start3A_497] : memref<4x128x72xf32, #tpu.memory_space<vmem>> -> memref<1x128x72xf32, #tpu.memory_space<vmem>>
        %dma_start3A_499 = tpu.memref_squeeze %dma_start3A_498 : memref<1x128x72xf32, #tpu.memory_space<vmem>> -> memref<128x72xf32, #tpu.memory_space<vmem>>
        %dma_start3A_500 = arith.constant 0 : i32
        %dma_start3A_501 = tpu.memref_slice %arg13[%dma_start3A_495, %dma_start3A_500] : memref<10x128xi32, #tpu.memory_space<vmem>> -> memref<1x128xi32, #tpu.memory_space<vmem>>
        %dma_start3A_502 = tpu.memref_squeeze %dma_start3A_501 : memref<1x128xi32, #tpu.memory_space<vmem>> -> memref<128xi32, #tpu.memory_space<vmem>>
        %dma_start3A_503 = arith.constant 0 : i32
        %dma_start3A_504 = arith.constant 0 : i32
        %dma_start3A_505 = tpu.memref_slice %arg11[%dma_start3A_503, %dma_start3A_504] : memref<10112x72xf32, #tpu.memory_space<vmem_shared>> -> memref<10112x72xf32, #tpu.memory_space<vmem_shared>>
        tpu.enqueue_indirect_dma source(%dma_start3A_499 : memref<128x72xf32, #tpu.memory_space<vmem>>) target(%dma_start3A_505 : memref<10112x72xf32, #tpu.memory_space<vmem_shared>>) offsets(%dma_start3A_502 : memref<128xi32, #tpu.memory_space<vmem>>) semaphore(%arg16 : memref<!tpu.dma_semaphore, #tpu.memory_space<semaphore_mem>>) {add = true}
        %dma_wait3A_506 = arith.constant 1 : i32
        %dma_wait3A_507 = arith.constant 5 : i32
        %dma_wait3A_508 = arith.constant 0 : i32
        %dma_wait3A_509 = arith.constant 0 : i32
        %dma_wait3A_510 = tpu.memref_slice %arg14[%dma_wait3A_506, %dma_wait3A_508, %dma_wait3A_509] : memref<4x128x72xf32, #tpu.memory_space<vmem>> -> memref<1x128x72xf32, #tpu.memory_space<vmem>>
        %dma_wait3A_511 = tpu.memref_squeeze %dma_wait3A_510 : memref<1x128x72xf32, #tpu.memory_space<vmem>> -> memref<128x72xf32, #tpu.memory_space<vmem>>
        %dma_wait3A_512 = arith.constant 0 : i32
        %dma_wait3A_513 = tpu.memref_slice %arg13[%dma_wait3A_507, %dma_wait3A_512] : memref<10x128xi32, #tpu.memory_space<vmem>> -> memref<1x128xi32, #tpu.memory_space<vmem>>
        %dma_wait3A_514 = tpu.memref_squeeze %dma_wait3A_513 : memref<1x128xi32, #tpu.memory_space<vmem>> -> memref<128xi32, #tpu.memory_space<vmem>>
        %dma_wait3A_515 = arith.constant 0 : i32
        %dma_wait3A_516 = arith.constant 0 : i32
        %dma_wait3A_517 = tpu.memref_slice %arg11[%dma_wait3A_515, %dma_wait3A_516] : memref<10112x72xf32, #tpu.memory_space<vmem_shared>> -> memref<10112x72xf32, #tpu.memory_space<vmem_shared>>
        tpu.wait_indirect_dma semaphore(%arg16 : memref<!tpu.dma_semaphore, #tpu.memory_space<semaphore_mem>>) src(%dma_wait3A_511 : memref<128x72xf32, #tpu.memory_space<vmem>>) dst(%dma_wait3A_517 : memref<10112x72xf32, #tpu.memory_space<vmem_shared>>)
        %dma_start3A_518 = arith.constant 9 : i32
        %dma_start3A_519 = arith.constant 1 : i32
        %dma_start3A_520 = arith.constant 0 : i32
        %dma_start3A_521 = arith.constant 0 : i32
        %dma_start3A_522 = tpu.memref_slice %arg14[%dma_start3A_519, %dma_start3A_520, %dma_start3A_521] : memref<4x128x72xf32, #tpu.memory_space<vmem>> -> memref<1x128x72xf32, #tpu.memory_space<vmem>>
        %dma_start3A_523 = tpu.memref_squeeze %dma_start3A_522 : memref<1x128x72xf32, #tpu.memory_space<vmem>> -> memref<128x72xf32, #tpu.memory_space<vmem>>
        %dma_start3A_524 = arith.constant 0 : i32
        %dma_start3A_525 = tpu.memref_slice %arg12[%dma_start3A_518, %dma_start3A_524] : memref<10x128xi32, #tpu.memory_space<vmem>> -> memref<1x128xi32, #tpu.memory_space<vmem>>
        %dma_start3A_526 = tpu.memref_squeeze %dma_start3A_525 : memref<1x128xi32, #tpu.memory_space<vmem>> -> memref<128xi32, #tpu.memory_space<vmem>>
        %dma_start3A_527 = arith.constant 0 : i32
        %dma_start3A_528 = arith.constant 0 : i32
        %dma_start3A_529 = tpu.memref_slice %arg10[%dma_start3A_527, %dma_start3A_528] : memref<10112x72xf32, #tpu.memory_space<vmem_shared>> -> memref<10112x72xf32, #tpu.memory_space<vmem_shared>>
        tpu.enqueue_indirect_dma source(%dma_start3A_529 : memref<10112x72xf32, #tpu.memory_space<vmem_shared>>) target(%dma_start3A_523 : memref<128x72xf32, #tpu.memory_space<vmem>>) offsets(%dma_start3A_526 : memref<128xi32, #tpu.memory_space<vmem>>) semaphore(%arg15 : memref<!tpu.dma_semaphore, #tpu.memory_space<semaphore_mem>>)
        %dma_wait3A_530 = arith.constant 8 : i32
        %dma_wait3A_531 = arith.constant 0 : i32
        %dma_wait3A_532 = arith.constant 0 : i32
        %dma_wait3A_533 = arith.constant 0 : i32
        %dma_wait3A_534 = tpu.memref_slice %arg14[%dma_wait3A_531, %dma_wait3A_532, %dma_wait3A_533] : memref<4x128x72xf32, #tpu.memory_space<vmem>> -> memref<1x128x72xf32, #tpu.memory_space<vmem>>
        %dma_wait3A_535 = tpu.memref_squeeze %dma_wait3A_534 : memref<1x128x72xf32, #tpu.memory_space<vmem>> -> memref<128x72xf32, #tpu.memory_space<vmem>>
        %dma_wait3A_536 = arith.constant 0 : i32
        %dma_wait3A_537 = tpu.memref_slice %arg12[%dma_wait3A_530, %dma_wait3A_536] : memref<10x128xi32, #tpu.memory_space<vmem>> -> memref<1x128xi32, #tpu.memory_space<vmem>>
        %dma_wait3A_538 = tpu.memref_squeeze %dma_wait3A_537 : memref<1x128xi32, #tpu.memory_space<vmem>> -> memref<128xi32, #tpu.memory_space<vmem>>
        %dma_wait3A_539 = arith.constant 0 : i32
        %dma_wait3A_540 = arith.constant 0 : i32
        %dma_wait3A_541 = tpu.memref_slice %arg10[%dma_wait3A_539, %dma_wait3A_540] : memref<10112x72xf32, #tpu.memory_space<vmem_shared>> -> memref<10112x72xf32, #tpu.memory_space<vmem_shared>>
        tpu.wait_indirect_dma semaphore(%arg15 : memref<!tpu.dma_semaphore, #tpu.memory_space<semaphore_mem>>) src(%dma_wait3A_541 : memref<10112x72xf32, #tpu.memory_space<vmem_shared>>) dst(%dma_wait3A_535 : memref<128x72xf32, #tpu.memory_space<vmem>>)
        %dma_start3A_542 = arith.constant 0 : i32
        %dma_start3A_543 = arith.constant 8 : i32
        %dma_start3A_544 = arith.constant 0 : i32
        %dma_start3A_545 = arith.constant 0 : i32
        %dma_start3A_546 = tpu.memref_slice %arg14[%dma_start3A_542, %dma_start3A_544, %dma_start3A_545] : memref<4x128x72xf32, #tpu.memory_space<vmem>> -> memref<1x128x72xf32, #tpu.memory_space<vmem>>
        %dma_start3A_547 = tpu.memref_squeeze %dma_start3A_546 : memref<1x128x72xf32, #tpu.memory_space<vmem>> -> memref<128x72xf32, #tpu.memory_space<vmem>>
        %dma_start3A_548 = arith.constant 0 : i32
        %dma_start3A_549 = tpu.memref_slice %arg13[%dma_start3A_543, %dma_start3A_548] : memref<10x128xi32, #tpu.memory_space<vmem>> -> memref<1x128xi32, #tpu.memory_space<vmem>>
        %dma_start3A_550 = tpu.memref_squeeze %dma_start3A_549 : memref<1x128xi32, #tpu.memory_space<vmem>> -> memref<128xi32, #tpu.memory_space<vmem>>
        %dma_start3A_551 = arith.constant 0 : i32
        %dma_start3A_552 = arith.constant 0 : i32
        %dma_start3A_553 = tpu.memref_slice %arg11[%dma_start3A_551, %dma_start3A_552] : memref<10112x72xf32, #tpu.memory_space<vmem_shared>> -> memref<10112x72xf32, #tpu.memory_space<vmem_shared>>
        tpu.enqueue_indirect_dma source(%dma_start3A_547 : memref<128x72xf32, #tpu.memory_space<vmem>>) target(%dma_start3A_553 : memref<10112x72xf32, #tpu.memory_space<vmem_shared>>) offsets(%dma_start3A_550 : memref<128xi32, #tpu.memory_space<vmem>>) semaphore(%arg16 : memref<!tpu.dma_semaphore, #tpu.memory_space<semaphore_mem>>) {add = true}
        %dma_wait3A_554 = arith.constant 2 : i32
        %dma_wait3A_555 = arith.constant 6 : i32
        %dma_wait3A_556 = arith.constant 0 : i32
        %dma_wait3A_557 = arith.constant 0 : i32
        %dma_wait3A_558 = tpu.memref_slice %arg14[%dma_wait3A_554, %dma_wait3A_556, %dma_wait3A_557] : memref<4x128x72xf32, #tpu.memory_space<vmem>> -> memref<1x128x72xf32, #tpu.memory_space<vmem>>
        %dma_wait3A_559 = tpu.memref_squeeze %dma_wait3A_558 : memref<1x128x72xf32, #tpu.memory_space<vmem>> -> memref<128x72xf32, #tpu.memory_space<vmem>>
        %dma_wait3A_560 = arith.constant 0 : i32
        %dma_wait3A_561 = tpu.memref_slice %arg13[%dma_wait3A_555, %dma_wait3A_560] : memref<10x128xi32, #tpu.memory_space<vmem>> -> memref<1x128xi32, #tpu.memory_space<vmem>>
        %dma_wait3A_562 = tpu.memref_squeeze %dma_wait3A_561 : memref<1x128xi32, #tpu.memory_space<vmem>> -> memref<128xi32, #tpu.memory_space<vmem>>
        %dma_wait3A_563 = arith.constant 0 : i32
        %dma_wait3A_564 = arith.constant 0 : i32
        %dma_wait3A_565 = tpu.memref_slice %arg11[%dma_wait3A_563, %dma_wait3A_564] : memref<10112x72xf32, #tpu.memory_space<vmem_shared>> -> memref<10112x72xf32, #tpu.memory_space<vmem_shared>>
        tpu.wait_indirect_dma semaphore(%arg16 : memref<!tpu.dma_semaphore, #tpu.memory_space<semaphore_mem>>) src(%dma_wait3A_559 : memref<128x72xf32, #tpu.memory_space<vmem>>) dst(%dma_wait3A_565 : memref<10112x72xf32, #tpu.memory_space<vmem_shared>>)
        %dma_wait3A_566 = arith.constant 9 : i32
        %dma_wait3A_567 = arith.constant 1 : i32
        %dma_wait3A_568 = arith.constant 0 : i32
        %dma_wait3A_569 = arith.constant 0 : i32
        %dma_wait3A_570 = tpu.memref_slice %arg14[%dma_wait3A_567, %dma_wait3A_568, %dma_wait3A_569] : memref<4x128x72xf32, #tpu.memory_space<vmem>> -> memref<1x128x72xf32, #tpu.memory_space<vmem>>
        %dma_wait3A_571 = tpu.memref_squeeze %dma_wait3A_570 : memref<1x128x72xf32, #tpu.memory_space<vmem>> -> memref<128x72xf32, #tpu.memory_space<vmem>>
        %dma_wait3A_572 = arith.constant 0 : i32
        %dma_wait3A_573 = tpu.memref_slice %arg12[%dma_wait3A_566, %dma_wait3A_572] : memref<10x128xi32, #tpu.memory_space<vmem>> -> memref<1x128xi32, #tpu.memory_space<vmem>>
        %dma_wait3A_574 = tpu.memref_squeeze %dma_wait3A_573 : memref<1x128xi32, #tpu.memory_space<vmem>> -> memref<128xi32, #tpu.memory_space<vmem>>
        %dma_wait3A_575 = arith.constant 0 : i32
        %dma_wait3A_576 = arith.constant 0 : i32
        %dma_wait3A_577 = tpu.memref_slice %arg10[%dma_wait3A_575, %dma_wait3A_576] : memref<10112x72xf32, #tpu.memory_space<vmem_shared>> -> memref<10112x72xf32, #tpu.memory_space<vmem_shared>>
        tpu.wait_indirect_dma semaphore(%arg15 : memref<!tpu.dma_semaphore, #tpu.memory_space<semaphore_mem>>) src(%dma_wait3A_577 : memref<10112x72xf32, #tpu.memory_space<vmem_shared>>) dst(%dma_wait3A_571 : memref<128x72xf32, #tpu.memory_space<vmem>>)
        %dma_start3A_578 = arith.constant 1 : i32
        %dma_start3A_579 = arith.constant 9 : i32
        %dma_start3A_580 = arith.constant 0 : i32
        %dma_start3A_581 = arith.constant 0 : i32
        %dma_start3A_582 = tpu.memref_slice %arg14[%dma_start3A_578, %dma_start3A_580, %dma_start3A_581] : memref<4x128x72xf32, #tpu.memory_space<vmem>> -> memref<1x128x72xf32, #tpu.memory_space<vmem>>
        %dma_start3A_583 = tpu.memref_squeeze %dma_start3A_582 : memref<1x128x72xf32, #tpu.memory_space<vmem>> -> memref<128x72xf32, #tpu.memory_space<vmem>>
        %dma_start3A_584 = arith.constant 0 : i32
        %dma_start3A_585 = tpu.memref_slice %arg13[%dma_start3A_579, %dma_start3A_584] : memref<10x128xi32, #tpu.memory_space<vmem>> -> memref<1x128xi32, #tpu.memory_space<vmem>>
        %dma_start3A_586 = tpu.memref_squeeze %dma_start3A_585 : memref<1x128xi32, #tpu.memory_space<vmem>> -> memref<128xi32, #tpu.memory_space<vmem>>
        %dma_start3A_587 = arith.constant 0 : i32
        %dma_start3A_588 = arith.constant 0 : i32
        %dma_start3A_589 = tpu.memref_slice %arg11[%dma_start3A_587, %dma_start3A_588] : memref<10112x72xf32, #tpu.memory_space<vmem_shared>> -> memref<10112x72xf32, #tpu.memory_space<vmem_shared>>
        tpu.enqueue_indirect_dma source(%dma_start3A_583 : memref<128x72xf32, #tpu.memory_space<vmem>>) target(%dma_start3A_589 : memref<10112x72xf32, #tpu.memory_space<vmem_shared>>) offsets(%dma_start3A_586 : memref<128xi32, #tpu.memory_space<vmem>>) semaphore(%arg16 : memref<!tpu.dma_semaphore, #tpu.memory_space<semaphore_mem>>) {add = true}
        %dma_wait3A_590 = arith.constant 3 : i32
        %dma_wait3A_591 = arith.constant 7 : i32
        %dma_wait3A_592 = arith.constant 0 : i32
        %dma_wait3A_593 = arith.constant 0 : i32
        %dma_wait3A_594 = tpu.memref_slice %arg14[%dma_wait3A_590, %dma_wait3A_592, %dma_wait3A_593] : memref<4x128x72xf32, #tpu.memory_space<vmem>> -> memref<1x128x72xf32, #tpu.memory_space<vmem>>
        %dma_wait3A_595 = tpu.memref_squeeze %dma_wait3A_594 : memref<1x128x72xf32, #tpu.memory_space<vmem>> -> memref<128x72xf32, #tpu.memory_space<vmem>>
        %dma_wait3A_596 = arith.constant 0 : i32
        %dma_wait3A_597 = tpu.memref_slice %arg13[%dma_wait3A_591, %dma_wait3A_596] : memref<10x128xi32, #tpu.memory_space<vmem>> -> memref<1x128xi32, #tpu.memory_space<vmem>>
        %dma_wait3A_598 = tpu.memref_squeeze %dma_wait3A_597 : memref<1x128xi32, #tpu.memory_space<vmem>> -> memref<128xi32, #tpu.memory_space<vmem>>
        %dma_wait3A_599 = arith.constant 0 : i32
        %dma_wait3A_600 = arith.constant 0 : i32
        %dma_wait3A_601 = tpu.memref_slice %arg11[%dma_wait3A_599, %dma_wait3A_600] : memref<10112x72xf32, #tpu.memory_space<vmem_shared>> -> memref<10112x72xf32, #tpu.memory_space<vmem_shared>>
        tpu.wait_indirect_dma semaphore(%arg16 : memref<!tpu.dma_semaphore, #tpu.memory_space<semaphore_mem>>) src(%dma_wait3A_595 : memref<128x72xf32, #tpu.memory_space<vmem>>) dst(%dma_wait3A_601 : memref<10112x72xf32, #tpu.memory_space<vmem_shared>>)
        %dma_wait3A_602 = arith.constant 0 : i32
        %dma_wait3A_603 = arith.constant 8 : i32
        %dma_wait3A_604 = arith.constant 0 : i32
        %dma_wait3A_605 = arith.constant 0 : i32
        %dma_wait3A_606 = tpu.memref_slice %arg14[%dma_wait3A_602, %dma_wait3A_604, %dma_wait3A_605] : memref<4x128x72xf32, #tpu.memory_space<vmem>> -> memref<1x128x72xf32, #tpu.memory_space<vmem>>
        %dma_wait3A_607 = tpu.memref_squeeze %dma_wait3A_606 : memref<1x128x72xf32, #tpu.memory_space<vmem>> -> memref<128x72xf32, #tpu.memory_space<vmem>>
        %dma_wait3A_608 = arith.constant 0 : i32
        %dma_wait3A_609 = tpu.memref_slice %arg13[%dma_wait3A_603, %dma_wait3A_608] : memref<10x128xi32, #tpu.memory_space<vmem>> -> memref<1x128xi32, #tpu.memory_space<vmem>>
        %dma_wait3A_610 = tpu.memref_squeeze %dma_wait3A_609 : memref<1x128xi32, #tpu.memory_space<vmem>> -> memref<128xi32, #tpu.memory_space<vmem>>
        %dma_wait3A_611 = arith.constant 0 : i32
        %dma_wait3A_612 = arith.constant 0 : i32
        %dma_wait3A_613 = tpu.memref_slice %arg11[%dma_wait3A_611, %dma_wait3A_612] : memref<10112x72xf32, #tpu.memory_space<vmem_shared>> -> memref<10112x72xf32, #tpu.memory_space<vmem_shared>>
        tpu.wait_indirect_dma semaphore(%arg16 : memref<!tpu.dma_semaphore, #tpu.memory_space<semaphore_mem>>) src(%dma_wait3A_607 : memref<128x72xf32, #tpu.memory_space<vmem>>) dst(%dma_wait3A_613 : memref<10112x72xf32, #tpu.memory_space<vmem_shared>>)
        %dma_wait3A_614 = arith.constant 1 : i32
        %dma_wait3A_615 = arith.constant 9 : i32
        %dma_wait3A_616 = arith.constant 0 : i32
        %dma_wait3A_617 = arith.constant 0 : i32
        %dma_wait3A_618 = tpu.memref_slice %arg14[%dma_wait3A_614, %dma_wait3A_616, %dma_wait3A_617] : memref<4x128x72xf32, #tpu.memory_space<vmem>> -> memref<1x128x72xf32, #tpu.memory_space<vmem>>
        %dma_wait3A_619 = tpu.memref_squeeze %dma_wait3A_618 : memref<1x128x72xf32, #tpu.memory_space<vmem>> -> memref<128x72xf32, #tpu.memory_space<vmem>>
        %dma_wait3A_620 = arith.constant 0 : i32
        %dma_wait3A_621 = tpu.memref_slice %arg13[%dma_wait3A_615, %dma_wait3A_620] : memref<10x128xi32, #tpu.memory_space<vmem>> -> memref<1x128xi32, #tpu.memory_space<vmem>>
        %dma_wait3A_622 = tpu.memref_squeeze %dma_wait3A_621 : memref<1x128xi32, #tpu.memory_space<vmem>> -> memref<128xi32, #tpu.memory_space<vmem>>
        %dma_wait3A_623 = arith.constant 0 : i32
        %dma_wait3A_624 = arith.constant 0 : i32
        %dma_wait3A_625 = tpu.memref_slice %arg11[%dma_wait3A_623, %dma_wait3A_624] : memref<10112x72xf32, #tpu.memory_space<vmem_shared>> -> memref<10112x72xf32, #tpu.memory_space<vmem_shared>>
        tpu.wait_indirect_dma semaphore(%arg16 : memref<!tpu.dma_semaphore, #tpu.memory_space<semaphore_mem>>) src(%dma_wait3A_619 : memref<128x72xf32, #tpu.memory_space<vmem>>) dst(%dma_wait3A_625 : memref<10112x72xf32, #tpu.memory_space<vmem_shared>>)
      }
      %scan3A_140 = arith.constant 8 : i32
    } else {
    }
    %barrier3A_75 = arith.constant 0 : index
    tpu.barrier barrier_id(%barrier3A_75)
    %add3A_76 = arith.constant 0 : i32
    %add3A_77 = arith.addi %mul3A_0, %add3A_76 : i32
    %dma_start3A_78 = arith.constant 0 : i32
    %dma_start3A_79 = tpu.memref_slice %arg9[%arg0, %add3A_77, %dma_start3A_78] : memref<2x10112x72xf32, #tpu.memory_space<hbm>> -> memref<1x128x72xf32, #tpu.memory_space<hbm>>
    %dma_start3A_80 = tpu.memref_squeeze %dma_start3A_79 : memref<1x128x72xf32, #tpu.memory_space<hbm>> -> memref<128x72xf32, #tpu.memory_space<hbm>>
    %dma_start3A_81 = arith.constant 0 : i32
    %dma_start3A_82 = tpu.memref_slice %arg11[%add3A_77, %dma_start3A_81] : memref<10112x72xf32, #tpu.memory_space<vmem_shared>> -> memref<128x72xf32, #tpu.memory_space<vmem_shared>>
    tpu.enqueue_dma source(%dma_start3A_82 : memref<128x72xf32, #tpu.memory_space<vmem_shared>>) target(%dma_start3A_80 : memref<128x72xf32, #tpu.memory_space<hbm>>) target_semaphore(%arg15 : memref<!tpu.dma_semaphore, #tpu.memory_space<semaphore_mem>>)
    %add3A_83 = arith.constant 128 : i32
    %add3A_84 = arith.addi %mul3A_0, %add3A_83 : i32
    %dma_start3A_85 = arith.constant 0 : i32
    %dma_start3A_86 = tpu.memref_slice %arg9[%arg0, %add3A_84, %dma_start3A_85] : memref<2x10112x72xf32, #tpu.memory_space<hbm>> -> memref<1x128x72xf32, #tpu.memory_space<hbm>>
    %dma_start3A_87 = tpu.memref_squeeze %dma_start3A_86 : memref<1x128x72xf32, #tpu.memory_space<hbm>> -> memref<128x72xf32, #tpu.memory_space<hbm>>
    %dma_start3A_88 = arith.constant 0 : i32
    %dma_start3A_89 = tpu.memref_slice %arg11[%add3A_84, %dma_start3A_88] : memref<10112x72xf32, #tpu.memory_space<vmem_shared>> -> memref<128x72xf32, #tpu.memory_space<vmem_shared>>
    tpu.enqueue_dma source(%dma_start3A_89 : memref<128x72xf32, #tpu.memory_space<vmem_shared>>) target(%dma_start3A_87 : memref<128x72xf32, #tpu.memory_space<hbm>>) target_semaphore(%arg15 : memref<!tpu.dma_semaphore, #tpu.memory_space<semaphore_mem>>)
    %add3A_90 = arith.constant 256 : i32
    %add3A_91 = arith.addi %mul3A_0, %add3A_90 : i32
    %dma_start3A_92 = arith.constant 0 : i32
    %dma_start3A_93 = tpu.memref_slice %arg9[%arg0, %add3A_91, %dma_start3A_92] : memref<2x10112x72xf32, #tpu.memory_space<hbm>> -> memref<1x128x72xf32, #tpu.memory_space<hbm>>
    %dma_start3A_94 = tpu.memref_squeeze %dma_start3A_93 : memref<1x128x72xf32, #tpu.memory_space<hbm>> -> memref<128x72xf32, #tpu.memory_space<hbm>>
    %dma_start3A_95 = arith.constant 0 : i32
    %dma_start3A_96 = tpu.memref_slice %arg11[%add3A_91, %dma_start3A_95] : memref<10112x72xf32, #tpu.memory_space<vmem_shared>> -> memref<128x72xf32, #tpu.memory_space<vmem_shared>>
    tpu.enqueue_dma source(%dma_start3A_96 : memref<128x72xf32, #tpu.memory_space<vmem_shared>>) target(%dma_start3A_94 : memref<128x72xf32, #tpu.memory_space<hbm>>) target_semaphore(%arg15 : memref<!tpu.dma_semaphore, #tpu.memory_space<semaphore_mem>>)
    %add3A_97 = arith.constant 384 : i32
    %add3A_98 = arith.addi %mul3A_0, %add3A_97 : i32
    %dma_start3A_99 = arith.constant 0 : i32
    %dma_start3A_100 = tpu.memref_slice %arg9[%arg0, %add3A_98, %dma_start3A_99] : memref<2x10112x72xf32, #tpu.memory_space<hbm>> -> memref<1x128x72xf32, #tpu.memory_space<hbm>>
    %dma_start3A_101 = tpu.memref_squeeze %dma_start3A_100 : memref<1x128x72xf32, #tpu.memory_space<hbm>> -> memref<128x72xf32, #tpu.memory_space<hbm>>
    %dma_start3A_102 = arith.constant 0 : i32
    %dma_start3A_103 = tpu.memref_slice %arg11[%add3A_98, %dma_start3A_102] : memref<10112x72xf32, #tpu.memory_space<vmem_shared>> -> memref<128x72xf32, #tpu.memory_space<vmem_shared>>
    tpu.enqueue_dma source(%dma_start3A_103 : memref<128x72xf32, #tpu.memory_space<vmem_shared>>) target(%dma_start3A_101 : memref<128x72xf32, #tpu.memory_space<hbm>>) target_semaphore(%arg15 : memref<!tpu.dma_semaphore, #tpu.memory_space<semaphore_mem>>)
    %add3A_104 = arith.constant 512 : i32
    %add3A_105 = arith.addi %mul3A_0, %add3A_104 : i32
    %dma_start3A_106 = arith.constant 0 : i32
    %dma_start3A_107 = tpu.memref_slice %arg9[%arg0, %add3A_105, %dma_start3A_106] : memref<2x10112x72xf32, #tpu.memory_space<hbm>> -> memref<1x120x72xf32, #tpu.memory_space<hbm>>
    %dma_start3A_108 = tpu.memref_squeeze %dma_start3A_107 : memref<1x120x72xf32, #tpu.memory_space<hbm>> -> memref<120x72xf32, #tpu.memory_space<hbm>>
    %dma_start3A_109 = arith.constant 0 : i32
    %dma_start3A_110 = tpu.memref_slice %arg11[%add3A_105, %dma_start3A_109] : memref<10112x72xf32, #tpu.memory_space<vmem_shared>> -> memref<120x72xf32, #tpu.memory_space<vmem_shared>>
    tpu.enqueue_dma source(%dma_start3A_110 : memref<120x72xf32, #tpu.memory_space<vmem_shared>>) target(%dma_start3A_108 : memref<120x72xf32, #tpu.memory_space<hbm>>) target_semaphore(%arg15 : memref<!tpu.dma_semaphore, #tpu.memory_space<semaphore_mem>>)
    %dma_wait3A_111 = arith.constant 0 : i32
    %dma_wait3A_112 = tpu.memref_slice %arg9[%arg0, %add3A_77, %dma_wait3A_111] : memref<2x10112x72xf32, #tpu.memory_space<hbm>> -> memref<1x128x72xf32, #tpu.memory_space<hbm>>
    %dma_wait3A_113 = tpu.memref_squeeze %dma_wait3A_112 : memref<1x128x72xf32, #tpu.memory_space<hbm>> -> memref<128x72xf32, #tpu.memory_space<hbm>>
    %dma_wait3A_114 = arith.constant 0 : i32
    %dma_wait3A_115 = tpu.memref_slice %arg11[%add3A_77, %dma_wait3A_114] : memref<10112x72xf32, #tpu.memory_space<vmem_shared>> -> memref<128x72xf32, #tpu.memory_space<vmem_shared>>
    tpu.wait_dma2 semaphore(%arg15 : memref<!tpu.dma_semaphore, #tpu.memory_space<semaphore_mem>>) src(%dma_wait3A_115 : memref<128x72xf32, #tpu.memory_space<vmem_shared>>) dst(%dma_wait3A_113 : memref<128x72xf32, #tpu.memory_space<hbm>>)
    %dma_wait3A_116 = arith.constant 0 : i32
    %dma_wait3A_117 = tpu.memref_slice %arg9[%arg0, %add3A_84, %dma_wait3A_116] : memref<2x10112x72xf32, #tpu.memory_space<hbm>> -> memref<1x128x72xf32, #tpu.memory_space<hbm>>
    %dma_wait3A_118 = tpu.memref_squeeze %dma_wait3A_117 : memref<1x128x72xf32, #tpu.memory_space<hbm>> -> memref<128x72xf32, #tpu.memory_space<hbm>>
    %dma_wait3A_119 = arith.constant 0 : i32
    %dma_wait3A_120 = tpu.memref_slice %arg11[%add3A_84, %dma_wait3A_119] : memref<10112x72xf32, #tpu.memory_space<vmem_shared>> -> memref<128x72xf32, #tpu.memory_space<vmem_shared>>
    tpu.wait_dma2 semaphore(%arg15 : memref<!tpu.dma_semaphore, #tpu.memory_space<semaphore_mem>>) src(%dma_wait3A_120 : memref<128x72xf32, #tpu.memory_space<vmem_shared>>) dst(%dma_wait3A_118 : memref<128x72xf32, #tpu.memory_space<hbm>>)
    %dma_wait3A_121 = arith.constant 0 : i32
    %dma_wait3A_122 = tpu.memref_slice %arg9[%arg0, %add3A_91, %dma_wait3A_121] : memref<2x10112x72xf32, #tpu.memory_space<hbm>> -> memref<1x128x72xf32, #tpu.memory_space<hbm>>
    %dma_wait3A_123 = tpu.memref_squeeze %dma_wait3A_122 : memref<1x128x72xf32, #tpu.memory_space<hbm>> -> memref<128x72xf32, #tpu.memory_space<hbm>>
    %dma_wait3A_124 = arith.constant 0 : i32
    %dma_wait3A_125 = tpu.memref_slice %arg11[%add3A_91, %dma_wait3A_124] : memref<10112x72xf32, #tpu.memory_space<vmem_shared>> -> memref<128x72xf32, #tpu.memory_space<vmem_shared>>
    tpu.wait_dma2 semaphore(%arg15 : memref<!tpu.dma_semaphore, #tpu.memory_space<semaphore_mem>>) src(%dma_wait3A_125 : memref<128x72xf32, #tpu.memory_space<vmem_shared>>) dst(%dma_wait3A_123 : memref<128x72xf32, #tpu.memory_space<hbm>>)
    %dma_wait3A_126 = arith.constant 0 : i32
    %dma_wait3A_127 = tpu.memref_slice %arg9[%arg0, %add3A_98, %dma_wait3A_126] : memref<2x10112x72xf32, #tpu.memory_space<hbm>> -> memref<1x128x72xf32, #tpu.memory_space<hbm>>
    %dma_wait3A_128 = tpu.memref_squeeze %dma_wait3A_127 : memref<1x128x72xf32, #tpu.memory_space<hbm>> -> memref<128x72xf32, #tpu.memory_space<hbm>>
    %dma_wait3A_129 = arith.constant 0 : i32
    %dma_wait3A_130 = tpu.memref_slice %arg11[%add3A_98, %dma_wait3A_129] : memref<10112x72xf32, #tpu.memory_space<vmem_shared>> -> memref<128x72xf32, #tpu.memory_space<vmem_shared>>
    tpu.wait_dma2 semaphore(%arg15 : memref<!tpu.dma_semaphore, #tpu.memory_space<semaphore_mem>>) src(%dma_wait3A_130 : memref<128x72xf32, #tpu.memory_space<vmem_shared>>) dst(%dma_wait3A_128 : memref<128x72xf32, #tpu.memory_space<hbm>>)
    %dma_wait3A_131 = arith.constant 0 : i32
    %dma_wait3A_132 = tpu.memref_slice %arg9[%arg0, %add3A_105, %dma_wait3A_131] : memref<2x10112x72xf32, #tpu.memory_space<hbm>> -> memref<1x120x72xf32, #tpu.memory_space<hbm>>
    %dma_wait3A_133 = tpu.memref_squeeze %dma_wait3A_132 : memref<1x120x72xf32, #tpu.memory_space<hbm>> -> memref<120x72xf32, #tpu.memory_space<hbm>>
    %dma_wait3A_134 = arith.constant 0 : i32
    %dma_wait3A_135 = tpu.memref_slice %arg11[%add3A_105, %dma_wait3A_134] : memref<10112x72xf32, #tpu.memory_space<vmem_shared>> -> memref<120x72xf32, #tpu.memory_space<vmem_shared>>
    tpu.wait_dma2 semaphore(%arg15 : memref<!tpu.dma_semaphore, #tpu.memory_space<semaphore_mem>>) src(%dma_wait3A_135 : memref<120x72xf32, #tpu.memory_space<vmem_shared>>) dst(%dma_wait3A_133 : memref<120x72xf32, #tpu.memory_space<hbm>>)
    return
  }
}

module attributes {stable_mosaic.version = 14 : i64} {
  func.func @_proj_body(%arg0: i32, %arg1: memref<1000x128xf32, #tpu.memory_space<vmem>>, %arg2: memref<1000x128xf32, #tpu.memory_space<vmem>>, %arg3: memref<64x128xf32, #tpu.memory_space<vmem>>, %arg4: memref<64x128xf32, #tpu.memory_space<vmem>>, %arg5: memref<64x128xf32, #tpu.memory_space<vmem>>, %arg6: memref<64x128xf32, #tpu.memory_space<vmem>>, %arg7: memref<1000x72xf32, #tpu.memory_space<vmem>>, %arg8: memref<1000x72xf32, #tpu.memory_space<vmem>>, %arg9: memref<1000x64xf32, #tpu.memory_space<vmem>>) attributes {dimension_semantics = [#tpu.dimension_semantics<arbitrary>], iteration_bounds = array<i64: 10>, scalar_prefetch = 0 : i64, scratch_operands = 0 : i64, tpu.core_type = #tpu.core_type<tc>, window_params = [{transform_indices = @transform_0, window_bounds = array<i64: 1000, 128>}, {transform_indices = @transform_1, window_bounds = array<i64: 1000, 128>}, {pipeline_mode = #tpu.pipeline_mode<synchronous>, transform_indices = @transform_2, window_bounds = array<i64: 64, 128>}, {pipeline_mode = #tpu.pipeline_mode<synchronous>, transform_indices = @transform_3, window_bounds = array<i64: 64, 128>}, {pipeline_mode = #tpu.pipeline_mode<synchronous>, transform_indices = @transform_4, window_bounds = array<i64: 64, 128>}, {pipeline_mode = #tpu.pipeline_mode<synchronous>, transform_indices = @transform_5, window_bounds = array<i64: 64, 128>}, {transform_indices = @transform_6, window_bounds = array<i64: 1000, 72>}, {transform_indices = @transform_7, window_bounds = array<i64: 1000, 72>}, {transform_indices = @transform_8, window_bounds = array<i64: 1000, 64>}]} {
    %get3A = arith.constant 0 : index
    %get3A_0 = arith.constant 0 : index
    %get3A_1 = vector.load %arg1[%get3A, %get3A_0] : memref<1000x128xf32, #tpu.memory_space<vmem>>, vector<1000x128xf32>
    %get3A_2 = arith.constant 0 : index
    %get3A_3 = arith.constant 0 : index
    %get3A_4 = vector.load %arg2[%get3A_2, %get3A_3] : memref<1000x128xf32, #tpu.memory_space<vmem>>, vector<1000x128xf32>
    %get3A_5 = arith.constant 0 : index
    %get3A_6 = arith.constant 0 : index
    %get3A_7 = vector.load %arg3[%get3A_5, %get3A_6] : memref<64x128xf32, #tpu.memory_space<vmem>>, vector<64x128xf32>
    %dot_general3A = arith.constant dense<0.000000e+00> : vector<1000x64xf32>
    %dot_general3A_8 = tpu.matmul %get3A_1, %get3A_7, %dot_general3A {dimension_numbers = #tpu.dot_dimension_numbers<[1], [1], [0], [0], [0, 0, 1, 0], [], []>, transpose_lhs_hint = false} : vector<1000x128xf32>, vector<64x128xf32>, vector<1000x64xf32> -> vector<1000x64xf32>
    %get3A_9 = arith.constant 0 : index
    %get3A_10 = arith.constant 0 : index
    %get3A_11 = vector.load %arg4[%get3A_9, %get3A_10] : memref<64x128xf32, #tpu.memory_space<vmem>>, vector<64x128xf32>
    %dot_general3A_12 = arith.constant dense<0.000000e+00> : vector<1000x64xf32>
    %dot_general3A_13 = tpu.matmul %get3A_4, %get3A_11, %dot_general3A_12 {dimension_numbers = #tpu.dot_dimension_numbers<[1], [1], [0], [0], [0, 0, 1, 0], [], []>, transpose_lhs_hint = false} : vector<1000x128xf32>, vector<64x128xf32>, vector<1000x64xf32> -> vector<1000x64xf32>
    %get3A_14 = arith.constant 0 : index
    %get3A_15 = arith.constant 0 : index
    %get3A_16 = vector.load %arg5[%get3A_14, %get3A_15] : memref<64x128xf32, #tpu.memory_space<vmem>>, vector<64x128xf32>
    %get3A_17 = arith.constant 0 : index
    %get3A_18 = arith.constant 0 : index
    %get3A_19 = vector.load %arg6[%get3A_17, %get3A_18] : memref<64x128xf32, #tpu.memory_space<vmem>>, vector<64x128xf32>
    %add3A = arith.addf %get3A_16, %get3A_19 : vector<64x128xf32>
    %dot_general3A_20 = arith.constant dense<0.000000e+00> : vector<1000x64xf32>
    %dot_general3A_21 = tpu.matmul %get3A_4, %add3A, %dot_general3A_20 {dimension_numbers = #tpu.dot_dimension_numbers<[1], [1], [0], [0], [0, 0, 1, 0], [], []>, transpose_lhs_hint = false} : vector<1000x128xf32>, vector<64x128xf32>, vector<1000x64xf32> -> vector<1000x64xf32>
    %iota3A = tpu.iota {dimensions = array<i32: 1>} : vector<1000x8xi32>
    %eq3A = arith.constant 0 : i32
    %eq3A_22 = vector.broadcast %eq3A : i32 to vector<1000x8xi32>
    %eq3A_23 = arith.cmpi eq, %iota3A, %eq3A_22 : vector<1000x8xi32>
    %convert_element_type3A = arith.extui %eq3A_23 : vector<1000x8xi1> to vector<1000x8xi32>
    %convert_element_type3A_24 = arith.sitofp %convert_element_type3A : vector<1000x8xi32> to vector<1000x8xf32>
    %concatenate3A = tpu.concatenate %dot_general3A_8, %convert_element_type3A_24 in 1 : vector<1000x64xf32>, vector<1000x8xf32> -> vector<1000x72xf32>
    %swap3A = arith.constant 0 : index
    %swap3A_25 = arith.constant 0 : index
    %swap3A_26 = vector.load %arg7[%swap3A, %swap3A_25] : memref<1000x72xf32, #tpu.memory_space<vmem>>, vector<1000x72xf32>
    tpu.vector_store %arg7[%swap3A, %swap3A_25], %concatenate3A {strides = array<i32>} : memref<1000x72xf32, #tpu.memory_space<vmem>>, vector<1000x72xf32>,
    %concatenate3A_27 = tpu.concatenate %dot_general3A_13, %convert_element_type3A_24 in 1 : vector<1000x64xf32>, vector<1000x8xf32> -> vector<1000x72xf32>
    %swap3A_28 = arith.constant 0 : index
    %swap3A_29 = arith.constant 0 : index
    %swap3A_30 = vector.load %arg8[%swap3A_28, %swap3A_29] : memref<1000x72xf32, #tpu.memory_space<vmem>>, vector<1000x72xf32>
    tpu.vector_store %arg8[%swap3A_28, %swap3A_29], %concatenate3A_27 {strides = array<i32>} : memref<1000x72xf32, #tpu.memory_space<vmem>>, vector<1000x72xf32>,
    %swap3A_31 = arith.constant 0 : index
    %swap3A_32 = arith.constant 0 : index
    %swap3A_33 = vector.load %arg9[%swap3A_31, %swap3A_32] : memref<1000x64xf32, #tpu.memory_space<vmem>>, vector<1000x64xf32>
    tpu.vector_store %arg9[%swap3A_31, %swap3A_32], %dot_general3A_21 {strides = array<i32>} : memref<1000x64xf32, #tpu.memory_space<vmem>>, vector<1000x64xf32>,
    return
  }
  func.func @transform_0(%arg0: i32) -> (i32, i32) {
    %c0_i32 = arith.constant 0 : i32
    %c0_i32_0 = arith.constant 0 : i32
    return %arg0, %c0_i32 : i32, i32
  }
  func.func @transform_1(%arg0: i32) -> (i32, i32) {
    %c0_i32 = arith.constant 0 : i32
    %c0_i32_0 = arith.constant 0 : i32
    return %arg0, %c0_i32 : i32, i32
  }
  func.func @transform_2(%arg0: i32) -> (i32, i32) {
    %c0_i32 = arith.constant 0 : i32
    %c0_i32_0 = arith.constant 0 : i32
    %c0_i32_1 = arith.constant 0 : i32
    return %c0_i32, %c0_i32_0 : i32, i32
  }
  func.func @transform_3(%arg0: i32) -> (i32, i32) {
    %c0_i32 = arith.constant 0 : i32
    %c0_i32_0 = arith.constant 0 : i32
    %c0_i32_1 = arith.constant 0 : i32
    return %c0_i32, %c0_i32_0 : i32, i32
  }
  func.func @transform_4(%arg0: i32) -> (i32, i32) {
    %c0_i32 = arith.constant 0 : i32
    %c0_i32_0 = arith.constant 0 : i32
    %c0_i32_1 = arith.constant 0 : i32
    return %c0_i32, %c0_i32_0 : i32, i32
  }
  func.func @transform_5(%arg0: i32) -> (i32, i32) {
    %c0_i32 = arith.constant 0 : i32
    %c0_i32_0 = arith.constant 0 : i32
    %c0_i32_1 = arith.constant 0 : i32
    return %c0_i32, %c0_i32_0 : i32, i32
  }
  func.func @transform_6(%arg0: i32) -> (i32, i32) {
    %c0_i32 = arith.constant 0 : i32
    %c0_i32_0 = arith.constant 0 : i32
    return %arg0, %c0_i32 : i32, i32
  }
  func.func @transform_7(%arg0: i32) -> (i32, i32) {
    %c0_i32 = arith.constant 0 : i32
    %c0_i32_0 = arith.constant 0 : i32
    return %arg0, %c0_i32 : i32, i32
  }
  func.func @transform_8(%arg0: i32) -> (i32, i32) {
    %c0_i32 = arith.constant 0 : i32
    %c0_i32_0 = arith.constant 0 : i32
    return %arg0, %c0_i32 : i32, i32
  }
}

module attributes {stable_mosaic.version = 14 : i64} {
  func.func @_post_body(%arg0: i32, %arg1: memref<2x1000x72xf32, #tpu.memory_space<vmem>>, %arg2: memref<1000x64xf32, #tpu.memory_space<vmem>>, %arg3: memref<1x64xf32, #tpu.memory_space<vmem>>, %arg4: memref<8x64xf32, #tpu.memory_space<vmem>>, %arg5: memref<1xf32, #tpu.memory_space<smem>>, %arg6: memref<1000x64xf32, #tpu.memory_space<vmem>>, %arg7: memref<1000x1xf32, #tpu.memory_space<vmem>>) attributes {dimension_semantics = [#tpu.dimension_semantics<arbitrary>], iteration_bounds = array<i64: 10>, scalar_prefetch = 0 : i64, scratch_operands = 0 : i64, tpu.core_type = #tpu.core_type<tc>, window_params = [{transform_indices = @transform_0, window_bounds = array<i64: 2, 1000, 72>}, {transform_indices = @transform_1, window_bounds = array<i64: 1000, 64>}, {pipeline_mode = #tpu.pipeline_mode<synchronous>, transform_indices = @transform_2, window_bounds = array<i64: 1, 64>}, {pipeline_mode = #tpu.pipeline_mode<synchronous>, transform_indices = @transform_3, window_bounds = array<i64: 8, 64>}, {transform_indices = @transform_4, window_bounds = array<i64: 1>}, {transform_indices = @transform_5, window_bounds = array<i64: 1000, 64>}, {transform_indices = @transform_6, window_bounds = array<i64: 1000, 1>}]} {
    %get3A = arith.constant 0 : index
    %get3A_0 = arith.constant 0 : index
    %get3A_1 = arith.constant 0 : index
    %get3A_2 = vector.load %arg1[%get3A, %get3A_0, %get3A_1] : memref<2x1000x72xf32, #tpu.memory_space<vmem>>, vector<2x1000x72xf32>
    %slice3A = vector.extract_strided_slice %get3A_2 {offsets = [0, 0, 0], sizes = [1, 1000, 72], strides = [1, 1, 1]} : vector<2x1000x72xf32> to vector<1x1000x72xf32>
    %squeeze3A = vector.shape_cast %slice3A : vector<1x1000x72xf32> to vector<1000x72xf32>
    %slice3A_3 = vector.extract_strided_slice %get3A_2 {offsets = [1, 0, 0], sizes = [1, 1000, 72], strides = [1, 1, 1]} : vector<2x1000x72xf32> to vector<1x1000x72xf32>
    %squeeze3A_4 = vector.shape_cast %slice3A_3 : vector<1x1000x72xf32> to vector<1000x72xf32>
    %slice3A_5 = vector.extract_strided_slice %squeeze3A {offsets = [0, 0], sizes = [1000, 64], strides = [1, 1]} : vector<1000x72xf32> to vector<1000x64xf32>
    %slice3A_6 = vector.extract_strided_slice %squeeze3A {offsets = [0, 64], sizes = [1000, 1], strides = [1, 1]} : vector<1000x72xf32> to vector<1000x1xf32>
    %max3A = arith.constant 1.000000e+00 : f32
    %max3A_7 = vector.broadcast %max3A : f32 to vector<1000x1xf32>
    %max3A_8 = arith.maximumf %slice3A_6, %max3A_7 : vector<1000x1xf32>
    %div3A = vector.broadcast %max3A_8 : vector<1000x1xf32> to vector<1000x64xf32>
    %div3A_9 = arith.divf %slice3A_5, %div3A : vector<1000x64xf32>
    %slice3A_10 = vector.extract_strided_slice %squeeze3A_4 {offsets = [0, 0], sizes = [1000, 64], strides = [1, 1]} : vector<1000x72xf32> to vector<1000x64xf32>
    %slice3A_11 = vector.extract_strided_slice %squeeze3A_4 {offsets = [0, 64], sizes = [1000, 1], strides = [1, 1]} : vector<1000x72xf32> to vector<1000x1xf32>
    %max3A_12 = arith.constant 1.000000e+00 : f32
    %max3A_13 = vector.broadcast %max3A_12 : f32 to vector<1000x1xf32>
    %max3A_14 = arith.maximumf %slice3A_11, %max3A_13 : vector<1000x1xf32>
    %div3A_15 = vector.broadcast %max3A_14 : vector<1000x1xf32> to vector<1000x64xf32>
    %div3A_16 = arith.divf %slice3A_10, %div3A_15 : vector<1000x64xf32>
    %add3A = arith.addf %div3A_9, %div3A_16 : vector<1000x64xf32>
    %get3A_17 = arith.constant 0 : index
    %get3A_18 = arith.constant 0 : index
    %get3A_19 = vector.load %arg2[%get3A_17, %get3A_18] : memref<1000x64xf32, #tpu.memory_space<vmem>>, vector<1000x64xf32>
    %add3A_20 = arith.addf %add3A, %get3A_19 : vector<1000x64xf32>
    %get3A_21 = arith.constant 0 : index
    %get3A_22 = arith.constant 0 : index
    %get3A_23 = vector.load %arg3[%get3A_21, %get3A_22] : memref<1x64xf32, #tpu.memory_space<vmem>>, vector<1x64xf32>
    %add3A_24 = vector.broadcast %get3A_23 : vector<1x64xf32> to vector<1000x64xf32>
    %add3A_25 = arith.addf %add3A_20, %add3A_24 : vector<1000x64xf32>
    %mul3A = arith.constant 5.000000e-01 : f32
    %mul3A_26 = vector.broadcast %mul3A : f32 to vector<1000x64xf32>
    %mul3A_27 = arith.mulf %add3A_25, %mul3A_26 : vector<1000x64xf32>
    %max3A_28 = arith.constant 0.000000e+00 : f32
    %max3A_29 = vector.broadcast %max3A_28 : f32 to vector<1000x64xf32>
    %max3A_30 = arith.maximumf %mul3A_27, %max3A_29 : vector<1000x64xf32>
    %swap3A = arith.constant 0 : index
    %swap3A_31 = arith.constant 0 : index
    %swap3A_32 = vector.load %arg6[%swap3A, %swap3A_31] : memref<1000x64xf32, #tpu.memory_space<vmem>>, vector<1000x64xf32>
    tpu.vector_store %arg6[%swap3A, %swap3A_31], %max3A_30 {strides = array<i32>} : memref<1000x64xf32, #tpu.memory_space<vmem>>, vector<1000x64xf32>,
    %get3A_33 = arith.constant 0 : index
    %get3A_34 = arith.constant 0 : index
    %get3A_35 = vector.load %arg4[%get3A_33, %get3A_34] : memref<8x64xf32, #tpu.memory_space<vmem>>, vector<8x64xf32>
    %dot_general3A = arith.constant dense<0.000000e+00> : vector<1000x8xf32>
    %dot_general3A_36 = tpu.matmul %max3A_30, %get3A_35, %dot_general3A {dimension_numbers = #tpu.dot_dimension_numbers<[1], [1], [0], [0], [0, 0, 1, 0], [], []>, transpose_lhs_hint = false} : vector<1000x64xf32>, vector<8x64xf32>, vector<1000x8xf32> -> vector<1000x8xf32>
    %get3A_37 = arith.constant 0 : index
    %get3A_38 = memref.load %arg5[%get3A_37] : memref<1xf32, #tpu.memory_space<smem>>
    %add3A_39 = vector.broadcast %get3A_38 : f32 to vector<1000x8xf32>
    %add3A_40 = arith.addf %dot_general3A_36, %add3A_39 : vector<1000x8xf32>
    %slice3A_41 = vector.extract_strided_slice %add3A_40 {offsets = [0, 0], sizes = [1000, 1], strides = [1, 1]} : vector<1000x8xf32> to vector<1000x1xf32>
    %swap3A_42 = arith.constant 0 : index
    %swap3A_43 = arith.constant 0 : index
    %swap3A_44 = vector.load %arg7[%swap3A_42, %swap3A_43] : memref<1000x1xf32, #tpu.memory_space<vmem>>, vector<1000x1xf32>
    tpu.vector_store %arg7[%swap3A_42, %swap3A_43], %slice3A_41 {strides = array<i32>} : memref<1000x1xf32, #tpu.memory_space<vmem>>, vector<1000x1xf32>,
    return
  }
  func.func @transform_0(%arg0: i32) -> (i32, i32, i32) {
    %c0_i32 = arith.constant 0 : i32
    %c0_i32_0 = arith.constant 0 : i32
    %c0_i32_1 = arith.constant 0 : i32
    return %c0_i32, %arg0, %c0_i32_0 : i32, i32, i32
  }
  func.func @transform_1(%arg0: i32) -> (i32, i32) {
    %c0_i32 = arith.constant 0 : i32
    %c0_i32_0 = arith.constant 0 : i32
    return %arg0, %c0_i32 : i32, i32
  }
  func.func @transform_2(%arg0: i32) -> (i32, i32) {
    %c0_i32 = arith.constant 0 : i32
    %c0_i32_0 = arith.constant 0 : i32
    %c0_i32_1 = arith.constant 0 : i32
    return %c0_i32, %c0_i32_0 : i32, i32
  }
  func.func @transform_3(%arg0: i32) -> (i32, i32) {
    %c0_i32 = arith.constant 0 : i32
    %c0_i32_0 = arith.constant 0 : i32
    %c0_i32_1 = arith.constant 0 : i32
    return %c0_i32, %c0_i32_0 : i32, i32
  }
  func.func @transform_4(%arg0: i32) -> i32 {
    %c0_i32 = arith.constant 0 : i32
    %c0_i32_0 = arith.constant 0 : i32
    return %c0_i32 : i32
  }
  func.func @transform_5(%arg0: i32) -> (i32, i32) {
    %c0_i32 = arith.constant 0 : i32
    %c0_i32_0 = arith.constant 0 : i32
    return %arg0, %c0_i32 : i32, i32
  }
  func.func @transform_6(%arg0: i32) -> (i32, i32) {
    %c0_i32 = arith.constant 0 : i32
    %c0_i32_0 = arith.constant 0 : i32
    return %arg0, %c0_i32 : i32, i32
  }
}

</mosaic_0001>

<sc_bundles>
// kernel: kernel.5.cloned.1.call-start
scs
__scs_entry_jumppad:
0x0: {  	(pc) =	sbr.rel $0x88, $3  }
0x1: {  	(tag) =	ssettag $0x0;
	lr =	simm.s32 $0x1  }
0x2: {  	[smem:$0x3F95] =	sst lr;
	_ =	strace $0xD0000000  }
0x3: {  	_ = 	snop  }
0x4: {  	_ = 	snop  }
0x5: {  	_ = 	snop  }
0x6: {  	_ = 	snop  }
0x7: {  	_ = 	snop  }
__scs_overlays_trampoline_lowered:
0x8: {  	[smem:$0x3FA4] =	sst s0  }
0x9: {  	[smem:$0x3FA5] =	sst s1  }
0xa: {  	[smem:$0x3FA6] =	sst s2  }
0xb: {  	[smem:$0x3FA7] =	sst s3  }
0xc: {  	[smem:$0x3FA8] =	sst s4  }
0xd: {  	[smem:$0x3FA9] =	sst s5  }
0xe: {  	[smem:$0x3FAA] =	sst s6  }
0xf: {  	[smem:$0x3FAB] =	sst s7  }
0x10: {  	[smem:$0x3FAC] =	sst s8  }
0x11: {  	[smem:$0x3FAD] =	sst s9;
	s0 =	simm.s32 @!p0 $0x0  }
0x12: {  	s1 =	sld [smem:$0x3F93];
	s0 =	simm.s32 @p0 $0x1  }
0x13: {  	[smem:$0x3FAE] =	sst s0;
	s0 =	simm.s32 @!p1 $0x0  }
0x14: {  	s2 =	sld [smem:$0x3F92];
	s0 =	simm.s32 @p1 $0x1  }
0x15: {  	[smem:$0x3FAF] =	sst s0;
	s0 =	simm.s32 @!p2 $0x0  }
0x16: {  	s3 =	sld [smem:$0x3FDB];
	s0 =	simm.s32 @p2 $0x1  }
0x17: {  	s4 =	simm.s32 $0x1BF5;
	[smem:$0x3FB1] =	sst s0  }
0x18: {  	s0 =	sld [smem:$0x3F94];
	_ =	swait.ge [sflag:s4], $0x0  }
0x19: {  	s7 =	sld [smem:$0x3F95]  }
0x1a: {  	s8 =	sadd.s32 $0xFFFFE003, lr  }
0x1b: {  	s9 =	sadd.s32 $0xFFFFFEF7, lr;
	s5 =	simm.s32 $0xFFFFFFFF;
	p2 =	slt.u32 s8, $0xFFFFF086  }
0x1c: {  	p1 =	slt.u32 s9, $0xF7A;
	s5 =	simm.s32 @!p2 $0x0  }
0x1d: {  	s5 =	simm.s32 @p1 $0x1;
	p0 =	seq.s32 s7, s2  }
0x1e: {  	s7 =	smul.u32 @!p0 $0xF7A, s2;
	p2 =	seq.s32 @!p0 s5, $0x0  }
0x1f: {  	s9 =	smul.u32 $0xF7A, s1;
	s8 =	simm.s32 @!p0 $0x1BF5;
	p2 =	por !p2, p0  }
0x20: {  	[sflag:s8] =	ssyncset.s32 @!p0 $0xFFFFF086;
	s6 =	sadd.s32 @!p0 s3, s7;
	s7 =	simm.s32 @!p0 $0x108  }
0x21: {  	s3 =	sadd.s32 s3, s9;
	s6 =	sadd.s32 @!p0 $0x88, s6;
	s7 =	simm.s32 @p2 $0x1082  }
0x22: {  	[simem:s7], [sflag:s8] =	dma.local @!p0 [hbm:s6], $0xF7A  }
0x23: {  	s9 =	sor.u32 $0xD0000000, s2;
	s6 =	simm.s32 $0x108;
	_ =	swait.ge @!p0 [sflag:s8], $0x0  }
0x24: {  	s3 =	sadd.s32 $0x88, s3;
	s6 =	simm.s32 @!p1 $0x1082;
	[sflag:s4] =	ssyncset.s32 $0xFFFFF086  }
0x25: {  	[simem:s6], [sflag:s4] =	dma.local [hbm:s3], $0xF7A  }
0x26: {  	[smem:$0x3F95] =	sst s1;
	(tag) =	ssettag s2;
	_ =	strace s9  }
0x27: {  	s1 =	sld [smem:$0x3FA5]  }
0x28: {  	s2 =	sld [smem:$0x3FA6]  }
0x29: {  	s4 =	sld [smem:$0x3FA8]  }
0x2a: {  	p0 =	seq.s32 s5, $0x0;
	s5 =	sld [smem:$0x3FA9]  }
0x2b: {  	s6 =	sld [smem:$0x3FAA]  }
0x2c: {  	s7 =	sld [smem:$0x3FAB]  }
0x2d: {  	s3 =	simm.s32 $0x108;
	s8 =	sld [smem:$0x3FAC]  }
0x2e: {  	s3 =	simm.s32 @!p0 $0x1082;
	s9 =	sld [smem:$0x3FAD]  }
0x2f: {  	lr =	sadd.s32 s0, s3;
	s0 =	sld [smem:$0x3FA4]  }
0x30: {  	s3 =	sld [smem:$0x3FA7]  }
0x31: {  	[smem:$0x3FB0] =	sst s10  }
0x32: {  	s10 =	sld [smem:$0x3FAE];
	_ =	sdelay $0x3  }
0x33: {  	p0 =	seq.s32 s10, $0x1;
	s10 =	sld [smem:$0x3FB0];
	_ =	sdelay $0x3  }
0x34: {  	[smem:$0x3FB0] =	sst s10  }
0x35: {  	s10 =	sld [smem:$0x3FAF];
	_ =	sdelay $0x3  }
0x36: {  	p1 =	seq.s32 s10, $0x1;
	s10 =	sld [smem:$0x3FB0];
	_ =	sdelay $0x3  }
0x37: {  	[smem:$0x3FB0] =	sst s10  }
0x38: {  	s10 =	sld [smem:$0x3FB1]  }
0x39: {  	_ = 	snop;
	(pc) =	sbr.ind lr, $3  }
0x3a: {  	_ = 	snop  }
0x3b: {  	_ = 	snop  }
0x3c: {  	p2 =	seq.s32 s10, $0x1;
	s10 =	sld [smem:$0x3FB0]  }
0x3d: {  	_ =	shalt  }
0x3e: {  	_ =	shalt  }
0x3f: {  	_ =	shalt  }
0x40: {  	_ =	shalt  }
0x41: {  	_ =	shalt  }
0x42: {  	_ =	shalt  }
0x43: {  	_ =	shalt  }
0x44: {  	_ =	shalt  }
0x45: {  	_ =	shalt  }
0x46: {  	_ =	shalt  }
0x47: {  	_ =	shalt  }
0x48: {  	_ =	shalt  }
0x49: {  	_ =	shalt  }
0x4a: {  	_ =	shalt  }
0x4b: {  	_ =	shalt  }
0x4c: {  	_ =	shalt  }
0x4d: {  	_ =	shalt  }
0x4e: {  	_ =	shalt  }
0x4f: {  	_ =	shalt  }
0x50: {  	_ =	shalt  }
0x51: {  	_ =	shalt  }
0x52: {  	_ =	shalt  }
0x53: {  	_ =	shalt  }
0x54: {  	_ =	shalt  }
0x55: {  	_ =	shalt  }
0x56: {  	_ =	shalt  }
0x57: {  	_ =	shalt  }
0x58: {  	_ =	shalt  }
0x59: {  	_ =	shalt  }
0x5a: {  	_ =	shalt  }
0x5b: {  	_ =	shalt  }
0x5c: {  	_ =	shalt  }
0x5d: {  	_ =	shalt  }
0x5e: {  	_ =	shalt  }
0x5f: {  	_ =	shalt  }
0x60: {  	_ =	shalt  }
0x61: {  	_ =	shalt  }
0x62: {  	_ =	shalt  }
0x63: {  	_ =	shalt  }
0x64: {  	_ =	shalt  }
0x65: {  	_ =	shalt  }
0x66: {  	_ =	shalt  }
0x67: {  	_ =	shalt  }
0x68: {  	_ =	shalt  }
0x69: {  	_ =	shalt  }
0x6a: {  	_ =	shalt  }
0x6b: {  	_ =	shalt  }
0x6c: {  	_ =	shalt  }
0x6d: {  	_ =	shalt  }
0x6e: {  	_ =	shalt  }
0x6f: {  	_ =	shalt  }
0x70: {  	_ =	shalt  }
0x71: {  	_ =	shalt  }
0x72: {  	_ =	shalt  }
0x73: {  	_ =	shalt  }
0x74: {  	_ =	shalt  }
0x75: {  	_ =	shalt  }
0x76: {  	_ =	shalt  }
0x77: {  	_ =	shalt  }
0x78: {  	_ =	shalt  }
0x79: {  	_ =	shalt  }
0x7a: {  	_ =	shalt  }
0x7b: {  	_ =	shalt  }
0x7c: {  	_ =	shalt  }
0x7d: {  	_ =	shalt  }
0x7e: {  	_ =	shalt  }
0x7f: {  	_ =	shalt  }
0x80: {  	_ =	shalt  }
0x81: {  	_ =	shalt  }
0x82: {  	_ =	shalt  }
0x83: {  	_ =	shalt  }
0x84: {  	_ =	shalt  }
0x85: {  	_ =	shalt  }
0x86: {  	_ =	shalt  }
0x87: {  	_ =	shalt  }
.Lfunc_end0:
.L_simem_size_0:
called_computation_lowered:
.L_overlay_start_0:
0x88: {  	s2 =	sld [smem:$0x3FD9]  }
0x89: {  	s3 =	sld [smem:$0x3FFE];
	_ =	sdelay $0x1  }
0x8a: {  	s1 =	srdreg.scid  }
0x8b: {  	s0 =	sand.u32 $0x1, s1  }
0x8c: {  	s14 =	sshll.u32 s0, $0xA;
	s2 =	sadd.s32 s3, s2  }
0x8d: {  	s2 =	sadd.s32 s2, s14  }
0x8e: {  	[smem:$0x3FBC] =	sst s2  }
0x8f: {  	_ = 	snop  }
0x90: {  	s2 =	sld [smem:$0x3FD0];
	_ =	sdelay $0x2  }
0x91: {  	s15 =	simm.s32 $0xA;
	s4 =	simm.s32 $0x10  }
0x92: {  	[smem:s4], [sflag:s15] =	dma.local [hbm:s2], $0x1  }
0x93: {  	_ =	swait.eq [sflag:s15], $0x1  }
0x94: {  	[sflag:s15] =	ssyncset.done $0x0  }
0x95: {  	s16 =	sld [smem:$0x10];
	[sflag:s15] =	ssyncadd.s32 $0xFFFFFFFF  }
0x96: {  	s17 =	sld [smem:$0x11];
	(tm) =	ssettm $0x1  }
0x97: {  	s18 =	sld [smem:$0x3FFB];
	_ =	sdelay $0x3  }
0x98: {  	_ =	strace s18  }
0x99: {  	s4 =	sld [smem:$0x3FFC];
	_ =	sdelay $0x3  }
0x9a: {  	_ =	strace s4  }
0x9b: {  	s4 =	sld [smem:$0x3FFD];
	_ =	sdelay $0x3  }
0x9c: {  	_ =	strace s4  }
0x9d: {  	_ =	strace $0x8FFFFFFF  }
0x9e: {  	s19 =	sld [smem:$0x3FDB];
	_ =	sdelay $0x1  }
0x9f: {  	s5 =	simm.s32 $_scs_section_size  }
0xa0: {  	s6 =	simm.s32 $_size__tile_overlayer_lowered;
	s7 =	simm.s32 $_tile_overlayer_lowered  }
0xa1: {  	s22 =	simm.s32 $0x1BFF;
	s21 =	sshll.u32 s7, $0x1;
	s4 =	sadd.s32 s5, s19  }
0xa2: {  	s8 =	simm.s32 $0x0;
	s20 =	sshll.u32 s6, $0x1;
	s6 =	sadd.s32 s21, s4  }
0xa3: {  	[timem:s8], [sflag:s22] =	dma.local [hbm:s6], s20  }
0xa4: {  	_ =	swait.ge [sflag:s22], s20  }
0xa5: {  	s5 =	ssub.s32 $0x0, s20;
	[sflag:s22] =	ssyncset.done $0x0  }
0xa6: {  	[sflag:s22] =	ssyncadd.s32 s5;
	_ =	sdelay $0x1  }
0xa7: {  	s23 =	simm.s32 $0x1B8B  }
0xa8: {  	_ =	swait.ge [sflag:s23], $0x1  }
0xa9: {  	[sflag:s23] =	ssyncset.done $0x0  }
0xaa: {  	s25 =	simm.s32 $0x1B8E;
	s24 =	sld [smem:$0x3FFE];
	[sflag:s23] =	ssyncadd.s32 $0xFFFFFFFF  }
0xab: {  	s26 =	simm.s32 $execute0_lowered;
	[smem:$0x3FD2] =	sst s25  }
0xac: {  	s6 =	sshll.u32 s26, $0x1;
	_ =	strace $0x80000046;
	[dreg:$0x1] =	wrdreg $0xFFFFFFFF  }
0xad: {  	s28 =	simm.s32 $_size_execute0_lowered;
	s4 =	sadd.s32 s4, s6;
	[dreg:$0x0] =	wrdreg $0x0  }
0xae: {  	s6 =	sshll.u32 s28, $0x1;
	[dreg:$0x2] =	wrdreg s4  }
0xaf: {  	[dreg:$0x3] =	wrdreg s6  }
0xb0: {  	[dreg:$0x4] =	wrdreg $0xC0  }
0xb1: {  	_ =	task [dreg:s8], $0x5FFFF  }
0xb2: {  	[dreg:$0x1] =	wrdreg $0xFFFFFFFF  }
0xb3: {  	[dreg:$0x0] =	wrdreg $0x60  }
0xb4: {  	[dreg:$0x2] =	wrdreg s24  }
0xb5: {  	[dreg:$0x3] =	wrdreg s17  }
0xb6: {  	[dreg:$0x4] =	wrdreg s16  }
0xb7: {  	[dreg:$0x5] =	wrdreg $0xB1C00  }
0xb8: {  	[dreg:$0x6] =	wrdreg $0x0  }
0xb9: {  	[dreg:$0x7] =	wrdreg $0x9  }
0xba: {  	_ =	task.clear_ibuf [dreg:s8], $0x8FFFF;
	_ =	strace $0x90000046  }
0xbb: {  	s29 =	simm.s32 $0x9;
	_ =	strace $0x80000048  }
0xbc: {  	_ =	swait.ge [sflag:s29], $0x1  }
0xbd: {  	[sflag:s29] =	ssyncadd.s32 $0xFFFFFFFF  }
0xbe: {  	_ =	strace $0x90000048  }
0xbf: {  	_ =	sfence  }
0xc0: {  	s30 =	sld [smem:$0x0];
	_ =	sdelay $0x2  }
0xc1: {  	s31 =	sshll.u32 s1, $0xD;
	s1 =	sshrl.u32 s1, $0x2  }
0xc2: {  	s3 =	sand.u32 $0x4000, s31;
	s1 =	sadd.s32 s1, s30  }
0xc3: {  	s0 =	sor.u32 s3, s0;
	s1 =	sshll.u32 s1, $0x11  }
0xc4: {  	s0 =	sor.u32 s1, s0  }
0xc5: {  	s0 =	sadd.s32 $0x8F2B, s0  }
0xc6: {  	[sflag:s0] =	ssyncadd.remote.s32 $0x1  }
0xc7: {  	_ =	sfence.sel $0xFFFF  }
0xc8: {  	[dreg:$0x0] =	wrdreg $0xFFFFFFFF;
	(pc) =	sbr.abs _section_cstart, $3  }
0xc9: {  	[dreg:$0x1] =	wrdreg $0xFFFFFFFF  }
0xca: {  	_ =	task.clear_ibuf [dreg:s8], $0x2FFFF;
	_ =	strace $0x9FFFFFFF  }
0xcb: {  	(tm) =	ssettm $0x7FFFFFFF  }
tec
execute0_lowered:
.L_overlay_start_1:
0x0: {  	(tag) =	ssettag $0x1  }
0x1: {  	s0 =	rddreg [dreg:$0x0]  }
0x2: {  	s1 =	rddreg [dreg:$0x1]  }
0x3: {  	s2 =	rddreg [dreg:$0x3]  }
0x4: {  	s4 =	rddreg [dreg:$0x4]  }
0x5: {  	s3 =	srdreg.scid;
	s5 =	simm.s32 $0x0;
	s21 =	stileid.u32  }
0x6: {  	s29 =	simm.s32 $0x1;
	s30 =	simm.s32 $0x16380;
	s31 =	simm.s32 $0x3  }
0x7: {  	s28 =	simm.s32 $0x16800;
	s3 =	sand.u32 $0x1, s3;
	s6 =	smul.u32 $0x500, s21  }
0x8: {  	[smem:$0x7FF] =	sst s5;
	s9 =	smul.u32 $0xB1C0, s21;
	s11 =	sadd.s32 $0x4D000, s0  }
0x9: {  	s7 =	ssub.s32 $0x2, s3;
	_ =	strace $0x80000047;
	s13 =	smul.u32 $0xB1C00, s3  }
0xa: {  	p0 =	seq.s32 s3, $0x0;
	s8 =	sshrl.u32 s7, $0x1;
	s10 =	sadd.s32 s6, s0  }
0xb: {  	s12 =	sadd.s32 $0x4800, s9;
	s14 =	sadd.s32 $0x6C00, s9;
	s15 =	sadd.s32 $0x9000, s9  }
0xc: {  	s16 =	sshrl.u32 s9, $0x3;
	s1 =	sadd.s32 s6, s1;
	s6 =	simm.s32 $0x16D80  }
0xd: {  	s7 =	ssub.s32 s7, s8;
	s8 =	sadd.s32 $0x2400, s9;
	s18 =	sadd.s32 s9, s13  }
0xe: {  	s20 =	sadd.s32 s13, s12;
	s26 =	sadd.s32 s13, s14;
	s22 =	sshrl.u32 s15, $0x3  }
0xf: {  	[dreg:$0x9] =	wrdreg s1;
	s1 =	simm.s32 $0x16C80;
	s17 =	sshrl.u32 s8, $0x3  }
0x10: {  	s18 =	sshrl.u32 s18, $0x3;
	s19 =	sadd.s32 s13, s8;
	s24 =	sshrl.u32 s20, $0x3  }
0x11: {  	s13 =	sadd.s32 s13, s15;
	s7 =	smax.u32 s7, $0x1;
	s18 =	sadd.s32 s11, s18  }
0x12: {  	s23 =	sshrl.u32 s19, $0x3;
	s25 =	sadd.s32 s11, s24;
	[dreg:$0x1a] =	wrdreg s7  }
0x13: {  	s19 =	simm.s32 $0x36C00;
	s13 =	sshrl.u32 s13, $0x3;
	[dreg:$0xa] =	wrdreg s18  }
0x14: {  	s24 =	sadd.s32 $0x400, s10;
	s18 =	sadd.s32 s11, s23;
	[dreg:$0xc] =	wrdreg s25  }
0x15: {  	s19 =	simm.s32 @!p0 $0xF400;
	s23 =	sadd.s32 $0xA400, s10;
	[dreg:$0x8] =	wrdreg s24  }
0x16: {  	s25 =	sshll.u32 s21, $0x6;
	p0 =	sne.s32 s3, $0x0;
	[dreg:$0xb] =	wrdreg s18  }
0x17: {  	s21 =	sadd.s32 s15, s2;
	s3 =	simm.s32 $0x80;
	[dreg:$0x7] =	wrdreg s23  }
0x18: {  	s18 =	sshrl.u32 s26, $0x3;
	s26 =	sadd.s32 s9, s2;
	[dreg:$0x19] =	wrdreg s21  }
0x19: {  	s0 =	sadd.s32 s19, s0;
	s18 =	sadd.s32 s11, s18;
	[dreg:$0x14] =	wrdreg s26  }
0x1a: {  	s19 =	sshrl.u32 s14, $0x3;
	s11 =	sadd.s32 s11, s13;
	[dreg:$0xd] =	wrdreg s18  }
0x1b: {  	s21 =	simm.s32 $0x16680;
	s13 =	sadd.s32 $0x5400, s10;
	[dreg:$0xe] =	wrdreg s11  }
0x1c: {  	s16 =	sadd.s32 s0, s16;
	s20 =	sadd.s32 s0, s17;
	[dreg:$0x6] =	wrdreg s13  }
0x1d: {  	s10 =	sadd.s32 s8, s2;
	s17 =	sadd.s32 s8, s4;
	[dreg:$0xf] =	wrdreg s16  }
0x1e: {  	s8 =	simm.s32 $0x19180;
	s18 =	sshrl.u32 s12, $0x3;
	[dreg:$0x10] =	wrdreg s20  }
0x1f: {  	s11 =	sadd.s32 s0, s19;
	[dreg:$0x16] =	wrdreg s10;
	s16 =	sadd.s32 s9, s4  }
0x20: {  	s19 =	sadd.s32 s14, s2;
	s20 =	sadd.s32 s14, s4;
	s23 =	sshrl.u32 s17, $0x3  }
0x21: {  	s10 =	simm.s32 $0x1B580;
	s14 =	simm.s32 $0x16980;
	s17 =	simm.s32 $0x16D00  }
0x22: {  	s9 =	simm.s32 $0x0;
	s13 =	sadd.s32 s0, s18;
	[dreg:$0x12] =	wrdreg s11  }
0x23: {  	s0 =	sadd.s32 s0, s22;
	s11 =	sor.u32 $0x1C01, s25;
	[dreg:$0x18] =	wrdreg s19  }
0x24: {  	s18 =	sadd.s32 s12, s4;
	s22 =	sadd.s32 s15, s4;
	[dreg:$0x1c] =	wrdreg s23  }
0x25: {  	s25 =	sshrl.u32 s20, $0x3;
	s15 =	simm.s32 $0x2;
	[dreg:$0x11] =	wrdreg s13  }
0x26: {  	s19 =	simm.s32 $0x16600;
	s20 =	simm.s32 $0x16A80;
	[dreg:$0x13] =	wrdreg s0  }
0x27: {  	s23 =	simm.s32 $0x16700;
	s13 =	sadd.s32 s12, s2;
	[dreg:$0x1e] =	wrdreg s25  }
0x28: {  	s0 =	sshrl.u32 s16, $0x3;
	s24 =	sshrl.u32 s18, $0x3;
	[dreg:$0x15] =	wrdreg s11  }
.Ltmp0:
0x29: {  	s26 =	sshrl.u32 s22, $0x3;
	[dreg:$0x17] =	wrdreg s13;
	(pc) =	sbr.rel .LBB2_1-.Ltmp0, $4  }
0x2a: {  	s12 =	simm.s32 $0x16500;
	s16 =	simm.s32 $0x16580;
	[dreg:$0x1b] =	wrdreg s0  }
0x2b: {  	s18 =	simm.s32 $0x16A00;
	s22 =	simm.s32 $0x16B00;
	[dreg:$0x1d] =	wrdreg s24  }
0x2c: {  	s25 =	simm.s32 $0x16780;
	[dreg:$0x1f] =	wrdreg s26;
	s0 =	simm.s32 $0x16880  }
0x2d: {  	s13 =	simm.s32 $0x1D980;
	s24 =	simm.s32 $0x16B80;
	s26 =	simm.s32 $0x16C00  }
.LBB2_7:
0x2e: {  	[sflag:s15] =	ssyncset.done $0x0  }
0x2f: {  	[sflag:s15] =	ssyncadd.s32 $0xFFFFDC00  }
.LBB2_8:
0x30: {  	[bflag:$0x0] =	sbarrier.arrive $0xFFFF  }
0x31: {  	s9 =	sld [smem:$0x7F9]  }
0x32: {  	s7 =	rddreg [dreg:$0xa]  }
0x33: {  	s11 =	rddreg [dreg:$0x15]  }
0x34: {  	[hbm:s7], [sflag:s11] =	dma.local [spmem:s9], $0x480  }
0x35: {  	s9 =	sld [smem:$0x7FA];
	_ =	sdelay $0x1  }
0x36: {  	s7 =	rddreg [dreg:$0xb]  }
0x37: {  	[hbm:s7], [sflag:s11] =	dma.local [spmem:s9], $0x480  }
0x38: {  	s9 =	sld [smem:$0x7FB];
	_ =	sdelay $0x1  }
0x39: {  	s7 =	rddreg [dreg:$0xc]  }
0x3a: {  	[hbm:s7], [sflag:s11] =	dma.local [spmem:s9], $0x480  }
0x3b: {  	s9 =	sld [smem:$0x7FC];
	_ =	sdelay $0x1  }
0x3c: {  	s7 =	rddreg [dreg:$0xd]  }
0x3d: {  	[hbm:s7], [sflag:s11] =	dma.local [spmem:s9], $0x480  }
0x3e: {  	s9 =	sld [smem:$0x7FD];
	_ =	sdelay $0x1  }
0x3f: {  	s7 =	rddreg [dreg:$0xe]  }
0x40: {  	[hbm:s7], [sflag:s11] =	dma.local [spmem:s9], $0x438  }
0x41: {  	_ =	swait.ge [sflag:s29], $0x480  }
0x42: {  	[sflag:s29] =	ssyncset.done $0x0  }
0x43: {  	[sflag:s29] =	ssyncadd.s32 $0xFFFFFB80  }
0x44: {  	_ =	swait.ge [sflag:s29], $0x480  }
0x45: {  	[sflag:s29] =	ssyncset.done $0x0  }
0x46: {  	[sflag:s29] =	ssyncadd.s32 $0xFFFFFB80  }
0x47: {  	_ =	swait.ge [sflag:s29], $0x480  }
0x48: {  	[sflag:s29] =	ssyncset.done $0x0  }
0x49: {  	[sflag:s29] =	ssyncadd.s32 $0xFFFFFB80  }
0x4a: {  	_ =	swait.ge [sflag:s29], $0x480  }
0x4b: {  	[sflag:s29] =	ssyncset.done $0x0  }
0x4c: {  	[sflag:s29] =	ssyncadd.s32 $0xFFFFFB80  }
0x4d: {  	_ =	swait.ge [sflag:s29], $0x438  }
0x4e: {  	s7 =	sld [smem:$0x7F8];
	_ =	sdelay $0x2  }
0x4f: {  	s9 =	sadd.s32 $0x1, s7;
	s7 =	rddreg [dreg:$0x1a]  }
0x50: {  	p1 =	sne.s32 s9, s7  }
.Ltmp1:
0x51: {  	_ = 	snop;
	(pc) =	sbr.rel @!p1 .LBB2_9-.Ltmp1, $3  }
0x52: {  	_ =	sdelay $0x1  }
0x53: {  	[sflag:s29] =	ssyncset.done $0x0  }
0x54: {  	[sflag:s29] =	ssyncadd.s32 $0xFFFFFBC8  }
.LBB2_1:
0x55: {  	[smem:$0x7F8] =	sst s9  }
0x56: {  	s7 =	rddreg [dreg:$0x14]  }
0x57: {  	s9 =	sshrl.u32 s7, $0x3;
	s7 =	rddreg [dreg:$0x2]  }
0x58: {  	[smem:$0x7F9] =	sst s9  }
0x59: {  	[spmem:s9], [sflag:s11] =	dma.local [hbm:s7], $0x480  }
0x5a: {  	s9 =	rddreg [dreg:$0x16]  }
0x5b: {  	s9 =	sshrl.u32 s9, $0x3  }
0x5c: {  	[smem:$0x7FA] =	sst s9  }
0x5d: {  	[spmem:s9], [sflag:s11] =	dma.local [hbm:s7], $0x480  }
0x5e: {  	s9 =	rddreg [dreg:$0x17]  }
0x5f: {  	s9 =	sshrl.u32 s9, $0x3  }
0x60: {  	[smem:$0x7FB] =	sst s9  }
0x61: {  	[spmem:s9], [sflag:s11] =	dma.local [hbm:s7], $0x480  }
0x62: {  	s9 =	rddreg [dreg:$0x18]  }
0x63: {  	s9 =	sshrl.u32 s9, $0x3  }
0x64: {  	[smem:$0x7FC] =	sst s9  }
0x65: {  	[spmem:s9], [sflag:s11] =	dma.local [hbm:s7], $0x480  }
0x66: {  	s9 =	rddreg [dreg:$0x19]  }
0x67: {  	s9 =	sshrl.u32 s9, $0x3  }
0x68: {  	[smem:$0x7FD] =	sst s9  }
0x69: {  	[spmem:s9], [sflag:s11] =	dma.local [hbm:s7], $0x438  }
0x6a: {  	s7 =	rddreg [dreg:$0xf]  }
0x6b: {  	s9 =	rddreg [dreg:$0x1b]  }
0x6c: {  	[spmem:s9], [sflag:s11] =	dma.local [hbm:s7], $0x480  }
0x6d: {  	_ =	swait.ge [sflag:s29], $0x480  }
0x6e: {  	[sflag:s29] =	ssyncset.done $0x0;
	s7 =	rddreg [dreg:$0x10]  }
0x6f: {  	s9 =	rddreg [dreg:$0x1c];
	[sflag:s29] =	ssyncadd.s32 $0xFFFFFB80  }
0x70: {  	[spmem:s9], [sflag:s11] =	dma.local [hbm:s7], $0x480  }
0x71: {  	_ =	swait.ge [sflag:s29], $0x480  }
0x72: {  	[sflag:s29] =	ssyncset.done $0x0;
	s7 =	rddreg [dreg:$0x11]  }
0x73: {  	s9 =	rddreg [dreg:$0x1d];
	[sflag:s29] =	ssyncadd.s32 $0xFFFFFB80  }
0x74: {  	[spmem:s9], [sflag:s11] =	dma.local [hbm:s7], $0x480  }
0x75: {  	_ =	swait.ge [sflag:s29], $0x480  }
0x76: {  	[sflag:s29] =	ssyncset.done $0x0;
	s7 =	rddreg [dreg:$0x12]  }
0x77: {  	s9 =	rddreg [dreg:$0x1e];
	[sflag:s29] =	ssyncadd.s32 $0xFFFFFB80  }
0x78: {  	[spmem:s9], [sflag:s11] =	dma.local [hbm:s7], $0x480  }
0x79: {  	_ =	swait.ge [sflag:s29], $0x480  }
0x7a: {  	[sflag:s29] =	ssyncset.done $0x0;
	s7 =	rddreg [dreg:$0x13]  }
0x7b: {  	s9 =	rddreg [dreg:$0x1f];
	[sflag:s29] =	ssyncadd.s32 $0xFFFFFB80  }
0x7c: {  	[spmem:s9], [sflag:s11] =	dma.local [hbm:s7], $0x438  }
0x7d: {  	_ =	swait.ge [sflag:s29], $0x438  }
0x7e: {  	[sflag:s29] =	ssyncset.done $0x0  }
0x7f: {  	[sflag:s29] =	ssyncadd.s32 $0xFFFFFBC8  }
0x80: {  	_ =	swait.ge [sflag:s29], $0x480  }
0x81: {  	[sflag:s29] =	ssyncset.done $0x0  }
0x82: {  	[sflag:s29] =	ssyncadd.s32 $0xFFFFFB80  }
0x83: {  	_ =	swait.ge [sflag:s29], $0x480  }
0x84: {  	[sflag:s29] =	ssyncset.done $0x0  }
0x85: {  	[sflag:s29] =	ssyncadd.s32 $0xFFFFFB80  }
0x86: {  	_ =	swait.ge [sflag:s29], $0x480  }
0x87: {  	[sflag:s29] =	ssyncset.done $0x0  }
0x88: {  	[sflag:s29] =	ssyncadd.s32 $0xFFFFFB80  }
0x89: {  	_ =	swait.ge [sflag:s29], $0x480  }
0x8a: {  	[sflag:s29] =	ssyncset.done $0x0  }
0x8b: {  	[sflag:s29] =	ssyncadd.s32 $0xFFFFFB80  }
.Ltmp2:
0x8c: {  	_ =	swait.ge [sflag:s29], $0x438;
	(pc) =	sbr.rel @p0 .LBB2_5-.Ltmp2, $3  }
0x8d: {  	[sflag:s29] =	ssyncset.done $0x0  }
0x8e: {  	[sflag:s29] =	ssyncadd.s32 $0xFFFFFBC8  }
0x8f: {  	[bflag:$0x0] =	sbarrier.arrive $0xFFFF;
	_ =	sdelay $0x1  }
0x90: {  	s7 =	rddreg [dreg:$0x9]  }
0x91: {  	s7 =	sadd.s32 $0x0, s7  }
0x92: {  	[tilespmem:s30], [sflag:$0x3] =	stream.linear.gather [hbm4b:s7+s5], $0x500, $0x38;
	[tilespmem:$0x1FD80] =	vst v63  }
0x93: {  	_ =	swait.ge [sflag:s31], $0x500  }
0x94: {  	s9 =	rddreg [dreg:$0x8];
	[sflag:s31] =	ssyncset.done $0x0  }
0x95: {  	[sflag:s31] =	ssyncadd.s32 $0xFFFFFB00;
	s7 =	sadd.s32 $0x0, s9  }
0x96: {  	[tilespmem:s0], [sflag:$0x3] =	stream.linear.gather [hbm4b:s7+s5], $0x500, $0x38;
	[tilespmem:$0x1FD80] =	vst v63  }
0x97: {  	_ =	swait.ge [sflag:s31], $0x500  }
0x98: {  	[sflag:s31] =	ssyncset.done $0x0  }
0x99: {  	[sflag:s31] =	ssyncadd.s32 $0xFFFFFB00  }
0x9a: {  	[tilespmem:s6], [sflag:$0x1] =	stream.indirect.gather [spmem:s4], $0x48, s30, s3, $0xb8;
	[tilespmem:$0x1FD80] =	vst v63  }
0x9b: {  	s11 =	simm.s32 $0x16400  }
0x9c: {  	[tilespmem:s8], [sflag:$0x1] =	stream.indirect.gather [spmem:s4], $0x48, s11, s3, $0xb8;
	[tilespmem:$0x1FD80] =	vst v63  }
0x9d: {  	_ =	swait.ge [sflag:s29], $0x2400  }
0x9e: {  	[sflag:s29] =	ssyncset.done $0x0  }
0x9f: {  	[sflag:s29] =	ssyncadd.s32 $0xFFFFDC00  }
0xa0: {  	[spmem:s2] =	stream.indirect.scatter.add.f32 [tilespmem:s6], [sflag:$0x2], $0x48, s0, s3, $0xb8;
	[tilespmem:$0x1FD80] =	vst v63  }
0xa1: {  	s9 =	simm.s32 $0x16480  }
0xa2: {  	[tilespmem:s10], [sflag:$0x1] =	stream.indirect.gather [spmem:s4], $0x48, s9, s3, $0xb8;
	[tilespmem:$0x1FD80] =	vst v63  }
0xa3: {  	_ =	swait.ge [sflag:s29], $0x2400  }
0xa4: {  	[sflag:s29] =	ssyncset.done $0x0  }
0xa5: {  	s11 =	simm.s32 $0x16900;
	[sflag:s29] =	ssyncadd.s32 $0xFFFFDC00  }
0xa6: {  	[spmem:s2] =	stream.indirect.scatter.add.f32 [tilespmem:s8], [sflag:$0x2], $0x48, s11, s3, $0xb8;
	[tilespmem:$0x1FD80] =	vst v63  }
0xa7: {  	_ = 	snop  }
0xa8: {  	[tilespmem:s13], [sflag:$0x1] =	stream.indirect.gather [spmem:s4], $0x48, s12, s3, $0xb8;
	[tilespmem:$0x1FD80] =	vst v63  }
0xa9: {  	_ =	swait.ge [sflag:s29], $0x2400  }
0xaa: {  	[sflag:s29] =	ssyncset.done $0x0  }
0xab: {  	[sflag:s29] =	ssyncadd.s32 $0xFFFFDC00  }
0xac: {  	[spmem:s2] =	stream.indirect.scatter.add.f32 [tilespmem:s10], [sflag:$0x2], $0x48, s14, s3, $0xb8;
	[tilespmem:$0x1FD80] =	vst v63  }
0xad: {  	_ =	swait.ge [sflag:s15], $0x2400  }
0xae: {  	[sflag:s15] =	ssyncset.done $0x0  }
0xaf: {  	[sflag:s15] =	ssyncadd.s32 $0xFFFFDC00  }
0xb0: {  	[tilespmem:s6], [sflag:$0x1] =	stream.indirect.gather [spmem:s4], $0x48, s16, s3, $0xb8;
	[tilespmem:$0x1FD80] =	vst v63  }
0xb1: {  	_ =	swait.ge [sflag:s29], $0x2400  }
0xb2: {  	[sflag:s29] =	ssyncset.done $0x0  }
0xb3: {  	[sflag:s29] =	ssyncadd.s32 $0xFFFFDC00  }
0xb4: {  	[spmem:s2] =	stream.indirect.scatter.add.f32 [tilespmem:s13], [sflag:$0x2], $0x48, s18, s3, $0xb8;
	[tilespmem:$0x1FD80] =	vst v63  }
0xb5: {  	_ =	swait.ge [sflag:s15], $0x2400  }
0xb6: {  	[sflag:s15] =	ssyncset.done $0x0  }
0xb7: {  	[sflag:s15] =	ssyncadd.s32 $0xFFFFDC00  }
0xb8: {  	[tilespmem:s8], [sflag:$0x1] =	stream.indirect.gather [spmem:s4], $0x48, s19, s3, $0xb8;
	[tilespmem:$0x1FD80] =	vst v63  }
0xb9: {  	_ =	swait.ge [sflag:s29], $0x2400  }
0xba: {  	[sflag:s29] =	ssyncset.done $0x0  }
0xbb: {  	[sflag:s29] =	ssyncadd.s32 $0xFFFFDC00  }
0xbc: {  	[spmem:s2] =	stream.indirect.scatter.add.f32 [tilespmem:s6], [sflag:$0x2], $0x48, s20, s3, $0xb8;
	[tilespmem:$0x1FD80] =	vst v63  }
0xbd: {  	_ =	swait.ge [sflag:s15], $0x2400  }
0xbe: {  	[sflag:s15] =	ssyncset.done $0x0  }
0xbf: {  	[sflag:s15] =	ssyncadd.s32 $0xFFFFDC00  }
0xc0: {  	[tilespmem:s10], [sflag:$0x1] =	stream.indirect.gather [spmem:s4], $0x48, s21, s3, $0xb8;
	[tilespmem:$0x1FD80] =	vst v63  }
0xc1: {  	_ =	swait.ge [sflag:s29], $0x2400  }
0xc2: {  	[sflag:s29] =	ssyncset.done $0x0  }
0xc3: {  	[sflag:s29] =	ssyncadd.s32 $0xFFFFDC00  }
0xc4: {  	[spmem:s2] =	stream.indirect.scatter.add.f32 [tilespmem:s8], [sflag:$0x2], $0x48, s22, s3, $0xb8;
	[tilespmem:$0x1FD80] =	vst v63  }
0xc5: {  	_ =	swait.ge [sflag:s15], $0x2400  }
0xc6: {  	[sflag:s15] =	ssyncset.done $0x0  }
0xc7: {  	[sflag:s15] =	ssyncadd.s32 $0xFFFFDC00  }
0xc8: {  	[tilespmem:s13], [sflag:$0x1] =	stream.indirect.gather [spmem:s4], $0x48, s23, s3, $0xb8;
	[tilespmem:$0x1FD80] =	vst v63  }
0xc9: {  	_ =	swait.ge [sflag:s29], $0x2400  }
0xca: {  	[sflag:s29] =	ssyncset.done $0x0  }
0xcb: {  	[sflag:s29] =	ssyncadd.s32 $0xFFFFDC00  }
0xcc: {  	[spmem:s2] =	stream.indirect.scatter.add.f32 [tilespmem:s10], [sflag:$0x2], $0x48, s24, s3, $0xb8;
	[tilespmem:$0x1FD80] =	vst v63  }
0xcd: {  	_ =	swait.ge [sflag:s15], $0x2400  }
0xce: {  	[sflag:s15] =	ssyncset.done $0x0  }
0xcf: {  	[sflag:s15] =	ssyncadd.s32 $0xFFFFDC00  }
0xd0: {  	[tilespmem:s6], [sflag:$0x1] =	stream.indirect.gather [spmem:s4], $0x48, s25, s3, $0xb8;
	[tilespmem:$0x1FD80] =	vst v63  }
0xd1: {  	_ =	swait.ge [sflag:s29], $0x2400  }
0xd2: {  	[sflag:s29] =	ssyncset.done $0x0  }
0xd3: {  	[sflag:s29] =	ssyncadd.s32 $0xFFFFDC00  }
0xd4: {  	[spmem:s2] =	stream.indirect.scatter.add.f32 [tilespmem:s13], [sflag:$0x2], $0x48, s26, s3, $0xb8;
	[tilespmem:$0x1FD80] =	vst v63  }
0xd5: {  	_ =	swait.ge [sflag:s15], $0x2400  }
0xd6: {  	[sflag:s15] =	ssyncset.done $0x0  }
0xd7: {  	[sflag:s15] =	ssyncadd.s32 $0xFFFFDC00  }
0xd8: {  	[tilespmem:s8], [sflag:$0x1] =	stream.indirect.gather [spmem:s4], $0x48, s28, s3, $0xb8;
	[tilespmem:$0x1FD80] =	vst v63  }
0xd9: {  	_ =	swait.ge [sflag:s29], $0x2400  }
0xda: {  	[sflag:s29] =	ssyncset.done $0x0  }
0xdb: {  	[sflag:s29] =	ssyncadd.s32 $0xFFFFDC00  }
0xdc: {  	[spmem:s2] =	stream.indirect.scatter.add.f32 [tilespmem:s6], [sflag:$0x2], $0x48, s1, s3, $0xb8;
	[tilespmem:$0x1FD80] =	vst v63  }
0xdd: {  	_ =	swait.ge [sflag:s15], $0x2400  }
0xde: {  	[sflag:s15] =	ssyncset.done $0x0  }
0xdf: {  	[sflag:s15] =	ssyncadd.s32 $0xFFFFDC00  }
0xe0: {  	_ =	swait.ge [sflag:s29], $0x2400  }
0xe1: {  	[sflag:s29] =	ssyncset.done $0x0  }
0xe2: {  	[sflag:s29] =	ssyncadd.s32 $0xFFFFDC00  }
0xe3: {  	[spmem:s2] =	stream.indirect.scatter.add.f32 [tilespmem:s8], [sflag:$0x2], $0x48, s17, s3, $0xb8;
	[tilespmem:$0x1FD80] =	vst v63  }
0xe4: {  	_ =	swait.ge [sflag:s15], $0x2400  }
0xe5: {  	[sflag:s15] =	ssyncset.done $0x0  }
0xe6: {  	[sflag:s15] =	ssyncadd.s32 $0xFFFFDC00  }
0xe7: {  	_ =	swait.ge [sflag:s15], $0x2400  }
0xe8: {  	[sflag:s15] =	ssyncset.done $0x0  }
0xe9: {  	[sflag:s15] =	ssyncadd.s32 $0xFFFFDC00  }
0xea: {  	s7 =	simm.s32 $0xA0;
	_ =	swait.ge [sflag:s15], $0x2400  }
.LBB2_3:
0xeb: {  	s9 =	rddreg [dreg:$0x9];
	s11 =	smov.u32 s7;
	[sflag:s15] =	ssyncset.done $0x0  }
0xec: {  	s9 =	sadd.s32 s11, s9;
	[sflag:s15] =	ssyncadd.s32 $0xFFFFDC00  }
0xed: {  	[tilespmem:s30], [sflag:$0x3] =	stream.linear.gather [hbm4b:s9+s5], $0x500, $0x38;
	[tilespmem:$0x1FD80] =	vst v63  }
0xee: {  	_ =	swait.ge [sflag:s31], $0x500  }
0xef: {  	s9 =	rddreg [dreg:$0x8];
	[sflag:s31] =	ssyncset.done $0x0  }
0xf0: {  	[sflag:s31] =	ssyncadd.s32 $0xFFFFFB00;
	s9 =	sadd.s32 s11, s9  }
0xf1: {  	[tilespmem:s0], [sflag:$0x3] =	stream.linear.gather [hbm4b:s9+s5], $0x500, $0x38;
	[tilespmem:$0x1FD80] =	vst v63  }
0xf2: {  	_ =	swait.ge [sflag:s31], $0x500  }
0xf3: {  	[sflag:s31] =	ssyncset.done $0x0  }
0xf4: {  	[sflag:s31] =	ssyncadd.s32 $0xFFFFFB00  }
0xf5: {  	[tilespmem:s6], [sflag:$0x1] =	stream.indirect.gather [spmem:s4], $0x48, s30, s3, $0xb8;
	[tilespmem:$0x1FD80] =	vst v63  }
0xf6: {  	s11 =	simm.s32 $0x16400  }
0xf7: {  	[tilespmem:s8], [sflag:$0x1] =	stream.indirect.gather [spmem:s4], $0x48, s11, s3, $0xb8;
	[tilespmem:$0x1FD80] =	vst v63  }
0xf8: {  	_ =	swait.ge [sflag:s29], $0x2400  }
0xf9: {  	[sflag:s29] =	ssyncset.done $0x0  }
0xfa: {  	[sflag:s29] =	ssyncadd.s32 $0xFFFFDC00  }
0xfb: {  	[spmem:s2] =	stream.indirect.scatter.add.f32 [tilespmem:s6], [sflag:$0x2], $0x48, s0, s3, $0xb8;
	[tilespmem:$0x1FD80] =	vst v63  }
0xfc: {  	s11 =	simm.s32 $0x16480  }
0xfd: {  	[tilespmem:s10], [sflag:$0x1] =	stream.indirect.gather [spmem:s4], $0x48, s11, s3, $0xb8;
	[tilespmem:$0x1FD80] =	vst v63  }
0xfe: {  	_ =	swait.ge [sflag:s29], $0x2400  }
0xff: {  	[sflag:s29] =	ssyncset.done $0x0  }
0x100: {  	s11 =	simm.s32 $0x16900;
	[sflag:s29] =	ssyncadd.s32 $0xFFFFDC00  }
0x101: {  	[spmem:s2] =	stream.indirect.scatter.add.f32 [tilespmem:s8], [sflag:$0x2], $0x48, s11, s3, $0xb8;
	[tilespmem:$0x1FD80] =	vst v63  }
0x102: {  	_ = 	snop  }
0x103: {  	[tilespmem:s13], [sflag:$0x1] =	stream.indirect.gather [spmem:s4], $0x48, s12, s3, $0xb8;
	[tilespmem:$0x1FD80] =	vst v63  }
0x104: {  	_ =	swait.ge [sflag:s29], $0x2400  }
0x105: {  	[sflag:s29] =	ssyncset.done $0x0  }
0x106: {  	[sflag:s29] =	ssyncadd.s32 $0xFFFFDC00  }
0x107: {  	[spmem:s2] =	stream.indirect.scatter.add.f32 [tilespmem:s10], [sflag:$0x2], $0x48, s14, s3, $0xb8;
	[tilespmem:$0x1FD80] =	vst v63  }
0x108: {  	_ =	swait.ge [sflag:s15], $0x2400  }
0x109: {  	[sflag:s15] =	ssyncset.done $0x0  }
0x10a: {  	[sflag:s15] =	ssyncadd.s32 $0xFFFFDC00  }
0x10b: {  	[tilespmem:s6], [sflag:$0x1] =	stream.indirect.gather [spmem:s4], $0x48, s16, s3, $0xb8;
	[tilespmem:$0x1FD80] =	vst v63  }
0x10c: {  	_ =	swait.ge [sflag:s29], $0x2400  }
0x10d: {  	[sflag:s29] =	ssyncset.done $0x0  }
0x10e: {  	[sflag:s29] =	ssyncadd.s32 $0xFFFFDC00  }
0x10f: {  	[spmem:s2] =	stream.indirect.scatter.add.f32 [tilespmem:s13], [sflag:$0x2], $0x48, s18, s3, $0xb8;
	[tilespmem:$0x1FD80] =	vst v63  }
0x110: {  	_ =	swait.ge [sflag:s15], $0x2400  }
0x111: {  	[sflag:s15] =	ssyncset.done $0x0  }
0x112: {  	[sflag:s15] =	ssyncadd.s32 $0xFFFFDC00  }
0x113: {  	[tilespmem:s8], [sflag:$0x1] =	stream.indirect.gather [spmem:s4], $0x48, s19, s3, $0xb8;
	[tilespmem:$0x1FD80] =	vst v63  }
0x114: {  	_ =	swait.ge [sflag:s29], $0x2400  }
0x115: {  	[sflag:s29] =	ssyncset.done $0x0  }
0x116: {  	[sflag:s29] =	ssyncadd.s32 $0xFFFFDC00  }
0x117: {  	[spmem:s2] =	stream.indirect.scatter.add.f32 [tilespmem:s6], [sflag:$0x2], $0x48, s20, s3, $0xb8;
	[tilespmem:$0x1FD80] =	vst v63  }
0x118: {  	_ =	swait.ge [sflag:s15], $0x2400  }
0x119: {  	[sflag:s15] =	ssyncset.done $0x0  }
0x11a: {  	[sflag:s15] =	ssyncadd.s32 $0xFFFFDC00  }
0x11b: {  	[tilespmem:s10], [sflag:$0x1] =	stream.indirect.gather [spmem:s4], $0x48, s21, s3, $0xb8;
	[tilespmem:$0x1FD80] =	vst v63  }
0x11c: {  	_ =	swait.ge [sflag:s29], $0x2400  }
0x11d: {  	[sflag:s29] =	ssyncset.done $0x0  }
0x11e: {  	[sflag:s29] =	ssyncadd.s32 $0xFFFFDC00  }
0x11f: {  	[spmem:s2] =	stream.indirect.scatter.add.f32 [tilespmem:s8], [sflag:$0x2], $0x48, s22, s3, $0xb8;
	[tilespmem:$0x1FD80] =	vst v63  }
0x120: {  	_ =	swait.ge [sflag:s15], $0x2400  }
0x121: {  	[sflag:s15] =	ssyncset.done $0x0  }
0x122: {  	[sflag:s15] =	ssyncadd.s32 $0xFFFFDC00  }
0x123: {  	[tilespmem:s13], [sflag:$0x1] =	stream.indirect.gather [spmem:s4], $0x48, s23, s3, $0xb8;
	[tilespmem:$0x1FD80] =	vst v63  }
0x124: {  	_ =	swait.ge [sflag:s29], $0x2400  }
0x125: {  	[sflag:s29] =	ssyncset.done $0x0  }
0x126: {  	[sflag:s29] =	ssyncadd.s32 $0xFFFFDC00  }
0x127: {  	[spmem:s2] =	stream.indirect.scatter.add.f32 [tilespmem:s10], [sflag:$0x2], $0x48, s24, s3, $0xb8;
	[tilespmem:$0x1FD80] =	vst v63  }
0x128: {  	_ =	swait.ge [sflag:s15], $0x2400  }
0x129: {  	[sflag:s15] =	ssyncset.done $0x0  }
0x12a: {  	[sflag:s15] =	ssyncadd.s32 $0xFFFFDC00  }
0x12b: {  	[tilespmem:s6], [sflag:$0x1] =	stream.indirect.gather [spmem:s4], $0x48, s25, s3, $0xb8;
	[tilespmem:$0x1FD80] =	vst v63  }
0x12c: {  	_ =	swait.ge [sflag:s29], $0x2400  }
0x12d: {  	[sflag:s29] =	ssyncset.done $0x0  }
0x12e: {  	[sflag:s29] =	ssyncadd.s32 $0xFFFFDC00  }
0x12f: {  	[spmem:s2] =	stream.indirect.scatter.add.f32 [tilespmem:s13], [sflag:$0x2], $0x48, s26, s3, $0xb8;
	[tilespmem:$0x1FD80] =	vst v63  }
0x130: {  	_ =	swait.ge [sflag:s15], $0x2400  }
0x131: {  	[sflag:s15] =	ssyncset.done $0x0  }
0x132: {  	[sflag:s15] =	ssyncadd.s32 $0xFFFFDC00  }
0x133: {  	[tilespmem:s8], [sflag:$0x1] =	stream.indirect.gather [spmem:s4], $0x48, s28, s3, $0xb8;
	[tilespmem:$0x1FD80] =	vst v63  }
0x134: {  	_ =	swait.ge [sflag:s29], $0x2400  }
0x135: {  	[sflag:s29] =	ssyncset.done $0x0  }
0x136: {  	[sflag:s29] =	ssyncadd.s32 $0xFFFFDC00  }
0x137: {  	[spmem:s2] =	stream.indirect.scatter.add.f32 [tilespmem:s6], [sflag:$0x2], $0x48, s1, s3, $0xb8;
	[tilespmem:$0x1FD80] =	vst v63  }
0x138: {  	_ =	swait.ge [sflag:s15], $0x2400  }
0x139: {  	[sflag:s15] =	ssyncset.done $0x0  }
0x13a: {  	[sflag:s15] =	ssyncadd.s32 $0xFFFFDC00  }
0x13b: {  	_ =	swait.ge [sflag:s29], $0x2400  }
0x13c: {  	[sflag:s29] =	ssyncset.done $0x0  }
0x13d: {  	[sflag:s29] =	ssyncadd.s32 $0xFFFFDC00  }
0x13e: {  	[spmem:s2] =	stream.indirect.scatter.add.f32 [tilespmem:s8], [sflag:$0x2], $0x48, s17, s3, $0xb8;
	[tilespmem:$0x1FD80] =	vst v63  }
0x13f: {  	_ =	swait.ge [sflag:s15], $0x2400  }
0x140: {  	p1 =	seq.s32 s7, $0x460;
	[sflag:s15] =	ssyncset.done $0x0  }
.Ltmp3:
0x141: {  	[sflag:s15] =	ssyncadd.s32 $0xFFFFDC00;
	(pc) =	sbr.rel @!p1 .LBB2_3-.Ltmp3, $4  }
0x142: {  	_ =	swait.ge [sflag:s15], $0x2400  }
0x143: {  	[sflag:s15] =	ssyncset.done $0x0  }
0x144: {  	[sflag:s15] =	ssyncadd.s32 $0xFFFFDC00  }
0x145: {  	s7 =	sadd.s32 $0xA0, s7;
	_ =	swait.ge [sflag:s15], $0x2400  }
.Ltmp4:
0x146: {  	(pc) =	sbr.rel .LBB2_8-.Ltmp4, $3  }
0x147: {  	_ =	sdelay $0x1  }
0x148: {  	[sflag:s15] =	ssyncset.done $0x0  }
0x149: {  	[sflag:s15] =	ssyncadd.s32 $0xFFFFDC00  }
.LBB2_5:
0x14a: {  	s7 =	rddreg [dreg:$0x7]  }
0x14b: {  	s7 =	sadd.s32 $0x0, s7  }
0x14c: {  	[tilespmem:s30], [sflag:$0x3] =	stream.linear.gather [hbm4b:s7+s5], $0x500, $0x38;
	[tilespmem:$0x1FD80] =	vst v63  }
0x14d: {  	_ =	swait.ge [sflag:s31], $0x500  }
0x14e: {  	s9 =	rddreg [dreg:$0x6];
	[sflag:s31] =	ssyncset.done $0x0  }
0x14f: {  	[sflag:s31] =	ssyncadd.s32 $0xFFFFFB00;
	s7 =	sadd.s32 $0x0, s9  }
0x150: {  	[tilespmem:s0], [sflag:$0x3] =	stream.linear.gather [hbm4b:s7+s5], $0x500, $0x38;
	[tilespmem:$0x1FD80] =	vst v63  }
0x151: {  	_ =	swait.ge [sflag:s31], $0x500  }
0x152: {  	[sflag:s31] =	ssyncset.done $0x0  }
0x153: {  	[sflag:s31] =	ssyncadd.s32 $0xFFFFFB00  }
0x154: {  	[tilespmem:s6], [sflag:$0x1] =	stream.indirect.gather [spmem:s4], $0x48, s30, s3, $0xb8;
	[tilespmem:$0x1FD80] =	vst v63  }
0x155: {  	s11 =	simm.s32 $0x16400  }
0x156: {  	[tilespmem:s8], [sflag:$0x1] =	stream.indirect.gather [spmem:s4], $0x48, s11, s3, $0xb8;
	[tilespmem:$0x1FD80] =	vst v63  }
0x157: {  	_ =	swait.ge [sflag:s29], $0x2400  }
0x158: {  	[sflag:s29] =	ssyncset.done $0x0  }
0x159: {  	[sflag:s29] =	ssyncadd.s32 $0xFFFFDC00  }
0x15a: {  	[spmem:s2] =	stream.indirect.scatter.add.f32 [tilespmem:s6], [sflag:$0x2], $0x48, s0, s3, $0xb8;
	[tilespmem:$0x1FD80] =	vst v63  }
0x15b: {  	s9 =	simm.s32 $0x16480  }
0x15c: {  	[tilespmem:s10], [sflag:$0x1] =	stream.indirect.gather [spmem:s4], $0x48, s9, s3, $0xb8;
	[tilespmem:$0x1FD80] =	vst v63  }
0x15d: {  	_ =	swait.ge [sflag:s29], $0x2400  }
0x15e: {  	[sflag:s29] =	ssyncset.done $0x0  }
0x15f: {  	s11 =	simm.s32 $0x16900;
	[sflag:s29] =	ssyncadd.s32 $0xFFFFDC00  }
0x160: {  	[spmem:s2] =	stream.indirect.scatter.add.f32 [tilespmem:s8], [sflag:$0x2], $0x48, s11, s3, $0xb8;
	[tilespmem:$0x1FD80] =	vst v63  }
0x161: {  	_ = 	snop  }
0x162: {  	[tilespmem:s13], [sflag:$0x1] =	stream.indirect.gather [spmem:s4], $0x48, s12, s3, $0xb8;
	[tilespmem:$0x1FD80] =	vst v63  }
0x163: {  	_ =	swait.ge [sflag:s29], $0x2400  }
0x164: {  	[sflag:s29] =	ssyncset.done $0x0  }
0x165: {  	[sflag:s29] =	ssyncadd.s32 $0xFFFFDC00  }
0x166: {  	[spmem:s2] =	stream.indirect.scatter.add.f32 [tilespmem:s10], [sflag:$0x2], $0x48, s14, s3, $0xb8;
	[tilespmem:$0x1FD80] =	vst v63  }
0x167: {  	_ =	swait.ge [sflag:s15], $0x2400  }
0x168: {  	[sflag:s15] =	ssyncset.done $0x0  }
0x169: {  	[sflag:s15] =	ssyncadd.s32 $0xFFFFDC00  }
0x16a: {  	[tilespmem:s6], [sflag:$0x1] =	stream.indirect.gather [spmem:s4], $0x48, s16, s3, $0xb8;
	[tilespmem:$0x1FD80] =	vst v63  }
0x16b: {  	_ =	swait.ge [sflag:s29], $0x2400  }
0x16c: {  	[sflag:s29] =	ssyncset.done $0x0  }
0x16d: {  	[sflag:s29] =	ssyncadd.s32 $0xFFFFDC00  }
0x16e: {  	[spmem:s2] =	stream.indirect.scatter.add.f32 [tilespmem:s13], [sflag:$0x2], $0x48, s18, s3, $0xb8;
	[tilespmem:$0x1FD80] =	vst v63  }
0x16f: {  	_ =	swait.ge [sflag:s15], $0x2400  }
0x170: {  	[sflag:s15] =	ssyncset.done $0x0  }
0x171: {  	[sflag:s15] =	ssyncadd.s32 $0xFFFFDC00  }
0x172: {  	[tilespmem:s8], [sflag:$0x1] =	stream.indirect.gather [spmem:s4], $0x48, s19, s3, $0xb8;
	[tilespmem:$0x1FD80] =	vst v63  }
0x173: {  	_ =	swait.ge [sflag:s29], $0x2400  }
0x174: {  	[sflag:s29] =	ssyncset.done $0x0  }
0x175: {  	[sflag:s29] =	ssyncadd.s32 $0xFFFFDC00  }
0x176: {  	[spmem:s2] =	stream.indirect.scatter.add.f32 [tilespmem:s6], [sflag:$0x2], $0x48, s20, s3, $0xb8;
	[tilespmem:$0x1FD80] =	vst v63  }
0x177: {  	_ =	swait.ge [sflag:s15], $0x2400  }
0x178: {  	[sflag:s15] =	ssyncset.done $0x0  }
0x179: {  	[sflag:s15] =	ssyncadd.s32 $0xFFFFDC00  }
0x17a: {  	[tilespmem:s10], [sflag:$0x1] =	stream.indirect.gather [spmem:s4], $0x48, s21, s3, $0xb8;
	[tilespmem:$0x1FD80] =	vst v63  }
0x17b: {  	_ =	swait.ge [sflag:s29], $0x2400  }
0x17c: {  	[sflag:s29] =	ssyncset.done $0x0  }
0x17d: {  	[sflag:s29] =	ssyncadd.s32 $0xFFFFDC00  }
0x17e: {  	[spmem:s2] =	stream.indirect.scatter.add.f32 [tilespmem:s8], [sflag:$0x2], $0x48, s22, s3, $0xb8;
	[tilespmem:$0x1FD80] =	vst v63  }
0x17f: {  	_ =	swait.ge [sflag:s15], $0x2400  }
0x180: {  	[sflag:s15] =	ssyncset.done $0x0  }
0x181: {  	[sflag:s15] =	ssyncadd.s32 $0xFFFFDC00  }
0x182: {  	[tilespmem:s13], [sflag:$0x1] =	stream.indirect.gather [spmem:s4], $0x48, s23, s3, $0xb8;
	[tilespmem:$0x1FD80] =	vst v63  }
0x183: {  	_ =	swait.ge [sflag:s29], $0x2400  }
0x184: {  	[sflag:s29] =	ssyncset.done $0x0  }
0x185: {  	[sflag:s29] =	ssyncadd.s32 $0xFFFFDC00  }
0x186: {  	[spmem:s2] =	stream.indirect.scatter.add.f32 [tilespmem:s10], [sflag:$0x2], $0x48, s24, s3, $0xb8;
	[tilespmem:$0x1FD80] =	vst v63  }
0x187: {  	_ =	swait.ge [sflag:s15], $0x2400  }
0x188: {  	[sflag:s15] =	ssyncset.done $0x0  }
0x189: {  	[sflag:s15] =	ssyncadd.s32 $0xFFFFDC00  }
0x18a: {  	[tilespmem:s6], [sflag:$0x1] =	stream.indirect.gather [spmem:s4], $0x48, s25, s3, $0xb8;
	[tilespmem:$0x1FD80] =	vst v63  }
0x18b: {  	_ =	swait.ge [sflag:s29], $0x2400  }
0x18c: {  	[sflag:s29] =	ssyncset.done $0x0  }
0x18d: {  	[sflag:s29] =	ssyncadd.s32 $0xFFFFDC00  }
0x18e: {  	[spmem:s2] =	stream.indirect.scatter.add.f32 [tilespmem:s13], [sflag:$0x2], $0x48, s26, s3, $0xb8;
	[tilespmem:$0x1FD80] =	vst v63  }
0x18f: {  	_ =	swait.ge [sflag:s15], $0x2400  }
0x190: {  	[sflag:s15] =	ssyncset.done $0x0  }
0x191: {  	[sflag:s15] =	ssyncadd.s32 $0xFFFFDC00  }
0x192: {  	[tilespmem:s8], [sflag:$0x1] =	stream.indirect.gather [spmem:s4], $0x48, s28, s3, $0xb8;
	[tilespmem:$0x1FD80] =	vst v63  }
0x193: {  	_ =	swait.ge [sflag:s29], $0x2400  }
0x194: {  	[sflag:s29] =	ssyncset.done $0x0  }
0x195: {  	[sflag:s29] =	ssyncadd.s32 $0xFFFFDC00  }
0x196: {  	[spmem:s2] =	stream.indirect.scatter.add.f32 [tilespmem:s6], [sflag:$0x2], $0x48, s1, s3, $0xb8;
	[tilespmem:$0x1FD80] =	vst v63  }
0x197: {  	_ =	swait.ge [sflag:s15], $0x2400  }
0x198: {  	[sflag:s15] =	ssyncset.done $0x0  }
0x199: {  	[sflag:s15] =	ssyncadd.s32 $0xFFFFDC00  }
0x19a: {  	_ =	swait.ge [sflag:s29], $0x2400  }
0x19b: {  	[sflag:s29] =	ssyncset.done $0x0  }
0x19c: {  	[sflag:s29] =	ssyncadd.s32 $0xFFFFDC00  }
0x19d: {  	[spmem:s2] =	stream.indirect.scatter.add.f32 [tilespmem:s8], [sflag:$0x2], $0x48, s17, s3, $0xb8;
	[tilespmem:$0x1FD80] =	vst v63  }
0x19e: {  	_ =	swait.ge [sflag:s15], $0x2400  }
0x19f: {  	[sflag:s15] =	ssyncset.done $0x0  }
0x1a0: {  	[sflag:s15] =	ssyncadd.s32 $0xFFFFDC00  }
0x1a1: {  	_ =	swait.ge [sflag:s15], $0x2400  }
0x1a2: {  	[sflag:s15] =	ssyncset.done $0x0  }
0x1a3: {  	[sflag:s15] =	ssyncadd.s32 $0xFFFFDC00  }
0x1a4: {  	s7 =	simm.s32 $0xA0;
	_ =	swait.ge [sflag:s15], $0x2400  }
.LBB2_6:
0x1a5: {  	s9 =	rddreg [dreg:$0x7];
	s11 =	smov.u32 s7;
	[sflag:s15] =	ssyncset.done $0x0  }
0x1a6: {  	s9 =	sadd.s32 s11, s9;
	[sflag:s15] =	ssyncadd.s32 $0xFFFFDC00  }
0x1a7: {  	[tilespmem:s30], [sflag:$0x3] =	stream.linear.gather [hbm4b:s9+s5], $0x500, $0x38;
	[tilespmem:$0x1FD80] =	vst v63  }
0x1a8: {  	_ =	swait.ge [sflag:s31], $0x500  }
0x1a9: {  	s9 =	rddreg [dreg:$0x6];
	[sflag:s31] =	ssyncset.done $0x0  }
0x1aa: {  	[sflag:s31] =	ssyncadd.s32 $0xFFFFFB00;
	s9 =	sadd.s32 s11, s9  }
0x1ab: {  	[tilespmem:s0], [sflag:$0x3] =	stream.linear.gather [hbm4b:s9+s5], $0x500, $0x38;
	[tilespmem:$0x1FD80] =	vst v63  }
0x1ac: {  	_ =	swait.ge [sflag:s31], $0x500  }
0x1ad: {  	[sflag:s31] =	ssyncset.done $0x0  }
0x1ae: {  	[sflag:s31] =	ssyncadd.s32 $0xFFFFFB00  }
0x1af: {  	[tilespmem:s6], [sflag:$0x1] =	stream.indirect.gather [spmem:s4], $0x48, s30, s3, $0xb8;
	[tilespmem:$0x1FD80] =	vst v63  }
0x1b0: {  	s11 =	simm.s32 $0x16400  }
0x1b1: {  	[tilespmem:s8], [sflag:$0x1] =	stream.indirect.gather [spmem:s4], $0x48, s11, s3, $0xb8;
	[tilespmem:$0x1FD80] =	vst v63  }
0x1b2: {  	_ =	swait.ge [sflag:s29], $0x2400  }
0x1b3: {  	[sflag:s29] =	ssyncset.done $0x0  }
0x1b4: {  	[sflag:s29] =	ssyncadd.s32 $0xFFFFDC00  }
0x1b5: {  	[spmem:s2] =	stream.indirect.scatter.add.f32 [tilespmem:s6], [sflag:$0x2], $0x48, s0, s3, $0xb8;
	[tilespmem:$0x1FD80] =	vst v63  }
0x1b6: {  	s11 =	simm.s32 $0x16480  }
0x1b7: {  	[tilespmem:s10], [sflag:$0x1] =	stream.indirect.gather [spmem:s4], $0x48, s11, s3, $0xb8;
	[tilespmem:$0x1FD80] =	vst v63  }
0x1b8: {  	_ =	swait.ge [sflag:s29], $0x2400  }
0x1b9: {  	[sflag:s29] =	ssyncset.done $0x0  }
0x1ba: {  	s11 =	simm.s32 $0x16900;
	[sflag:s29] =	ssyncadd.s32 $0xFFFFDC00  }
0x1bb: {  	[spmem:s2] =	stream.indirect.scatter.add.f32 [tilespmem:s8], [sflag:$0x2], $0x48, s11, s3, $0xb8;
	[tilespmem:$0x1FD80] =	vst v63  }
0x1bc: {  	_ = 	snop  }
0x1bd: {  	[tilespmem:s13], [sflag:$0x1] =	stream.indirect.gather [spmem:s4], $0x48, s12, s3, $0xb8;
	[tilespmem:$0x1FD80] =	vst v63  }
0x1be: {  	_ =	swait.ge [sflag:s29], $0x2400  }
0x1bf: {  	[sflag:s29] =	ssyncset.done $0x0  }
0x1c0: {  	[sflag:s29] =	ssyncadd.s32 $0xFFFFDC00  }
0x1c1: {  	[spmem:s2] =	stream.indirect.scatter.add.f32 [tilespmem:s10], [sflag:$0x2], $0x48, s14, s3, $0xb8;
	[tilespmem:$0x1FD80] =	vst v63  }
0x1c2: {  	_ =	swait.ge [sflag:s15], $0x2400  }
0x1c3: {  	[sflag:s15] =	ssyncset.done $0x0  }
0x1c4: {  	[sflag:s15] =	ssyncadd.s32 $0xFFFFDC00  }
0x1c5: {  	[tilespmem:s6], [sflag:$0x1] =	stream.indirect.gather [spmem:s4], $0x48, s16, s3, $0xb8;
	[tilespmem:$0x1FD80] =	vst v63  }
0x1c6: {  	_ =	swait.ge [sflag:s29], $0x2400  }
0x1c7: {  	[sflag:s29] =	ssyncset.done $0x0  }
0x1c8: {  	[sflag:s29] =	ssyncadd.s32 $0xFFFFDC00  }
0x1c9: {  	[spmem:s2] =	stream.indirect.scatter.add.f32 [tilespmem:s13], [sflag:$0x2], $0x48, s18, s3, $0xb8;
	[tilespmem:$0x1FD80] =	vst v63  }
0x1ca: {  	_ =	swait.ge [sflag:s15], $0x2400  }
0x1cb: {  	[sflag:s15] =	ssyncset.done $0x0  }
0x1cc: {  	[sflag:s15] =	ssyncadd.s32 $0xFFFFDC00  }
0x1cd: {  	[tilespmem:s8], [sflag:$0x1] =	stream.indirect.gather [spmem:s4], $0x48, s19, s3, $0xb8;
	[tilespmem:$0x1FD80] =	vst v63  }
0x1ce: {  	_ =	swait.ge [sflag:s29], $0x2400  }
0x1cf: {  	[sflag:s29] =	ssyncset.done $0x0  }
0x1d0: {  	[sflag:s29] =	ssyncadd.s32 $0xFFFFDC00  }
0x1d1: {  	[spmem:s2] =	stream.indirect.scatter.add.f32 [tilespmem:s6], [sflag:$0x2], $0x48, s20, s3, $0xb8;
	[tilespmem:$0x1FD80] =	vst v63  }
0x1d2: {  	_ =	swait.ge [sflag:s15], $0x2400  }
0x1d3: {  	[sflag:s15] =	ssyncset.done $0x0  }
0x1d4: {  	[sflag:s15] =	ssyncadd.s32 $0xFFFFDC00  }
0x1d5: {  	[tilespmem:s10], [sflag:$0x1] =	stream.indirect.gather [spmem:s4], $0x48, s21, s3, $0xb8;
	[tilespmem:$0x1FD80] =	vst v63  }
0x1d6: {  	_ =	swait.ge [sflag:s29], $0x2400  }
0x1d7: {  	[sflag:s29] =	ssyncset.done $0x0  }
0x1d8: {  	[sflag:s29] =	ssyncadd.s32 $0xFFFFDC00  }
0x1d9: {  	[spmem:s2] =	stream.indirect.scatter.add.f32 [tilespmem:s8], [sflag:$0x2], $0x48, s22, s3, $0xb8;
	[tilespmem:$0x1FD80] =	vst v63  }
0x1da: {  	_ =	swait.ge [sflag:s15], $0x2400  }
0x1db: {  	[sflag:s15] =	ssyncset.done $0x0  }
0x1dc: {  	[sflag:s15] =	ssyncadd.s32 $0xFFFFDC00  }
0x1dd: {  	[tilespmem:s13], [sflag:$0x1] =	stream.indirect.gather [spmem:s4], $0x48, s23, s3, $0xb8;
	[tilespmem:$0x1FD80] =	vst v63  }
0x1de: {  	_ =	swait.ge [sflag:s29], $0x2400  }
0x1df: {  	[sflag:s29] =	ssyncset.done $0x0  }
0x1e0: {  	[sflag:s29] =	ssyncadd.s32 $0xFFFFDC00  }
0x1e1: {  	[spmem:s2] =	stream.indirect.scatter.add.f32 [tilespmem:s10], [sflag:$0x2], $0x48, s24, s3, $0xb8;
	[tilespmem:$0x1FD80] =	vst v63  }
0x1e2: {  	_ =	swait.ge [sflag:s15], $0x2400  }
0x1e3: {  	[sflag:s15] =	ssyncset.done $0x0  }
0x1e4: {  	[sflag:s15] =	ssyncadd.s32 $0xFFFFDC00  }
0x1e5: {  	[tilespmem:s6], [sflag:$0x1] =	stream.indirect.gather [spmem:s4], $0x48, s25, s3, $0xb8;
	[tilespmem:$0x1FD80] =	vst v63  }
0x1e6: {  	_ =	swait.ge [sflag:s29], $0x2400  }
0x1e7: {  	[sflag:s29] =	ssyncset.done $0x0  }
0x1e8: {  	[sflag:s29] =	ssyncadd.s32 $0xFFFFDC00  }
0x1e9: {  	[spmem:s2] =	stream.indirect.scatter.add.f32 [tilespmem:s13], [sflag:$0x2], $0x48, s26, s3, $0xb8;
	[tilespmem:$0x1FD80] =	vst v63  }
0x1ea: {  	_ =	swait.ge [sflag:s15], $0x2400  }
0x1eb: {  	[sflag:s15] =	ssyncset.done $0x0  }
0x1ec: {  	[sflag:s15] =	ssyncadd.s32 $0xFFFFDC00  }
0x1ed: {  	[tilespmem:s8], [sflag:$0x1] =	stream.indirect.gather [spmem:s4], $0x48, s28, s3, $0xb8;
	[tilespmem:$0x1FD80] =	vst v63  }
0x1ee: {  	_ =	swait.ge [sflag:s29], $0x2400  }
0x1ef: {  	[sflag:s29] =	ssyncset.done $0x0  }
0x1f0: {  	[sflag:s29] =	ssyncadd.s32 $0xFFFFDC00  }
0x1f1: {  	[spmem:s2] =	stream.indirect.scatter.add.f32 [tilespmem:s6], [sflag:$0x2], $0x48, s1, s3, $0xb8;
	[tilespmem:$0x1FD80] =	vst v63  }
0x1f2: {  	_ =	swait.ge [sflag:s15], $0x2400  }
0x1f3: {  	[sflag:s15] =	ssyncset.done $0x0  }
0x1f4: {  	[sflag:s15] =	ssyncadd.s32 $0xFFFFDC00  }
0x1f5: {  	_ =	swait.ge [sflag:s29], $0x2400  }
0x1f6: {  	[sflag:s29] =	ssyncset.done $0x0  }
0x1f7: {  	[sflag:s29] =	ssyncadd.s32 $0xFFFFDC00  }
0x1f8: {  	[spmem:s2] =	stream.indirect.scatter.add.f32 [tilespmem:s8], [sflag:$0x2], $0x48, s17, s3, $0xb8;
	[tilespmem:$0x1FD80] =	vst v63  }
0x1f9: {  	_ =	swait.ge [sflag:s15], $0x2400  }
0x1fa: {  	p1 =	sne.s32 s7, $0x460;
	[sflag:s15] =	ssyncset.done $0x0  }
.Ltmp5:
0x1fb: {  	[sflag:s15] =	ssyncadd.s32 $0xFFFFDC00;
	(pc) =	sbr.rel @p1 .LBB2_6-.Ltmp5, $4  }
0x1fc: {  	_ =	swait.ge [sflag:s15], $0x2400  }
0x1fd: {  	[sflag:s15] =	ssyncset.done $0x0  }
0x1fe: {  	[sflag:s15] =	ssyncadd.s32 $0xFFFFDC00  }
0x1ff: {  	s7 =	sadd.s32 $0xA0, s7;
	_ =	swait.ge [sflag:s15], $0x2400  }
.Ltmp6:
0x200: {  	_ = 	snop;
	(pc) =	sbr.rel .LBB2_7-.Ltmp6, $1  }
0x201: {  	_ =	sdelay $0x3  }
.LBB2_9:
0x202: {  	_ =	sfence.sel $0x180000  }
0x203: {  	[bflag:$0x0] =	sbarrier.arrive $0xFFFF  }
0x204: {  	_ =	strace $0x90000047  }
0x205: {  	s0 =	stileid.u32;
	[bflag:$0x2] =	sbarrier.arrive $0xFFFF  }
0x206: {  	p0 =	sne.s32 s0, $0x0;
	s0 =	rddreg [dreg:$0x5]  }
0x207: {  	s0 =	sadd.s32 @!p0 $0x100000, s0  }
0x208: {  	[sflag:s0] =	ssyncadd.tile.s32 @!p0 $0x1;
	_ =	shalt  }
.Lfunc_end2:
_tile_overlayer_lowered:
.L_overlay_start_2:
0x209: {  	(tag) =	ssettag $0x2  }
0x20a: {  	s0 =	rddreg [dreg:$0x0];
	s2 =	stileid.u32  }
0x20b: {  	s1 =	rddreg [dreg:$0x1];
	p0 =	sne.s32 s2, $0x0  }
0x20c: {  	s3 =	rddreg [dreg:$0x2];
	[bflag:$0x3] =	sbarrier.arrive $0xFFFF;
	s2 =	simm.s32 @!p0 $0x1C03  }
0x20d: {  	[timem:s3], [sflag:s2] =	dma.local @!p0 [hbm:s0], s1  }
0x20e: {  	s0 =	simm.s32 @!p0 $0x3  }
0x20f: {  	_ =	swait.ge @!p0 [sflag:s0], s1  }
0x210: {  	s1 =	ssub.s32 @!p0 $0x0, s1;
	[sflag:s0] =	ssyncset.done @!p0 $0x0  }
0x211: {  	[sflag:s0] =	ssyncadd.s32 @!p0 s1  }
0x212: {  	[bflag:$0x3] =	sbarrier.arrive $0xFFFF  }
0x213: {  	_ =	shalt  }

</sc_bundles>
